<compile_context>
chip_gen: v7x
topology: tpu7x:2x2x1
jax: 0.10.2.dev20260603
libtpu: 0.0.44.dev20260713+nightly
codegen_flags: <defaults>
</compile_context>

<pallas_src>
import jax
import jax.numpy as jnp
from jax import lax
from jax.experimental import pallas as pl
from jax.experimental.pallas import tpu as pltpu
from jax.experimental.pallas import tpu_sc as plsc

EMB = 32
BATCH = 16384
NC = 2
NS = 16
L = 16
NW = NC * NS
BPW = BATCH // NW
CH = 128
NCH = BPW // CH
GPC = CH // L


def _body(uid_hbm, aid_hbm, uw_hbm, aw_hbm, out_hbm,
          uidx_v, aidx_v, ub0, ab0, ub1, ab1, scores_v, sem0, sem1):
    wid = lax.axis_index("s") * NC + lax.axis_index("c")
    base = wid * BPW

    pltpu.sync_copy(uid_hbm.at[pl.ds(base, BPW)], uidx_v)
    pltpu.sync_copy(aid_hbm.at[pl.ds(base, BPW)], aidx_v)

    bufs = [(ub0, ab0, sem0), (ub1, ab1, sem1)]

    def fire(c):
        ub, ab, sem = bufs[c % 2]
        s = pl.ds(c * CH, CH)
        cu = pltpu.async_copy(uw_hbm.at[uidx_v.at[s]], ub, sem)
        ca = pltpu.async_copy(aw_hbm.at[aidx_v.at[s]], ab, sem)
        return cu, ca

    lanes = lax.iota(jnp.int32, L)

    def compute(c):
        ub, ab, _ = bufs[c % 2]

        def group(g, carry):
            rows = lanes + g * L
            acc = jnp.zeros((L,), jnp.float32)
            for j in range(EMB):
                col = jnp.full((L,), j, jnp.int32)
                u = plsc.load_gather(ub, [rows, col])
                a = plsc.load_gather(ab, [rows, col])
                acc = acc + u * a
            scores_v[pl.ds(c * CH + g * L, L)] = acc
            return carry

        lax.fori_loop(0, GPC, group, 0)

    pending = {0: fire(0)}
    for c in range(NCH):
        if c + 1 < NCH:
            pending[c + 1] = fire(c + 1)
        for cp in pending.pop(c):
            cp.wait()
        compute(c)

    pltpu.sync_copy(scores_v, out_hbm.at[pl.ds(base, BPW)])


@jax.jit
def kernel(user_ids, anime_ids, user_emb_w, anime_emb_w):
    mesh = plsc.VectorSubcoreMesh(core_axis_name="c", subcore_axis_name="s")
    run = pl.kernel(
        _body,
        out_type=jax.ShapeDtypeStruct((BATCH,), jnp.float32),
        mesh=mesh,
        compiler_params=pltpu.CompilerParams(
            needs_layout_passes=False, use_tc_tiling_on_sc=False),
        scratch_types=[
            pltpu.VMEM((BPW,), jnp.int32),
            pltpu.VMEM((BPW,), jnp.int32),
            pltpu.VMEM((CH, EMB), jnp.float32),
            pltpu.VMEM((CH, EMB), jnp.float32),
            pltpu.VMEM((CH, EMB), jnp.float32),
            pltpu.VMEM((CH, EMB), jnp.float32),
            pltpu.VMEM((BPW,), jnp.float32),
            pltpu.SemaphoreType.DMA,
            pltpu.SemaphoreType.DMA,
        ],
    )
    return run(user_ids, anime_ids, user_emb_w, anime_emb_w)

# --- scband reference (transcript-rebuilt; emitter-appended) ---
"""Pipeline reference for scband-emb-only-collab-fnet-27522150433457 (READ-ONLY COPY).

The authoritative reference and input builder live on the scoring server;
editing this copy changes nothing except your own understanding.
"""

import jax, jax.numpy as jnp
import numpy as np

NUM_USERS = 1000000
NUM_ANIMES = 100000
EMB = 32
BATCH = 16384

def _xavier_uniform(key, shape):
    fan_in, fan_out = shape[1], shape[0]
    limit = jnp.sqrt(6.0 / (fan_in + fan_out))
    return jax.random.uniform(key, shape, dtype=jnp.float32, minval=-limit, maxval=limit)

def setup_inputs(seed: int = 0) -> dict:
    key = jax.random.key(seed)
    k1, k2, k3, k4 = jax.random.split(key, 4)
    user_ids = jax.random.randint(k1, (BATCH,), 0, NUM_USERS, dtype=jnp.int64 if jax.config.jax_enable_x64 else jnp.int32)
    anime_ids = jax.random.randint(k2, (BATCH,), 0, NUM_ANIMES, dtype=jnp.int64 if jax.config.jax_enable_x64 else jnp.int32)
    user_emb_w = _xavier_uniform(k3, (NUM_USERS, EMB))
    anime_emb_w = _xavier_uniform(k4, (NUM_ANIMES, EMB))
    return {"user_ids": user_ids, "anime_ids": anime_ids, "user_emb_w": user_emb_w, "anime_emb_w": anime_emb_w}

def reference(user_ids, anime_ids, user_emb_w, anime_emb_w):
    u = jnp.take(user_emb_w, user_ids, axis=0)
    a = jnp.take(anime_emb_w, anime_ids, axis=0)
    scores = (u * a).sum(axis=1)
    return scores

if __name__ == "__main__":
    import jax
    _d = setup_inputs()
    print(jax.jit(kernel)(*tuple(_d.values())))

</pallas_src>

<mosaic_0001>
#map = affine_map<(d0, d1) -> (0)>
#map1 = affine_map<(d0, d1) -> (0, 0)>
module attributes {stable_mosaic.version = 14 : i64} {
  func.func @_body(%arg0: i32, %arg1: i32, %arg2: memref<16384xi32, #tpu.memory_space<hbm>>, %arg3: memref<16384xi32, #tpu.memory_space<hbm>>, %arg4: memref<1000000x32xf32, #tpu.memory_space<hbm>>, %arg5: memref<100000x32xf32, #tpu.memory_space<hbm>>, %arg6: memref<16384xf32, #tpu.memory_space<hbm>>, %arg7: memref<512xi32, #tpu.memory_space<vmem>>, %arg8: memref<512xi32, #tpu.memory_space<vmem>>, %arg9: memref<128x32xf32, #tpu.memory_space<vmem>>, %arg10: memref<128x32xf32, #tpu.memory_space<vmem>>, %arg11: memref<128x32xf32, #tpu.memory_space<vmem>>, %arg12: memref<128x32xf32, #tpu.memory_space<vmem>>, %arg13: memref<512xf32, #tpu.memory_space<vmem>>, %arg14: memref<!tpu.dma_semaphore, #tpu.memory_space<semaphore_mem>>, %arg15: memref<!tpu.dma_semaphore, #tpu.memory_space<semaphore_mem>>) attributes {dimension_semantics = [#tpu.dimension_semantics<core_parallel>, #tpu.dimension_semantics<subcore_parallel>], iteration_bounds = array<i64: 2, 16>, scalar_prefetch = 0 : i64, scratch_operands = 9 : i64, tpu.core_type = #tpu.core_type<sc_vector_subcore>, window_params = [{transform_indices = #map}, {transform_indices = #map}, {transform_indices = #map1}, {transform_indices = #map1}, {transform_indices = #map}]} {
    %mul3A = arith.constant 2 : i32
    %mul3A_0 = arith.muli %arg1, %mul3A : i32
    %add3A = arith.addi %mul3A_0, %arg0 : i32
    %mul3A_1 = arith.constant 512 : i32
    %mul3A_2 = arith.muli %add3A, %mul3A_1 : i32
    "tpu.region"() ({
      %run_scoped3A = tpu.sem_alloc : memref<!tpu.dma_semaphore, #tpu.memory_space<semaphore_mem>>
      %dma_start3A_104 = tpu.memref_slice %arg2[%mul3A_2] : memref<16384xi32, #tpu.memory_space<hbm>> -> memref<512xi32, #tpu.memory_space<hbm>>
      %dma_start3A_105 = tpu.memref_slice %arg2[%mul3A_2] : memref<16384xi32, #tpu.memory_space<hbm>> -> memref<512xi32, #tpu.memory_space<hbm>>
      tpu.enqueue_dma source(%dma_start3A_105 : memref<512xi32, #tpu.memory_space<hbm>>) target(%arg7 : memref<512xi32, #tpu.memory_space<vmem>>) target_semaphore(%run_scoped3A : memref<!tpu.dma_semaphore, #tpu.memory_space<semaphore_mem>>)
      %dma_wait3A_106 = tpu.memref_slice %arg2[%mul3A_2] : memref<16384xi32, #tpu.memory_space<hbm>> -> memref<512xi32, #tpu.memory_space<hbm>>
      %dma_wait3A_107 = tpu.memref_slice %arg2[%mul3A_2] : memref<16384xi32, #tpu.memory_space<hbm>> -> memref<512xi32, #tpu.memory_space<hbm>>
      tpu.wait_dma2 semaphore(%run_scoped3A : memref<!tpu.dma_semaphore, #tpu.memory_space<semaphore_mem>>) src(%dma_wait3A_107 : memref<512xi32, #tpu.memory_space<hbm>>) dst(%arg7 : memref<512xi32, #tpu.memory_space<vmem>>)
      tpu.yield
    }) : () -> ()
    "tpu.region"() ({
      %run_scoped3A = tpu.sem_alloc : memref<!tpu.dma_semaphore, #tpu.memory_space<semaphore_mem>>
      %dma_start3A_104 = tpu.memref_slice %arg3[%mul3A_2] : memref<16384xi32, #tpu.memory_space<hbm>> -> memref<512xi32, #tpu.memory_space<hbm>>
      %dma_start3A_105 = tpu.memref_slice %arg3[%mul3A_2] : memref<16384xi32, #tpu.memory_space<hbm>> -> memref<512xi32, #tpu.memory_space<hbm>>
      tpu.enqueue_dma source(%dma_start3A_105 : memref<512xi32, #tpu.memory_space<hbm>>) target(%arg8 : memref<512xi32, #tpu.memory_space<vmem>>) target_semaphore(%run_scoped3A : memref<!tpu.dma_semaphore, #tpu.memory_space<semaphore_mem>>)
      %dma_wait3A_106 = tpu.memref_slice %arg3[%mul3A_2] : memref<16384xi32, #tpu.memory_space<hbm>> -> memref<512xi32, #tpu.memory_space<hbm>>
      %dma_wait3A_107 = tpu.memref_slice %arg3[%mul3A_2] : memref<16384xi32, #tpu.memory_space<hbm>> -> memref<512xi32, #tpu.memory_space<hbm>>
      tpu.wait_dma2 semaphore(%run_scoped3A : memref<!tpu.dma_semaphore, #tpu.memory_space<semaphore_mem>>) src(%dma_wait3A_107 : memref<512xi32, #tpu.memory_space<hbm>>) dst(%arg8 : memref<512xi32, #tpu.memory_space<vmem>>)
      tpu.yield
    }) : () -> ()
    %iota3A = tpu.iota {dimensions = array<i32: 0>} : vector<16xi32>
    %dma_start3A = arith.constant 0 : i32
    %dma_start3A_3 = tpu.memref_slice %arg7[%dma_start3A] : memref<512xi32, #tpu.memory_space<vmem>> -> memref<128xi32, #tpu.memory_space<vmem>>
    %dma_start3A_4 = arith.constant 0 : i32
    %dma_start3A_5 = arith.constant 0 : i32
    %dma_start3A_6 = tpu.memref_slice %arg4[%dma_start3A_4, %dma_start3A_5] : memref<1000000x32xf32, #tpu.memory_space<hbm>> -> memref<1000000x32xf32, #tpu.memory_space<hbm>>
    tpu.enqueue_indirect_dma source(%dma_start3A_6 : memref<1000000x32xf32, #tpu.memory_space<hbm>>) target(%arg9 : memref<128x32xf32, #tpu.memory_space<vmem>>) offsets(%dma_start3A_3 : memref<128xi32, #tpu.memory_space<vmem>>) semaphore(%arg14 : memref<!tpu.dma_semaphore, #tpu.memory_space<semaphore_mem>>)
    %dma_start3A_7 = arith.constant 0 : i32
    %dma_start3A_8 = tpu.memref_slice %arg8[%dma_start3A_7] : memref<512xi32, #tpu.memory_space<vmem>> -> memref<128xi32, #tpu.memory_space<vmem>>
    %dma_start3A_9 = arith.constant 0 : i32
    %dma_start3A_10 = arith.constant 0 : i32
    %dma_start3A_11 = tpu.memref_slice %arg5[%dma_start3A_9, %dma_start3A_10] : memref<100000x32xf32, #tpu.memory_space<hbm>> -> memref<100000x32xf32, #tpu.memory_space<hbm>>
    tpu.enqueue_indirect_dma source(%dma_start3A_11 : memref<100000x32xf32, #tpu.memory_space<hbm>>) target(%arg10 : memref<128x32xf32, #tpu.memory_space<vmem>>) offsets(%dma_start3A_8 : memref<128xi32, #tpu.memory_space<vmem>>) semaphore(%arg14 : memref<!tpu.dma_semaphore, #tpu.memory_space<semaphore_mem>>)
    %dma_start3A_12 = arith.constant 128 : i32
    %dma_start3A_13 = tpu.memref_slice %arg7[%dma_start3A_12] : memref<512xi32, #tpu.memory_space<vmem>> -> memref<128xi32, #tpu.memory_space<vmem>>
    %dma_start3A_14 = arith.constant 0 : i32
    %dma_start3A_15 = arith.constant 0 : i32
    %dma_start3A_16 = tpu.memref_slice %arg4[%dma_start3A_14, %dma_start3A_15] : memref<1000000x32xf32, #tpu.memory_space<hbm>> -> memref<1000000x32xf32, #tpu.memory_space<hbm>>
    tpu.enqueue_indirect_dma source(%dma_start3A_16 : memref<1000000x32xf32, #tpu.memory_space<hbm>>) target(%arg11 : memref<128x32xf32, #tpu.memory_space<vmem>>) offsets(%dma_start3A_13 : memref<128xi32, #tpu.memory_space<vmem>>) semaphore(%arg15 : memref<!tpu.dma_semaphore, #tpu.memory_space<semaphore_mem>>)
    %dma_start3A_17 = arith.constant 128 : i32
    %dma_start3A_18 = tpu.memref_slice %arg8[%dma_start3A_17] : memref<512xi32, #tpu.memory_space<vmem>> -> memref<128xi32, #tpu.memory_space<vmem>>
    %dma_start3A_19 = arith.constant 0 : i32
    %dma_start3A_20 = arith.constant 0 : i32
    %dma_start3A_21 = tpu.memref_slice %arg5[%dma_start3A_19, %dma_start3A_20] : memref<100000x32xf32, #tpu.memory_space<hbm>> -> memref<100000x32xf32, #tpu.memory_space<hbm>>
    tpu.enqueue_indirect_dma source(%dma_start3A_21 : memref<100000x32xf32, #tpu.memory_space<hbm>>) target(%arg12 : memref<128x32xf32, #tpu.memory_space<vmem>>) offsets(%dma_start3A_18 : memref<128xi32, #tpu.memory_space<vmem>>) semaphore(%arg15 : memref<!tpu.dma_semaphore, #tpu.memory_space<semaphore_mem>>)
    %dma_wait3A = arith.constant 0 : i32
    %dma_wait3A_22 = tpu.memref_slice %arg7[%dma_wait3A] : memref<512xi32, #tpu.memory_space<vmem>> -> memref<128xi32, #tpu.memory_space<vmem>>
    %dma_wait3A_23 = arith.constant 0 : i32
    %dma_wait3A_24 = arith.constant 0 : i32
    %dma_wait3A_25 = tpu.memref_slice %arg4[%dma_wait3A_23, %dma_wait3A_24] : memref<1000000x32xf32, #tpu.memory_space<hbm>> -> memref<1000000x32xf32, #tpu.memory_space<hbm>>
    tpu.wait_indirect_dma semaphore(%arg14 : memref<!tpu.dma_semaphore, #tpu.memory_space<semaphore_mem>>) src(%dma_wait3A_25 : memref<1000000x32xf32, #tpu.memory_space<hbm>>) dst(%arg9 : memref<128x32xf32, #tpu.memory_space<vmem>>)
    %dma_wait3A_26 = arith.constant 0 : i32
    %dma_wait3A_27 = tpu.memref_slice %arg8[%dma_wait3A_26] : memref<512xi32, #tpu.memory_space<vmem>> -> memref<128xi32, #tpu.memory_space<vmem>>
    %dma_wait3A_28 = arith.constant 0 : i32
    %dma_wait3A_29 = arith.constant 0 : i32
    %dma_wait3A_30 = tpu.memref_slice %arg5[%dma_wait3A_28, %dma_wait3A_29] : memref<100000x32xf32, #tpu.memory_space<hbm>> -> memref<100000x32xf32, #tpu.memory_space<hbm>>
    tpu.wait_indirect_dma semaphore(%arg14 : memref<!tpu.dma_semaphore, #tpu.memory_space<semaphore_mem>>) src(%dma_wait3A_30 : memref<100000x32xf32, #tpu.memory_space<hbm>>) dst(%arg10 : memref<128x32xf32, #tpu.memory_space<vmem>>)
    %scan3A = arith.constant 0 : i32
    %scan3A_31 = arith.constant 0 : i32
    %scan3A_32 = arith.constant 8 : i32
    %scan3A_33 = arith.addi %scan3A_31, %scan3A_32 : i32
    %scan3A_34 = arith.constant 1 : i32
    scf.for %scan3A_104 = %scan3A_31 to %scan3A_33 step %scan3A_34  : i32 {
      %mul3A_105 = arith.constant 16 : i32
      %mul3A_106 = arith.muli %scan3A_104, %mul3A_105 : i32
      %add3A_107 = vector.broadcast %mul3A_106 : i32 to vector<16xi32>
      %add3A_108 = arith.addi %iota3A, %add3A_107 : vector<16xi32>
      %broadcast_in_dim3A = arith.constant 0.000000e+00 : f32
      %broadcast_in_dim3A_109 = vector.broadcast %broadcast_in_dim3A : f32 to vector<16xf32>
      %broadcast_in_dim3A_110 = arith.constant 0 : i32
      %broadcast_in_dim3A_111 = vector.broadcast %broadcast_in_dim3A_110 : i32 to vector<16xi32>
      %gather3A = tpu.vector_load_idx %arg9[%add3A_108, %broadcast_in_dim3A_111] : memref<128x32xf32, #tpu.memory_space<vmem>>[vector<16xi32>, vector<16xi32>], vector<16xf32>,
      %gather3A_112 = tpu.vector_load_idx %arg10[%add3A_108, %broadcast_in_dim3A_111] : memref<128x32xf32, #tpu.memory_space<vmem>>[vector<16xi32>, vector<16xi32>], vector<16xf32>,
      %mul3A_113 = arith.mulf %gather3A, %gather3A_112 : vector<16xf32>
      %add3A_114 = arith.addf %broadcast_in_dim3A_109, %mul3A_113 : vector<16xf32>
      %broadcast_in_dim3A_115 = arith.constant 1 : i32
      %broadcast_in_dim3A_116 = vector.broadcast %broadcast_in_dim3A_115 : i32 to vector<16xi32>
      %gather3A_117 = tpu.vector_load_idx %arg9[%add3A_108, %broadcast_in_dim3A_116] : memref<128x32xf32, #tpu.memory_space<vmem>>[vector<16xi32>, vector<16xi32>], vector<16xf32>,
      %gather3A_118 = tpu.vector_load_idx %arg10[%add3A_108, %broadcast_in_dim3A_116] : memref<128x32xf32, #tpu.memory_space<vmem>>[vector<16xi32>, vector<16xi32>], vector<16xf32>,
      %mul3A_119 = arith.mulf %gather3A_117, %gather3A_118 : vector<16xf32>
      %add3A_120 = arith.addf %add3A_114, %mul3A_119 : vector<16xf32>
      %broadcast_in_dim3A_121 = arith.constant 2 : i32
      %broadcast_in_dim3A_122 = vector.broadcast %broadcast_in_dim3A_121 : i32 to vector<16xi32>
      %gather3A_123 = tpu.vector_load_idx %arg9[%add3A_108, %broadcast_in_dim3A_122] : memref<128x32xf32, #tpu.memory_space<vmem>>[vector<16xi32>, vector<16xi32>], vector<16xf32>,
      %gather3A_124 = tpu.vector_load_idx %arg10[%add3A_108, %broadcast_in_dim3A_122] : memref<128x32xf32, #tpu.memory_space<vmem>>[vector<16xi32>, vector<16xi32>], vector<16xf32>,
      %mul3A_125 = arith.mulf %gather3A_123, %gather3A_124 : vector<16xf32>
      %add3A_126 = arith.addf %add3A_120, %mul3A_125 : vector<16xf32>
      %broadcast_in_dim3A_127 = arith.constant 3 : i32
      %broadcast_in_dim3A_128 = vector.broadcast %broadcast_in_dim3A_127 : i32 to vector<16xi32>
      %gather3A_129 = tpu.vector_load_idx %arg9[%add3A_108, %broadcast_in_dim3A_128] : memref<128x32xf32, #tpu.memory_space<vmem>>[vector<16xi32>, vector<16xi32>], vector<16xf32>,
      %gather3A_130 = tpu.vector_load_idx %arg10[%add3A_108, %broadcast_in_dim3A_128] : memref<128x32xf32, #tpu.memory_space<vmem>>[vector<16xi32>, vector<16xi32>], vector<16xf32>,
      %mul3A_131 = arith.mulf %gather3A_129, %gather3A_130 : vector<16xf32>
      %add3A_132 = arith.addf %add3A_126, %mul3A_131 : vector<16xf32>
      %broadcast_in_dim3A_133 = arith.constant 4 : i32
      %broadcast_in_dim3A_134 = vector.broadcast %broadcast_in_dim3A_133 : i32 to vector<16xi32>
      %gather3A_135 = tpu.vector_load_idx %arg9[%add3A_108, %broadcast_in_dim3A_134] : memref<128x32xf32, #tpu.memory_space<vmem>>[vector<16xi32>, vector<16xi32>], vector<16xf32>,
      %gather3A_136 = tpu.vector_load_idx %arg10[%add3A_108, %broadcast_in_dim3A_134] : memref<128x32xf32, #tpu.memory_space<vmem>>[vector<16xi32>, vector<16xi32>], vector<16xf32>,
      %mul3A_137 = arith.mulf %gather3A_135, %gather3A_136 : vector<16xf32>
      %add3A_138 = arith.addf %add3A_132, %mul3A_137 : vector<16xf32>
      %broadcast_in_dim3A_139 = arith.constant 5 : i32
      %broadcast_in_dim3A_140 = vector.broadcast %broadcast_in_dim3A_139 : i32 to vector<16xi32>
      %gather3A_141 = tpu.vector_load_idx %arg9[%add3A_108, %broadcast_in_dim3A_140] : memref<128x32xf32, #tpu.memory_space<vmem>>[vector<16xi32>, vector<16xi32>], vector<16xf32>,
      %gather3A_142 = tpu.vector_load_idx %arg10[%add3A_108, %broadcast_in_dim3A_140] : memref<128x32xf32, #tpu.memory_space<vmem>>[vector<16xi32>, vector<16xi32>], vector<16xf32>,
      %mul3A_143 = arith.mulf %gather3A_141, %gather3A_142 : vector<16xf32>
      %add3A_144 = arith.addf %add3A_138, %mul3A_143 : vector<16xf32>
      %broadcast_in_dim3A_145 = arith.constant 6 : i32
      %broadcast_in_dim3A_146 = vector.broadcast %broadcast_in_dim3A_145 : i32 to vector<16xi32>
      %gather3A_147 = tpu.vector_load_idx %arg9[%add3A_108, %broadcast_in_dim3A_146] : memref<128x32xf32, #tpu.memory_space<vmem>>[vector<16xi32>, vector<16xi32>], vector<16xf32>,
      %gather3A_148 = tpu.vector_load_idx %arg10[%add3A_108, %broadcast_in_dim3A_146] : memref<128x32xf32, #tpu.memory_space<vmem>>[vector<16xi32>, vector<16xi32>], vector<16xf32>,
      %mul3A_149 = arith.mulf %gather3A_147, %gather3A_148 : vector<16xf32>
      %add3A_150 = arith.addf %add3A_144, %mul3A_149 : vector<16xf32>
      %broadcast_in_dim3A_151 = arith.constant 7 : i32
      %broadcast_in_dim3A_152 = vector.broadcast %broadcast_in_dim3A_151 : i32 to vector<16xi32>
      %gather3A_153 = tpu.vector_load_idx %arg9[%add3A_108, %broadcast_in_dim3A_152] : memref<128x32xf32, #tpu.memory_space<vmem>>[vector<16xi32>, vector<16xi32>], vector<16xf32>,
      %gather3A_154 = tpu.vector_load_idx %arg10[%add3A_108, %broadcast_in_dim3A_152] : memref<128x32xf32, #tpu.memory_space<vmem>>[vector<16xi32>, vector<16xi32>], vector<16xf32>,
      %mul3A_155 = arith.mulf %gather3A_153, %gather3A_154 : vector<16xf32>
      %add3A_156 = arith.addf %add3A_150, %mul3A_155 : vector<16xf32>
      %broadcast_in_dim3A_157 = arith.constant 8 : i32
      %broadcast_in_dim3A_158 = vector.broadcast %broadcast_in_dim3A_157 : i32 to vector<16xi32>
      %gather3A_159 = tpu.vector_load_idx %arg9[%add3A_108, %broadcast_in_dim3A_158] : memref<128x32xf32, #tpu.memory_space<vmem>>[vector<16xi32>, vector<16xi32>], vector<16xf32>,
      %gather3A_160 = tpu.vector_load_idx %arg10[%add3A_108, %broadcast_in_dim3A_158] : memref<128x32xf32, #tpu.memory_space<vmem>>[vector<16xi32>, vector<16xi32>], vector<16xf32>,
      %mul3A_161 = arith.mulf %gather3A_159, %gather3A_160 : vector<16xf32>
      %add3A_162 = arith.addf %add3A_156, %mul3A_161 : vector<16xf32>
      %broadcast_in_dim3A_163 = arith.constant 9 : i32
      %broadcast_in_dim3A_164 = vector.broadcast %broadcast_in_dim3A_163 : i32 to vector<16xi32>
      %gather3A_165 = tpu.vector_load_idx %arg9[%add3A_108, %broadcast_in_dim3A_164] : memref<128x32xf32, #tpu.memory_space<vmem>>[vector<16xi32>, vector<16xi32>], vector<16xf32>,
      %gather3A_166 = tpu.vector_load_idx %arg10[%add3A_108, %broadcast_in_dim3A_164] : memref<128x32xf32, #tpu.memory_space<vmem>>[vector<16xi32>, vector<16xi32>], vector<16xf32>,
      %mul3A_167 = arith.mulf %gather3A_165, %gather3A_166 : vector<16xf32>
      %add3A_168 = arith.addf %add3A_162, %mul3A_167 : vector<16xf32>
      %broadcast_in_dim3A_169 = arith.constant 10 : i32
      %broadcast_in_dim3A_170 = vector.broadcast %broadcast_in_dim3A_169 : i32 to vector<16xi32>
      %gather3A_171 = tpu.vector_load_idx %arg9[%add3A_108, %broadcast_in_dim3A_170] : memref<128x32xf32, #tpu.memory_space<vmem>>[vector<16xi32>, vector<16xi32>], vector<16xf32>,
      %gather3A_172 = tpu.vector_load_idx %arg10[%add3A_108, %broadcast_in_dim3A_170] : memref<128x32xf32, #tpu.memory_space<vmem>>[vector<16xi32>, vector<16xi32>], vector<16xf32>,
      %mul3A_173 = arith.mulf %gather3A_171, %gather3A_172 : vector<16xf32>
      %add3A_174 = arith.addf %add3A_168, %mul3A_173 : vector<16xf32>
      %broadcast_in_dim3A_175 = arith.constant 11 : i32
      %broadcast_in_dim3A_176 = vector.broadcast %broadcast_in_dim3A_175 : i32 to vector<16xi32>
      %gather3A_177 = tpu.vector_load_idx %arg9[%add3A_108, %broadcast_in_dim3A_176] : memref<128x32xf32, #tpu.memory_space<vmem>>[vector<16xi32>, vector<16xi32>], vector<16xf32>,
      %gather3A_178 = tpu.vector_load_idx %arg10[%add3A_108, %broadcast_in_dim3A_176] : memref<128x32xf32, #tpu.memory_space<vmem>>[vector<16xi32>, vector<16xi32>], vector<16xf32>,
      %mul3A_179 = arith.mulf %gather3A_177, %gather3A_178 : vector<16xf32>
      %add3A_180 = arith.addf %add3A_174, %mul3A_179 : vector<16xf32>
      %broadcast_in_dim3A_181 = arith.constant 12 : i32
      %broadcast_in_dim3A_182 = vector.broadcast %broadcast_in_dim3A_181 : i32 to vector<16xi32>
      %gather3A_183 = tpu.vector_load_idx %arg9[%add3A_108, %broadcast_in_dim3A_182] : memref<128x32xf32, #tpu.memory_space<vmem>>[vector<16xi32>, vector<16xi32>], vector<16xf32>,
      %gather3A_184 = tpu.vector_load_idx %arg10[%add3A_108, %broadcast_in_dim3A_182] : memref<128x32xf32, #tpu.memory_space<vmem>>[vector<16xi32>, vector<16xi32>], vector<16xf32>,
      %mul3A_185 = arith.mulf %gather3A_183, %gather3A_184 : vector<16xf32>
      %add3A_186 = arith.addf %add3A_180, %mul3A_185 : vector<16xf32>
      %broadcast_in_dim3A_187 = arith.constant 13 : i32
      %broadcast_in_dim3A_188 = vector.broadcast %broadcast_in_dim3A_187 : i32 to vector<16xi32>
      %gather3A_189 = tpu.vector_load_idx %arg9[%add3A_108, %broadcast_in_dim3A_188] : memref<128x32xf32, #tpu.memory_space<vmem>>[vector<16xi32>, vector<16xi32>], vector<16xf32>,
      %gather3A_190 = tpu.vector_load_idx %arg10[%add3A_108, %broadcast_in_dim3A_188] : memref<128x32xf32, #tpu.memory_space<vmem>>[vector<16xi32>, vector<16xi32>], vector<16xf32>,
      %mul3A_191 = arith.mulf %gather3A_189, %gather3A_190 : vector<16xf32>
      %add3A_192 = arith.addf %add3A_186, %mul3A_191 : vector<16xf32>
      %broadcast_in_dim3A_193 = arith.constant 14 : i32
      %broadcast_in_dim3A_194 = vector.broadcast %broadcast_in_dim3A_193 : i32 to vector<16xi32>
      %gather3A_195 = tpu.vector_load_idx %arg9[%add3A_108, %broadcast_in_dim3A_194] : memref<128x32xf32, #tpu.memory_space<vmem>>[vector<16xi32>, vector<16xi32>], vector<16xf32>,
      %gather3A_196 = tpu.vector_load_idx %arg10[%add3A_108, %broadcast_in_dim3A_194] : memref<128x32xf32, #tpu.memory_space<vmem>>[vector<16xi32>, vector<16xi32>], vector<16xf32>,
      %mul3A_197 = arith.mulf %gather3A_195, %gather3A_196 : vector<16xf32>
      %add3A_198 = arith.addf %add3A_192, %mul3A_197 : vector<16xf32>
      %broadcast_in_dim3A_199 = arith.constant 15 : i32
      %broadcast_in_dim3A_200 = vector.broadcast %broadcast_in_dim3A_199 : i32 to vector<16xi32>
      %gather3A_201 = tpu.vector_load_idx %arg9[%add3A_108, %broadcast_in_dim3A_200] : memref<128x32xf32, #tpu.memory_space<vmem>>[vector<16xi32>, vector<16xi32>], vector<16xf32>,
      %gather3A_202 = tpu.vector_load_idx %arg10[%add3A_108, %broadcast_in_dim3A_200] : memref<128x32xf32, #tpu.memory_space<vmem>>[vector<16xi32>, vector<16xi32>], vector<16xf32>,
      %mul3A_203 = arith.mulf %gather3A_201, %gather3A_202 : vector<16xf32>
      %add3A_204 = arith.addf %add3A_198, %mul3A_203 : vector<16xf32>
      %broadcast_in_dim3A_205 = arith.constant 16 : i32
      %broadcast_in_dim3A_206 = vector.broadcast %broadcast_in_dim3A_205 : i32 to vector<16xi32>
      %gather3A_207 = tpu.vector_load_idx %arg9[%add3A_108, %broadcast_in_dim3A_206] : memref<128x32xf32, #tpu.memory_space<vmem>>[vector<16xi32>, vector<16xi32>], vector<16xf32>,
      %gather3A_208 = tpu.vector_load_idx %arg10[%add3A_108, %broadcast_in_dim3A_206] : memref<128x32xf32, #tpu.memory_space<vmem>>[vector<16xi32>, vector<16xi32>], vector<16xf32>,
      %mul3A_209 = arith.mulf %gather3A_207, %gather3A_208 : vector<16xf32>
      %add3A_210 = arith.addf %add3A_204, %mul3A_209 : vector<16xf32>
      %broadcast_in_dim3A_211 = arith.constant 17 : i32
      %broadcast_in_dim3A_212 = vector.broadcast %broadcast_in_dim3A_211 : i32 to vector<16xi32>
      %gather3A_213 = tpu.vector_load_idx %arg9[%add3A_108, %broadcast_in_dim3A_212] : memref<128x32xf32, #tpu.memory_space<vmem>>[vector<16xi32>, vector<16xi32>], vector<16xf32>,
      %gather3A_214 = tpu.vector_load_idx %arg10[%add3A_108, %broadcast_in_dim3A_212] : memref<128x32xf32, #tpu.memory_space<vmem>>[vector<16xi32>, vector<16xi32>], vector<16xf32>,
      %mul3A_215 = arith.mulf %gather3A_213, %gather3A_214 : vector<16xf32>
      %add3A_216 = arith.addf %add3A_210, %mul3A_215 : vector<16xf32>
      %broadcast_in_dim3A_217 = arith.constant 18 : i32
      %broadcast_in_dim3A_218 = vector.broadcast %broadcast_in_dim3A_217 : i32 to vector<16xi32>
      %gather3A_219 = tpu.vector_load_idx %arg9[%add3A_108, %broadcast_in_dim3A_218] : memref<128x32xf32, #tpu.memory_space<vmem>>[vector<16xi32>, vector<16xi32>], vector<16xf32>,
      %gather3A_220 = tpu.vector_load_idx %arg10[%add3A_108, %broadcast_in_dim3A_218] : memref<128x32xf32, #tpu.memory_space<vmem>>[vector<16xi32>, vector<16xi32>], vector<16xf32>,
      %mul3A_221 = arith.mulf %gather3A_219, %gather3A_220 : vector<16xf32>
      %add3A_222 = arith.addf %add3A_216, %mul3A_221 : vector<16xf32>
      %broadcast_in_dim3A_223 = arith.constant 19 : i32
      %broadcast_in_dim3A_224 = vector.broadcast %broadcast_in_dim3A_223 : i32 to vector<16xi32>
      %gather3A_225 = tpu.vector_load_idx %arg9[%add3A_108, %broadcast_in_dim3A_224] : memref<128x32xf32, #tpu.memory_space<vmem>>[vector<16xi32>, vector<16xi32>], vector<16xf32>,
      %gather3A_226 = tpu.vector_load_idx %arg10[%add3A_108, %broadcast_in_dim3A_224] : memref<128x32xf32, #tpu.memory_space<vmem>>[vector<16xi32>, vector<16xi32>], vector<16xf32>,
      %mul3A_227 = arith.mulf %gather3A_225, %gather3A_226 : vector<16xf32>
      %add3A_228 = arith.addf %add3A_222, %mul3A_227 : vector<16xf32>
      %broadcast_in_dim3A_229 = arith.constant 20 : i32
      %broadcast_in_dim3A_230 = vector.broadcast %broadcast_in_dim3A_229 : i32 to vector<16xi32>
      %gather3A_231 = tpu.vector_load_idx %arg9[%add3A_108, %broadcast_in_dim3A_230] : memref<128x32xf32, #tpu.memory_space<vmem>>[vector<16xi32>, vector<16xi32>], vector<16xf32>,
      %gather3A_232 = tpu.vector_load_idx %arg10[%add3A_108, %broadcast_in_dim3A_230] : memref<128x32xf32, #tpu.memory_space<vmem>>[vector<16xi32>, vector<16xi32>], vector<16xf32>,
      %mul3A_233 = arith.mulf %gather3A_231, %gather3A_232 : vector<16xf32>
      %add3A_234 = arith.addf %add3A_228, %mul3A_233 : vector<16xf32>
      %broadcast_in_dim3A_235 = arith.constant 21 : i32
      %broadcast_in_dim3A_236 = vector.broadcast %broadcast_in_dim3A_235 : i32 to vector<16xi32>
      %gather3A_237 = tpu.vector_load_idx %arg9[%add3A_108, %broadcast_in_dim3A_236] : memref<128x32xf32, #tpu.memory_space<vmem>>[vector<16xi32>, vector<16xi32>], vector<16xf32>,
      %gather3A_238 = tpu.vector_load_idx %arg10[%add3A_108, %broadcast_in_dim3A_236] : memref<128x32xf32, #tpu.memory_space<vmem>>[vector<16xi32>, vector<16xi32>], vector<16xf32>,
      %mul3A_239 = arith.mulf %gather3A_237, %gather3A_238 : vector<16xf32>
      %add3A_240 = arith.addf %add3A_234, %mul3A_239 : vector<16xf32>
      %broadcast_in_dim3A_241 = arith.constant 22 : i32
      %broadcast_in_dim3A_242 = vector.broadcast %broadcast_in_dim3A_241 : i32 to vector<16xi32>
      %gather3A_243 = tpu.vector_load_idx %arg9[%add3A_108, %broadcast_in_dim3A_242] : memref<128x32xf32, #tpu.memory_space<vmem>>[vector<16xi32>, vector<16xi32>], vector<16xf32>,
      %gather3A_244 = tpu.vector_load_idx %arg10[%add3A_108, %broadcast_in_dim3A_242] : memref<128x32xf32, #tpu.memory_space<vmem>>[vector<16xi32>, vector<16xi32>], vector<16xf32>,
      %mul3A_245 = arith.mulf %gather3A_243, %gather3A_244 : vector<16xf32>
      %add3A_246 = arith.addf %add3A_240, %mul3A_245 : vector<16xf32>
      %broadcast_in_dim3A_247 = arith.constant 23 : i32
      %broadcast_in_dim3A_248 = vector.broadcast %broadcast_in_dim3A_247 : i32 to vector<16xi32>
      %gather3A_249 = tpu.vector_load_idx %arg9[%add3A_108, %broadcast_in_dim3A_248] : memref<128x32xf32, #tpu.memory_space<vmem>>[vector<16xi32>, vector<16xi32>], vector<16xf32>,
      %gather3A_250 = tpu.vector_load_idx %arg10[%add3A_108, %broadcast_in_dim3A_248] : memref<128x32xf32, #tpu.memory_space<vmem>>[vector<16xi32>, vector<16xi32>], vector<16xf32>,
      %mul3A_251 = arith.mulf %gather3A_249, %gather3A_250 : vector<16xf32>
      %add3A_252 = arith.addf %add3A_246, %mul3A_251 : vector<16xf32>
      %broadcast_in_dim3A_253 = arith.constant 24 : i32
      %broadcast_in_dim3A_254 = vector.broadcast %broadcast_in_dim3A_253 : i32 to vector<16xi32>
      %gather3A_255 = tpu.vector_load_idx %arg9[%add3A_108, %broadcast_in_dim3A_254] : memref<128x32xf32, #tpu.memory_space<vmem>>[vector<16xi32>, vector<16xi32>], vector<16xf32>,
      %gather3A_256 = tpu.vector_load_idx %arg10[%add3A_108, %broadcast_in_dim3A_254] : memref<128x32xf32, #tpu.memory_space<vmem>>[vector<16xi32>, vector<16xi32>], vector<16xf32>,
      %mul3A_257 = arith.mulf %gather3A_255, %gather3A_256 : vector<16xf32>
      %add3A_258 = arith.addf %add3A_252, %mul3A_257 : vector<16xf32>
      %broadcast_in_dim3A_259 = arith.constant 25 : i32
      %broadcast_in_dim3A_260 = vector.broadcast %broadcast_in_dim3A_259 : i32 to vector<16xi32>
      %gather3A_261 = tpu.vector_load_idx %arg9[%add3A_108, %broadcast_in_dim3A_260] : memref<128x32xf32, #tpu.memory_space<vmem>>[vector<16xi32>, vector<16xi32>], vector<16xf32>,
      %gather3A_262 = tpu.vector_load_idx %arg10[%add3A_108, %broadcast_in_dim3A_260] : memref<128x32xf32, #tpu.memory_space<vmem>>[vector<16xi32>, vector<16xi32>], vector<16xf32>,
      %mul3A_263 = arith.mulf %gather3A_261, %gather3A_262 : vector<16xf32>
      %add3A_264 = arith.addf %add3A_258, %mul3A_263 : vector<16xf32>
      %broadcast_in_dim3A_265 = arith.constant 26 : i32
      %broadcast_in_dim3A_266 = vector.broadcast %broadcast_in_dim3A_265 : i32 to vector<16xi32>
      %gather3A_267 = tpu.vector_load_idx %arg9[%add3A_108, %broadcast_in_dim3A_266] : memref<128x32xf32, #tpu.memory_space<vmem>>[vector<16xi32>, vector<16xi32>], vector<16xf32>,
      %gather3A_268 = tpu.vector_load_idx %arg10[%add3A_108, %broadcast_in_dim3A_266] : memref<128x32xf32, #tpu.memory_space<vmem>>[vector<16xi32>, vector<16xi32>], vector<16xf32>,
      %mul3A_269 = arith.mulf %gather3A_267, %gather3A_268 : vector<16xf32>
      %add3A_270 = arith.addf %add3A_264, %mul3A_269 : vector<16xf32>
      %broadcast_in_dim3A_271 = arith.constant 27 : i32
      %broadcast_in_dim3A_272 = vector.broadcast %broadcast_in_dim3A_271 : i32 to vector<16xi32>
      %gather3A_273 = tpu.vector_load_idx %arg9[%add3A_108, %broadcast_in_dim3A_272] : memref<128x32xf32, #tpu.memory_space<vmem>>[vector<16xi32>, vector<16xi32>], vector<16xf32>,
      %gather3A_274 = tpu.vector_load_idx %arg10[%add3A_108, %broadcast_in_dim3A_272] : memref<128x32xf32, #tpu.memory_space<vmem>>[vector<16xi32>, vector<16xi32>], vector<16xf32>,
      %mul3A_275 = arith.mulf %gather3A_273, %gather3A_274 : vector<16xf32>
      %add3A_276 = arith.addf %add3A_270, %mul3A_275 : vector<16xf32>
      %broadcast_in_dim3A_277 = arith.constant 28 : i32
      %broadcast_in_dim3A_278 = vector.broadcast %broadcast_in_dim3A_277 : i32 to vector<16xi32>
      %gather3A_279 = tpu.vector_load_idx %arg9[%add3A_108, %broadcast_in_dim3A_278] : memref<128x32xf32, #tpu.memory_space<vmem>>[vector<16xi32>, vector<16xi32>], vector<16xf32>,
      %gather3A_280 = tpu.vector_load_idx %arg10[%add3A_108, %broadcast_in_dim3A_278] : memref<128x32xf32, #tpu.memory_space<vmem>>[vector<16xi32>, vector<16xi32>], vector<16xf32>,
      %mul3A_281 = arith.mulf %gather3A_279, %gather3A_280 : vector<16xf32>
      %add3A_282 = arith.addf %add3A_276, %mul3A_281 : vector<16xf32>
      %broadcast_in_dim3A_283 = arith.constant 29 : i32
      %broadcast_in_dim3A_284 = vector.broadcast %broadcast_in_dim3A_283 : i32 to vector<16xi32>
      %gather3A_285 = tpu.vector_load_idx %arg9[%add3A_108, %broadcast_in_dim3A_284] : memref<128x32xf32, #tpu.memory_space<vmem>>[vector<16xi32>, vector<16xi32>], vector<16xf32>,
      %gather3A_286 = tpu.vector_load_idx %arg10[%add3A_108, %broadcast_in_dim3A_284] : memref<128x32xf32, #tpu.memory_space<vmem>>[vector<16xi32>, vector<16xi32>], vector<16xf32>,
      %mul3A_287 = arith.mulf %gather3A_285, %gather3A_286 : vector<16xf32>
      %add3A_288 = arith.addf %add3A_282, %mul3A_287 : vector<16xf32>
      %broadcast_in_dim3A_289 = arith.constant 30 : i32
      %broadcast_in_dim3A_290 = vector.broadcast %broadcast_in_dim3A_289 : i32 to vector<16xi32>
      %gather3A_291 = tpu.vector_load_idx %arg9[%add3A_108, %broadcast_in_dim3A_290] : memref<128x32xf32, #tpu.memory_space<vmem>>[vector<16xi32>, vector<16xi32>], vector<16xf32>,
      %gather3A_292 = tpu.vector_load_idx %arg10[%add3A_108, %broadcast_in_dim3A_290] : memref<128x32xf32, #tpu.memory_space<vmem>>[vector<16xi32>, vector<16xi32>], vector<16xf32>,
      %mul3A_293 = arith.mulf %gather3A_291, %gather3A_292 : vector<16xf32>
      %add3A_294 = arith.addf %add3A_288, %mul3A_293 : vector<16xf32>
      %broadcast_in_dim3A_295 = arith.constant 31 : i32
      %broadcast_in_dim3A_296 = vector.broadcast %broadcast_in_dim3A_295 : i32 to vector<16xi32>
      %gather3A_297 = tpu.vector_load_idx %arg9[%add3A_108, %broadcast_in_dim3A_296] : memref<128x32xf32, #tpu.memory_space<vmem>>[vector<16xi32>, vector<16xi32>], vector<16xf32>,
      %gather3A_298 = tpu.vector_load_idx %arg10[%add3A_108, %broadcast_in_dim3A_296] : memref<128x32xf32, #tpu.memory_space<vmem>>[vector<16xi32>, vector<16xi32>], vector<16xf32>,
      %mul3A_299 = arith.mulf %gather3A_297, %gather3A_298 : vector<16xf32>
      %add3A_300 = arith.addf %add3A_294, %mul3A_299 : vector<16xf32>
      %mul3A_301 = arith.constant 16 : i32
      %mul3A_302 = arith.muli %scan3A_104, %mul3A_301 : i32
      %add3A_303 = arith.constant 0 : i32
      %add3A_304 = arith.addi %add3A_303, %mul3A_302 : i32
      %swap3A = arith.index_cast %add3A_304 : i32 to index
      %swap3A_305 = tpu.vector_load %arg13[%swap3A] {strides = array<i32>} : memref<512xf32, #tpu.memory_space<vmem>>, vector<16xf32>,
      tpu.vector_store %arg13[%swap3A], %add3A_300 {strides = array<i32>} : memref<512xf32, #tpu.memory_space<vmem>>, vector<16xf32>,
    }
    %scan3A_35 = arith.constant 8 : i32
    %dma_start3A_36 = arith.constant 256 : i32
    %dma_start3A_37 = tpu.memref_slice %arg7[%dma_start3A_36] : memref<512xi32, #tpu.memory_space<vmem>> -> memref<128xi32, #tpu.memory_space<vmem>>
    %dma_start3A_38 = arith.constant 0 : i32
    %dma_start3A_39 = arith.constant 0 : i32
    %dma_start3A_40 = tpu.memref_slice %arg4[%dma_start3A_38, %dma_start3A_39] : memref<1000000x32xf32, #tpu.memory_space<hbm>> -> memref<1000000x32xf32, #tpu.memory_space<hbm>>
    tpu.enqueue_indirect_dma source(%dma_start3A_40 : memref<1000000x32xf32, #tpu.memory_space<hbm>>) target(%arg9 : memref<128x32xf32, #tpu.memory_space<vmem>>) offsets(%dma_start3A_37 : memref<128xi32, #tpu.memory_space<vmem>>) semaphore(%arg14 : memref<!tpu.dma_semaphore, #tpu.memory_space<semaphore_mem>>)
    %dma_start3A_41 = arith.constant 256 : i32
    %dma_start3A_42 = tpu.memref_slice %arg8[%dma_start3A_41] : memref<512xi32, #tpu.memory_space<vmem>> -> memref<128xi32, #tpu.memory_space<vmem>>
    %dma_start3A_43 = arith.constant 0 : i32
    %dma_start3A_44 = arith.constant 0 : i32
    %dma_start3A_45 = tpu.memref_slice %arg5[%dma_start3A_43, %dma_start3A_44] : memref<100000x32xf32, #tpu.memory_space<hbm>> -> memref<100000x32xf32, #tpu.memory_space<hbm>>
    tpu.enqueue_indirect_dma source(%dma_start3A_45 : memref<100000x32xf32, #tpu.memory_space<hbm>>) target(%arg10 : memref<128x32xf32, #tpu.memory_space<vmem>>) offsets(%dma_start3A_42 : memref<128xi32, #tpu.memory_space<vmem>>) semaphore(%arg14 : memref<!tpu.dma_semaphore, #tpu.memory_space<semaphore_mem>>)
    %dma_wait3A_46 = arith.constant 128 : i32
    %dma_wait3A_47 = tpu.memref_slice %arg7[%dma_wait3A_46] : memref<512xi32, #tpu.memory_space<vmem>> -> memref<128xi32, #tpu.memory_space<vmem>>
    %dma_wait3A_48 = arith.constant 0 : i32
    %dma_wait3A_49 = arith.constant 0 : i32
    %dma_wait3A_50 = tpu.memref_slice %arg4[%dma_wait3A_48, %dma_wait3A_49] : memref<1000000x32xf32, #tpu.memory_space<hbm>> -> memref<1000000x32xf32, #tpu.memory_space<hbm>>
    tpu.wait_indirect_dma semaphore(%arg15 : memref<!tpu.dma_semaphore, #tpu.memory_space<semaphore_mem>>) src(%dma_wait3A_50 : memref<1000000x32xf32, #tpu.memory_space<hbm>>) dst(%arg11 : memref<128x32xf32, #tpu.memory_space<vmem>>)
    %dma_wait3A_51 = arith.constant 128 : i32
    %dma_wait3A_52 = tpu.memref_slice %arg8[%dma_wait3A_51] : memref<512xi32, #tpu.memory_space<vmem>> -> memref<128xi32, #tpu.memory_space<vmem>>
    %dma_wait3A_53 = arith.constant 0 : i32
    %dma_wait3A_54 = arith.constant 0 : i32
    %dma_wait3A_55 = tpu.memref_slice %arg5[%dma_wait3A_53, %dma_wait3A_54] : memref<100000x32xf32, #tpu.memory_space<hbm>> -> memref<100000x32xf32, #tpu.memory_space<hbm>>
    tpu.wait_indirect_dma semaphore(%arg15 : memref<!tpu.dma_semaphore, #tpu.memory_space<semaphore_mem>>) src(%dma_wait3A_55 : memref<100000x32xf32, #tpu.memory_space<hbm>>) dst(%arg12 : memref<128x32xf32, #tpu.memory_space<vmem>>)
    %scan3A_56 = arith.constant 0 : i32
    %scan3A_57 = arith.constant 0 : i32
    %scan3A_58 = arith.constant 8 : i32
    %scan3A_59 = arith.addi %scan3A_57, %scan3A_58 : i32
    %scan3A_60 = arith.constant 1 : i32
    scf.for %scan3A_104 = %scan3A_57 to %scan3A_59 step %scan3A_60  : i32 {
      %mul3A_105 = arith.constant 16 : i32
      %mul3A_106 = arith.muli %scan3A_104, %mul3A_105 : i32
      %add3A_107 = vector.broadcast %mul3A_106 : i32 to vector<16xi32>
      %add3A_108 = arith.addi %iota3A, %add3A_107 : vector<16xi32>
      %broadcast_in_dim3A = arith.constant 0.000000e+00 : f32
      %broadcast_in_dim3A_109 = vector.broadcast %broadcast_in_dim3A : f32 to vector<16xf32>
      %broadcast_in_dim3A_110 = arith.constant 0 : i32
      %broadcast_in_dim3A_111 = vector.broadcast %broadcast_in_dim3A_110 : i32 to vector<16xi32>
      %gather3A = tpu.vector_load_idx %arg11[%add3A_108, %broadcast_in_dim3A_111] : memref<128x32xf32, #tpu.memory_space<vmem>>[vector<16xi32>, vector<16xi32>], vector<16xf32>,
      %gather3A_112 = tpu.vector_load_idx %arg12[%add3A_108, %broadcast_in_dim3A_111] : memref<128x32xf32, #tpu.memory_space<vmem>>[vector<16xi32>, vector<16xi32>], vector<16xf32>,
      %mul3A_113 = arith.mulf %gather3A, %gather3A_112 : vector<16xf32>
      %add3A_114 = arith.addf %broadcast_in_dim3A_109, %mul3A_113 : vector<16xf32>
      %broadcast_in_dim3A_115 = arith.constant 1 : i32
      %broadcast_in_dim3A_116 = vector.broadcast %broadcast_in_dim3A_115 : i32 to vector<16xi32>
      %gather3A_117 = tpu.vector_load_idx %arg11[%add3A_108, %broadcast_in_dim3A_116] : memref<128x32xf32, #tpu.memory_space<vmem>>[vector<16xi32>, vector<16xi32>], vector<16xf32>,
      %gather3A_118 = tpu.vector_load_idx %arg12[%add3A_108, %broadcast_in_dim3A_116] : memref<128x32xf32, #tpu.memory_space<vmem>>[vector<16xi32>, vector<16xi32>], vector<16xf32>,
      %mul3A_119 = arith.mulf %gather3A_117, %gather3A_118 : vector<16xf32>
      %add3A_120 = arith.addf %add3A_114, %mul3A_119 : vector<16xf32>
      %broadcast_in_dim3A_121 = arith.constant 2 : i32
      %broadcast_in_dim3A_122 = vector.broadcast %broadcast_in_dim3A_121 : i32 to vector<16xi32>
      %gather3A_123 = tpu.vector_load_idx %arg11[%add3A_108, %broadcast_in_dim3A_122] : memref<128x32xf32, #tpu.memory_space<vmem>>[vector<16xi32>, vector<16xi32>], vector<16xf32>,
      %gather3A_124 = tpu.vector_load_idx %arg12[%add3A_108, %broadcast_in_dim3A_122] : memref<128x32xf32, #tpu.memory_space<vmem>>[vector<16xi32>, vector<16xi32>], vector<16xf32>,
      %mul3A_125 = arith.mulf %gather3A_123, %gather3A_124 : vector<16xf32>
      %add3A_126 = arith.addf %add3A_120, %mul3A_125 : vector<16xf32>
      %broadcast_in_dim3A_127 = arith.constant 3 : i32
      %broadcast_in_dim3A_128 = vector.broadcast %broadcast_in_dim3A_127 : i32 to vector<16xi32>
      %gather3A_129 = tpu.vector_load_idx %arg11[%add3A_108, %broadcast_in_dim3A_128] : memref<128x32xf32, #tpu.memory_space<vmem>>[vector<16xi32>, vector<16xi32>], vector<16xf32>,
      %gather3A_130 = tpu.vector_load_idx %arg12[%add3A_108, %broadcast_in_dim3A_128] : memref<128x32xf32, #tpu.memory_space<vmem>>[vector<16xi32>, vector<16xi32>], vector<16xf32>,
      %mul3A_131 = arith.mulf %gather3A_129, %gather3A_130 : vector<16xf32>
      %add3A_132 = arith.addf %add3A_126, %mul3A_131 : vector<16xf32>
      %broadcast_in_dim3A_133 = arith.constant 4 : i32
      %broadcast_in_dim3A_134 = vector.broadcast %broadcast_in_dim3A_133 : i32 to vector<16xi32>
      %gather3A_135 = tpu.vector_load_idx %arg11[%add3A_108, %broadcast_in_dim3A_134] : memref<128x32xf32, #tpu.memory_space<vmem>>[vector<16xi32>, vector<16xi32>], vector<16xf32>,
      %gather3A_136 = tpu.vector_load_idx %arg12[%add3A_108, %broadcast_in_dim3A_134] : memref<128x32xf32, #tpu.memory_space<vmem>>[vector<16xi32>, vector<16xi32>], vector<16xf32>,
      %mul3A_137 = arith.mulf %gather3A_135, %gather3A_136 : vector<16xf32>
      %add3A_138 = arith.addf %add3A_132, %mul3A_137 : vector<16xf32>
      %broadcast_in_dim3A_139 = arith.constant 5 : i32
      %broadcast_in_dim3A_140 = vector.broadcast %broadcast_in_dim3A_139 : i32 to vector<16xi32>
      %gather3A_141 = tpu.vector_load_idx %arg11[%add3A_108, %broadcast_in_dim3A_140] : memref<128x32xf32, #tpu.memory_space<vmem>>[vector<16xi32>, vector<16xi32>], vector<16xf32>,
      %gather3A_142 = tpu.vector_load_idx %arg12[%add3A_108, %broadcast_in_dim3A_140] : memref<128x32xf32, #tpu.memory_space<vmem>>[vector<16xi32>, vector<16xi32>], vector<16xf32>,
      %mul3A_143 = arith.mulf %gather3A_141, %gather3A_142 : vector<16xf32>
      %add3A_144 = arith.addf %add3A_138, %mul3A_143 : vector<16xf32>
      %broadcast_in_dim3A_145 = arith.constant 6 : i32
      %broadcast_in_dim3A_146 = vector.broadcast %broadcast_in_dim3A_145 : i32 to vector<16xi32>
      %gather3A_147 = tpu.vector_load_idx %arg11[%add3A_108, %broadcast_in_dim3A_146] : memref<128x32xf32, #tpu.memory_space<vmem>>[vector<16xi32>, vector<16xi32>], vector<16xf32>,
      %gather3A_148 = tpu.vector_load_idx %arg12[%add3A_108, %broadcast_in_dim3A_146] : memref<128x32xf32, #tpu.memory_space<vmem>>[vector<16xi32>, vector<16xi32>], vector<16xf32>,
      %mul3A_149 = arith.mulf %gather3A_147, %gather3A_148 : vector<16xf32>
      %add3A_150 = arith.addf %add3A_144, %mul3A_149 : vector<16xf32>
      %broadcast_in_dim3A_151 = arith.constant 7 : i32
      %broadcast_in_dim3A_152 = vector.broadcast %broadcast_in_dim3A_151 : i32 to vector<16xi32>
      %gather3A_153 = tpu.vector_load_idx %arg11[%add3A_108, %broadcast_in_dim3A_152] : memref<128x32xf32, #tpu.memory_space<vmem>>[vector<16xi32>, vector<16xi32>], vector<16xf32>,
      %gather3A_154 = tpu.vector_load_idx %arg12[%add3A_108, %broadcast_in_dim3A_152] : memref<128x32xf32, #tpu.memory_space<vmem>>[vector<16xi32>, vector<16xi32>], vector<16xf32>,
      %mul3A_155 = arith.mulf %gather3A_153, %gather3A_154 : vector<16xf32>
      %add3A_156 = arith.addf %add3A_150, %mul3A_155 : vector<16xf32>
      %broadcast_in_dim3A_157 = arith.constant 8 : i32
      %broadcast_in_dim3A_158 = vector.broadcast %broadcast_in_dim3A_157 : i32 to vector<16xi32>
      %gather3A_159 = tpu.vector_load_idx %arg11[%add3A_108, %broadcast_in_dim3A_158] : memref<128x32xf32, #tpu.memory_space<vmem>>[vector<16xi32>, vector<16xi32>], vector<16xf32>,
      %gather3A_160 = tpu.vector_load_idx %arg12[%add3A_108, %broadcast_in_dim3A_158] : memref<128x32xf32, #tpu.memory_space<vmem>>[vector<16xi32>, vector<16xi32>], vector<16xf32>,
      %mul3A_161 = arith.mulf %gather3A_159, %gather3A_160 : vector<16xf32>
      %add3A_162 = arith.addf %add3A_156, %mul3A_161 : vector<16xf32>
      %broadcast_in_dim3A_163 = arith.constant 9 : i32
      %broadcast_in_dim3A_164 = vector.broadcast %broadcast_in_dim3A_163 : i32 to vector<16xi32>
      %gather3A_165 = tpu.vector_load_idx %arg11[%add3A_108, %broadcast_in_dim3A_164] : memref<128x32xf32, #tpu.memory_space<vmem>>[vector<16xi32>, vector<16xi32>], vector<16xf32>,
      %gather3A_166 = tpu.vector_load_idx %arg12[%add3A_108, %broadcast_in_dim3A_164] : memref<128x32xf32, #tpu.memory_space<vmem>>[vector<16xi32>, vector<16xi32>], vector<16xf32>,
      %mul3A_167 = arith.mulf %gather3A_165, %gather3A_166 : vector<16xf32>
      %add3A_168 = arith.addf %add3A_162, %mul3A_167 : vector<16xf32>
      %broadcast_in_dim3A_169 = arith.constant 10 : i32
      %broadcast_in_dim3A_170 = vector.broadcast %broadcast_in_dim3A_169 : i32 to vector<16xi32>
      %gather3A_171 = tpu.vector_load_idx %arg11[%add3A_108, %broadcast_in_dim3A_170] : memref<128x32xf32, #tpu.memory_space<vmem>>[vector<16xi32>, vector<16xi32>], vector<16xf32>,
      %gather3A_172 = tpu.vector_load_idx %arg12[%add3A_108, %broadcast_in_dim3A_170] : memref<128x32xf32, #tpu.memory_space<vmem>>[vector<16xi32>, vector<16xi32>], vector<16xf32>,
      %mul3A_173 = arith.mulf %gather3A_171, %gather3A_172 : vector<16xf32>
      %add3A_174 = arith.addf %add3A_168, %mul3A_173 : vector<16xf32>
      %broadcast_in_dim3A_175 = arith.constant 11 : i32
      %broadcast_in_dim3A_176 = vector.broadcast %broadcast_in_dim3A_175 : i32 to vector<16xi32>
      %gather3A_177 = tpu.vector_load_idx %arg11[%add3A_108, %broadcast_in_dim3A_176] : memref<128x32xf32, #tpu.memory_space<vmem>>[vector<16xi32>, vector<16xi32>], vector<16xf32>,
      %gather3A_178 = tpu.vector_load_idx %arg12[%add3A_108, %broadcast_in_dim3A_176] : memref<128x32xf32, #tpu.memory_space<vmem>>[vector<16xi32>, vector<16xi32>], vector<16xf32>,
      %mul3A_179 = arith.mulf %gather3A_177, %gather3A_178 : vector<16xf32>
      %add3A_180 = arith.addf %add3A_174, %mul3A_179 : vector<16xf32>
      %broadcast_in_dim3A_181 = arith.constant 12 : i32
      %broadcast_in_dim3A_182 = vector.broadcast %broadcast_in_dim3A_181 : i32 to vector<16xi32>
      %gather3A_183 = tpu.vector_load_idx %arg11[%add3A_108, %broadcast_in_dim3A_182] : memref<128x32xf32, #tpu.memory_space<vmem>>[vector<16xi32>, vector<16xi32>], vector<16xf32>,
      %gather3A_184 = tpu.vector_load_idx %arg12[%add3A_108, %broadcast_in_dim3A_182] : memref<128x32xf32, #tpu.memory_space<vmem>>[vector<16xi32>, vector<16xi32>], vector<16xf32>,
      %mul3A_185 = arith.mulf %gather3A_183, %gather3A_184 : vector<16xf32>
      %add3A_186 = arith.addf %add3A_180, %mul3A_185 : vector<16xf32>
      %broadcast_in_dim3A_187 = arith.constant 13 : i32
      %broadcast_in_dim3A_188 = vector.broadcast %broadcast_in_dim3A_187 : i32 to vector<16xi32>
      %gather3A_189 = tpu.vector_load_idx %arg11[%add3A_108, %broadcast_in_dim3A_188] : memref<128x32xf32, #tpu.memory_space<vmem>>[vector<16xi32>, vector<16xi32>], vector<16xf32>,
      %gather3A_190 = tpu.vector_load_idx %arg12[%add3A_108, %broadcast_in_dim3A_188] : memref<128x32xf32, #tpu.memory_space<vmem>>[vector<16xi32>, vector<16xi32>], vector<16xf32>,
      %mul3A_191 = arith.mulf %gather3A_189, %gather3A_190 : vector<16xf32>
      %add3A_192 = arith.addf %add3A_186, %mul3A_191 : vector<16xf32>
      %broadcast_in_dim3A_193 = arith.constant 14 : i32
      %broadcast_in_dim3A_194 = vector.broadcast %broadcast_in_dim3A_193 : i32 to vector<16xi32>
      %gather3A_195 = tpu.vector_load_idx %arg11[%add3A_108, %broadcast_in_dim3A_194] : memref<128x32xf32, #tpu.memory_space<vmem>>[vector<16xi32>, vector<16xi32>], vector<16xf32>,
      %gather3A_196 = tpu.vector_load_idx %arg12[%add3A_108, %broadcast_in_dim3A_194] : memref<128x32xf32, #tpu.memory_space<vmem>>[vector<16xi32>, vector<16xi32>], vector<16xf32>,
      %mul3A_197 = arith.mulf %gather3A_195, %gather3A_196 : vector<16xf32>
      %add3A_198 = arith.addf %add3A_192, %mul3A_197 : vector<16xf32>
      %broadcast_in_dim3A_199 = arith.constant 15 : i32
      %broadcast_in_dim3A_200 = vector.broadcast %broadcast_in_dim3A_199 : i32 to vector<16xi32>
      %gather3A_201 = tpu.vector_load_idx %arg11[%add3A_108, %broadcast_in_dim3A_200] : memref<128x32xf32, #tpu.memory_space<vmem>>[vector<16xi32>, vector<16xi32>], vector<16xf32>,
      %gather3A_202 = tpu.vector_load_idx %arg12[%add3A_108, %broadcast_in_dim3A_200] : memref<128x32xf32, #tpu.memory_space<vmem>>[vector<16xi32>, vector<16xi32>], vector<16xf32>,
      %mul3A_203 = arith.mulf %gather3A_201, %gather3A_202 : vector<16xf32>
      %add3A_204 = arith.addf %add3A_198, %mul3A_203 : vector<16xf32>
      %broadcast_in_dim3A_205 = arith.constant 16 : i32
      %broadcast_in_dim3A_206 = vector.broadcast %broadcast_in_dim3A_205 : i32 to vector<16xi32>
      %gather3A_207 = tpu.vector_load_idx %arg11[%add3A_108, %broadcast_in_dim3A_206] : memref<128x32xf32, #tpu.memory_space<vmem>>[vector<16xi32>, vector<16xi32>], vector<16xf32>,
      %gather3A_208 = tpu.vector_load_idx %arg12[%add3A_108, %broadcast_in_dim3A_206] : memref<128x32xf32, #tpu.memory_space<vmem>>[vector<16xi32>, vector<16xi32>], vector<16xf32>,
      %mul3A_209 = arith.mulf %gather3A_207, %gather3A_208 : vector<16xf32>
      %add3A_210 = arith.addf %add3A_204, %mul3A_209 : vector<16xf32>
      %broadcast_in_dim3A_211 = arith.constant 17 : i32
      %broadcast_in_dim3A_212 = vector.broadcast %broadcast_in_dim3A_211 : i32 to vector<16xi32>
      %gather3A_213 = tpu.vector_load_idx %arg11[%add3A_108, %broadcast_in_dim3A_212] : memref<128x32xf32, #tpu.memory_space<vmem>>[vector<16xi32>, vector<16xi32>], vector<16xf32>,
      %gather3A_214 = tpu.vector_load_idx %arg12[%add3A_108, %broadcast_in_dim3A_212] : memref<128x32xf32, #tpu.memory_space<vmem>>[vector<16xi32>, vector<16xi32>], vector<16xf32>,
      %mul3A_215 = arith.mulf %gather3A_213, %gather3A_214 : vector<16xf32>
      %add3A_216 = arith.addf %add3A_210, %mul3A_215 : vector<16xf32>
      %broadcast_in_dim3A_217 = arith.constant 18 : i32
      %broadcast_in_dim3A_218 = vector.broadcast %broadcast_in_dim3A_217 : i32 to vector<16xi32>
      %gather3A_219 = tpu.vector_load_idx %arg11[%add3A_108, %broadcast_in_dim3A_218] : memref<128x32xf32, #tpu.memory_space<vmem>>[vector<16xi32>, vector<16xi32>], vector<16xf32>,
      %gather3A_220 = tpu.vector_load_idx %arg12[%add3A_108, %broadcast_in_dim3A_218] : memref<128x32xf32, #tpu.memory_space<vmem>>[vector<16xi32>, vector<16xi32>], vector<16xf32>,
      %mul3A_221 = arith.mulf %gather3A_219, %gather3A_220 : vector<16xf32>
      %add3A_222 = arith.addf %add3A_216, %mul3A_221 : vector<16xf32>
      %broadcast_in_dim3A_223 = arith.constant 19 : i32
      %broadcast_in_dim3A_224 = vector.broadcast %broadcast_in_dim3A_223 : i32 to vector<16xi32>
      %gather3A_225 = tpu.vector_load_idx %arg11[%add3A_108, %broadcast_in_dim3A_224] : memref<128x32xf32, #tpu.memory_space<vmem>>[vector<16xi32>, vector<16xi32>], vector<16xf32>,
      %gather3A_226 = tpu.vector_load_idx %arg12[%add3A_108, %broadcast_in_dim3A_224] : memref<128x32xf32, #tpu.memory_space<vmem>>[vector<16xi32>, vector<16xi32>], vector<16xf32>,
      %mul3A_227 = arith.mulf %gather3A_225, %gather3A_226 : vector<16xf32>
      %add3A_228 = arith.addf %add3A_222, %mul3A_227 : vector<16xf32>
      %broadcast_in_dim3A_229 = arith.constant 20 : i32
      %broadcast_in_dim3A_230 = vector.broadcast %broadcast_in_dim3A_229 : i32 to vector<16xi32>
      %gather3A_231 = tpu.vector_load_idx %arg11[%add3A_108, %broadcast_in_dim3A_230] : memref<128x32xf32, #tpu.memory_space<vmem>>[vector<16xi32>, vector<16xi32>], vector<16xf32>,
      %gather3A_232 = tpu.vector_load_idx %arg12[%add3A_108, %broadcast_in_dim3A_230] : memref<128x32xf32, #tpu.memory_space<vmem>>[vector<16xi32>, vector<16xi32>], vector<16xf32>,
      %mul3A_233 = arith.mulf %gather3A_231, %gather3A_232 : vector<16xf32>
      %add3A_234 = arith.addf %add3A_228, %mul3A_233 : vector<16xf32>
      %broadcast_in_dim3A_235 = arith.constant 21 : i32
      %broadcast_in_dim3A_236 = vector.broadcast %broadcast_in_dim3A_235 : i32 to vector<16xi32>
      %gather3A_237 = tpu.vector_load_idx %arg11[%add3A_108, %broadcast_in_dim3A_236] : memref<128x32xf32, #tpu.memory_space<vmem>>[vector<16xi32>, vector<16xi32>], vector<16xf32>,
      %gather3A_238 = tpu.vector_load_idx %arg12[%add3A_108, %broadcast_in_dim3A_236] : memref<128x32xf32, #tpu.memory_space<vmem>>[vector<16xi32>, vector<16xi32>], vector<16xf32>,
      %mul3A_239 = arith.mulf %gather3A_237, %gather3A_238 : vector<16xf32>
      %add3A_240 = arith.addf %add3A_234, %mul3A_239 : vector<16xf32>
      %broadcast_in_dim3A_241 = arith.constant 22 : i32
      %broadcast_in_dim3A_242 = vector.broadcast %broadcast_in_dim3A_241 : i32 to vector<16xi32>
      %gather3A_243 = tpu.vector_load_idx %arg11[%add3A_108, %broadcast_in_dim3A_242] : memref<128x32xf32, #tpu.memory_space<vmem>>[vector<16xi32>, vector<16xi32>], vector<16xf32>,
      %gather3A_244 = tpu.vector_load_idx %arg12[%add3A_108, %broadcast_in_dim3A_242] : memref<128x32xf32, #tpu.memory_space<vmem>>[vector<16xi32>, vector<16xi32>], vector<16xf32>,
      %mul3A_245 = arith.mulf %gather3A_243, %gather3A_244 : vector<16xf32>
      %add3A_246 = arith.addf %add3A_240, %mul3A_245 : vector<16xf32>
      %broadcast_in_dim3A_247 = arith.constant 23 : i32
      %broadcast_in_dim3A_248 = vector.broadcast %broadcast_in_dim3A_247 : i32 to vector<16xi32>
      %gather3A_249 = tpu.vector_load_idx %arg11[%add3A_108, %broadcast_in_dim3A_248] : memref<128x32xf32, #tpu.memory_space<vmem>>[vector<16xi32>, vector<16xi32>], vector<16xf32>,
      %gather3A_250 = tpu.vector_load_idx %arg12[%add3A_108, %broadcast_in_dim3A_248] : memref<128x32xf32, #tpu.memory_space<vmem>>[vector<16xi32>, vector<16xi32>], vector<16xf32>,
      %mul3A_251 = arith.mulf %gather3A_249, %gather3A_250 : vector<16xf32>
      %add3A_252 = arith.addf %add3A_246, %mul3A_251 : vector<16xf32>
      %broadcast_in_dim3A_253 = arith.constant 24 : i32
      %broadcast_in_dim3A_254 = vector.broadcast %broadcast_in_dim3A_253 : i32 to vector<16xi32>
      %gather3A_255 = tpu.vector_load_idx %arg11[%add3A_108, %broadcast_in_dim3A_254] : memref<128x32xf32, #tpu.memory_space<vmem>>[vector<16xi32>, vector<16xi32>], vector<16xf32>,
      %gather3A_256 = tpu.vector_load_idx %arg12[%add3A_108, %broadcast_in_dim3A_254] : memref<128x32xf32, #tpu.memory_space<vmem>>[vector<16xi32>, vector<16xi32>], vector<16xf32>,
      %mul3A_257 = arith.mulf %gather3A_255, %gather3A_256 : vector<16xf32>
      %add3A_258 = arith.addf %add3A_252, %mul3A_257 : vector<16xf32>
      %broadcast_in_dim3A_259 = arith.constant 25 : i32
      %broadcast_in_dim3A_260 = vector.broadcast %broadcast_in_dim3A_259 : i32 to vector<16xi32>
      %gather3A_261 = tpu.vector_load_idx %arg11[%add3A_108, %broadcast_in_dim3A_260] : memref<128x32xf32, #tpu.memory_space<vmem>>[vector<16xi32>, vector<16xi32>], vector<16xf32>,
      %gather3A_262 = tpu.vector_load_idx %arg12[%add3A_108, %broadcast_in_dim3A_260] : memref<128x32xf32, #tpu.memory_space<vmem>>[vector<16xi32>, vector<16xi32>], vector<16xf32>,
      %mul3A_263 = arith.mulf %gather3A_261, %gather3A_262 : vector<16xf32>
      %add3A_264 = arith.addf %add3A_258, %mul3A_263 : vector<16xf32>
      %broadcast_in_dim3A_265 = arith.constant 26 : i32
      %broadcast_in_dim3A_266 = vector.broadcast %broadcast_in_dim3A_265 : i32 to vector<16xi32>
      %gather3A_267 = tpu.vector_load_idx %arg11[%add3A_108, %broadcast_in_dim3A_266] : memref<128x32xf32, #tpu.memory_space<vmem>>[vector<16xi32>, vector<16xi32>], vector<16xf32>,
      %gather3A_268 = tpu.vector_load_idx %arg12[%add3A_108, %broadcast_in_dim3A_266] : memref<128x32xf32, #tpu.memory_space<vmem>>[vector<16xi32>, vector<16xi32>], vector<16xf32>,
      %mul3A_269 = arith.mulf %gather3A_267, %gather3A_268 : vector<16xf32>
      %add3A_270 = arith.addf %add3A_264, %mul3A_269 : vector<16xf32>
      %broadcast_in_dim3A_271 = arith.constant 27 : i32
      %broadcast_in_dim3A_272 = vector.broadcast %broadcast_in_dim3A_271 : i32 to vector<16xi32>
      %gather3A_273 = tpu.vector_load_idx %arg11[%add3A_108, %broadcast_in_dim3A_272] : memref<128x32xf32, #tpu.memory_space<vmem>>[vector<16xi32>, vector<16xi32>], vector<16xf32>,
      %gather3A_274 = tpu.vector_load_idx %arg12[%add3A_108, %broadcast_in_dim3A_272] : memref<128x32xf32, #tpu.memory_space<vmem>>[vector<16xi32>, vector<16xi32>], vector<16xf32>,
      %mul3A_275 = arith.mulf %gather3A_273, %gather3A_274 : vector<16xf32>
      %add3A_276 = arith.addf %add3A_270, %mul3A_275 : vector<16xf32>
      %broadcast_in_dim3A_277 = arith.constant 28 : i32
      %broadcast_in_dim3A_278 = vector.broadcast %broadcast_in_dim3A_277 : i32 to vector<16xi32>
      %gather3A_279 = tpu.vector_load_idx %arg11[%add3A_108, %broadcast_in_dim3A_278] : memref<128x32xf32, #tpu.memory_space<vmem>>[vector<16xi32>, vector<16xi32>], vector<16xf32>,
      %gather3A_280 = tpu.vector_load_idx %arg12[%add3A_108, %broadcast_in_dim3A_278] : memref<128x32xf32, #tpu.memory_space<vmem>>[vector<16xi32>, vector<16xi32>], vector<16xf32>,
      %mul3A_281 = arith.mulf %gather3A_279, %gather3A_280 : vector<16xf32>
      %add3A_282 = arith.addf %add3A_276, %mul3A_281 : vector<16xf32>
      %broadcast_in_dim3A_283 = arith.constant 29 : i32
      %broadcast_in_dim3A_284 = vector.broadcast %broadcast_in_dim3A_283 : i32 to vector<16xi32>
      %gather3A_285 = tpu.vector_load_idx %arg11[%add3A_108, %broadcast_in_dim3A_284] : memref<128x32xf32, #tpu.memory_space<vmem>>[vector<16xi32>, vector<16xi32>], vector<16xf32>,
      %gather3A_286 = tpu.vector_load_idx %arg12[%add3A_108, %broadcast_in_dim3A_284] : memref<128x32xf32, #tpu.memory_space<vmem>>[vector<16xi32>, vector<16xi32>], vector<16xf32>,
      %mul3A_287 = arith.mulf %gather3A_285, %gather3A_286 : vector<16xf32>
      %add3A_288 = arith.addf %add3A_282, %mul3A_287 : vector<16xf32>
      %broadcast_in_dim3A_289 = arith.constant 30 : i32
      %broadcast_in_dim3A_290 = vector.broadcast %broadcast_in_dim3A_289 : i32 to vector<16xi32>
      %gather3A_291 = tpu.vector_load_idx %arg11[%add3A_108, %broadcast_in_dim3A_290] : memref<128x32xf32, #tpu.memory_space<vmem>>[vector<16xi32>, vector<16xi32>], vector<16xf32>,
      %gather3A_292 = tpu.vector_load_idx %arg12[%add3A_108, %broadcast_in_dim3A_290] : memref<128x32xf32, #tpu.memory_space<vmem>>[vector<16xi32>, vector<16xi32>], vector<16xf32>,
      %mul3A_293 = arith.mulf %gather3A_291, %gather3A_292 : vector<16xf32>
      %add3A_294 = arith.addf %add3A_288, %mul3A_293 : vector<16xf32>
      %broadcast_in_dim3A_295 = arith.constant 31 : i32
      %broadcast_in_dim3A_296 = vector.broadcast %broadcast_in_dim3A_295 : i32 to vector<16xi32>
      %gather3A_297 = tpu.vector_load_idx %arg11[%add3A_108, %broadcast_in_dim3A_296] : memref<128x32xf32, #tpu.memory_space<vmem>>[vector<16xi32>, vector<16xi32>], vector<16xf32>,
      %gather3A_298 = tpu.vector_load_idx %arg12[%add3A_108, %broadcast_in_dim3A_296] : memref<128x32xf32, #tpu.memory_space<vmem>>[vector<16xi32>, vector<16xi32>], vector<16xf32>,
      %mul3A_299 = arith.mulf %gather3A_297, %gather3A_298 : vector<16xf32>
      %add3A_300 = arith.addf %add3A_294, %mul3A_299 : vector<16xf32>
      %mul3A_301 = arith.constant 16 : i32
      %mul3A_302 = arith.muli %scan3A_104, %mul3A_301 : i32
      %add3A_303 = arith.constant 128 : i32
      %add3A_304 = arith.addi %add3A_303, %mul3A_302 : i32
      %swap3A = arith.index_cast %add3A_304 : i32 to index
      %swap3A_305 = tpu.vector_load %arg13[%swap3A] {strides = array<i32>} : memref<512xf32, #tpu.memory_space<vmem>>, vector<16xf32>,
      tpu.vector_store %arg13[%swap3A], %add3A_300 {strides = array<i32>} : memref<512xf32, #tpu.memory_space<vmem>>, vector<16xf32>,
    }
    %scan3A_61 = arith.constant 8 : i32
    %dma_start3A_62 = arith.constant 384 : i32
    %dma_start3A_63 = tpu.memref_slice %arg7[%dma_start3A_62] : memref<512xi32, #tpu.memory_space<vmem>> -> memref<128xi32, #tpu.memory_space<vmem>>
    %dma_start3A_64 = arith.constant 0 : i32
    %dma_start3A_65 = arith.constant 0 : i32
    %dma_start3A_66 = tpu.memref_slice %arg4[%dma_start3A_64, %dma_start3A_65] : memref<1000000x32xf32, #tpu.memory_space<hbm>> -> memref<1000000x32xf32, #tpu.memory_space<hbm>>
    tpu.enqueue_indirect_dma source(%dma_start3A_66 : memref<1000000x32xf32, #tpu.memory_space<hbm>>) target(%arg11 : memref<128x32xf32, #tpu.memory_space<vmem>>) offsets(%dma_start3A_63 : memref<128xi32, #tpu.memory_space<vmem>>) semaphore(%arg15 : memref<!tpu.dma_semaphore, #tpu.memory_space<semaphore_mem>>)
    %dma_start3A_67 = arith.constant 384 : i32
    %dma_start3A_68 = tpu.memref_slice %arg8[%dma_start3A_67] : memref<512xi32, #tpu.memory_space<vmem>> -> memref<128xi32, #tpu.memory_space<vmem>>
    %dma_start3A_69 = arith.constant 0 : i32
    %dma_start3A_70 = arith.constant 0 : i32
    %dma_start3A_71 = tpu.memref_slice %arg5[%dma_start3A_69, %dma_start3A_70] : memref<100000x32xf32, #tpu.memory_space<hbm>> -> memref<100000x32xf32, #tpu.memory_space<hbm>>
    tpu.enqueue_indirect_dma source(%dma_start3A_71 : memref<100000x32xf32, #tpu.memory_space<hbm>>) target(%arg12 : memref<128x32xf32, #tpu.memory_space<vmem>>) offsets(%dma_start3A_68 : memref<128xi32, #tpu.memory_space<vmem>>) semaphore(%arg15 : memref<!tpu.dma_semaphore, #tpu.memory_space<semaphore_mem>>)
    %dma_wait3A_72 = arith.constant 256 : i32
    %dma_wait3A_73 = tpu.memref_slice %arg7[%dma_wait3A_72] : memref<512xi32, #tpu.memory_space<vmem>> -> memref<128xi32, #tpu.memory_space<vmem>>
    %dma_wait3A_74 = arith.constant 0 : i32
    %dma_wait3A_75 = arith.constant 0 : i32
    %dma_wait3A_76 = tpu.memref_slice %arg4[%dma_wait3A_74, %dma_wait3A_75] : memref<1000000x32xf32, #tpu.memory_space<hbm>> -> memref<1000000x32xf32, #tpu.memory_space<hbm>>
    tpu.wait_indirect_dma semaphore(%arg14 : memref<!tpu.dma_semaphore, #tpu.memory_space<semaphore_mem>>) src(%dma_wait3A_76 : memref<1000000x32xf32, #tpu.memory_space<hbm>>) dst(%arg9 : memref<128x32xf32, #tpu.memory_space<vmem>>)
    %dma_wait3A_77 = arith.constant 256 : i32
    %dma_wait3A_78 = tpu.memref_slice %arg8[%dma_wait3A_77] : memref<512xi32, #tpu.memory_space<vmem>> -> memref<128xi32, #tpu.memory_space<vmem>>
    %dma_wait3A_79 = arith.constant 0 : i32
    %dma_wait3A_80 = arith.constant 0 : i32
    %dma_wait3A_81 = tpu.memref_slice %arg5[%dma_wait3A_79, %dma_wait3A_80] : memref<100000x32xf32, #tpu.memory_space<hbm>> -> memref<100000x32xf32, #tpu.memory_space<hbm>>
    tpu.wait_indirect_dma semaphore(%arg14 : memref<!tpu.dma_semaphore, #tpu.memory_space<semaphore_mem>>) src(%dma_wait3A_81 : memref<100000x32xf32, #tpu.memory_space<hbm>>) dst(%arg10 : memref<128x32xf32, #tpu.memory_space<vmem>>)
    %scan3A_82 = arith.constant 0 : i32
    %scan3A_83 = arith.constant 0 : i32
    %scan3A_84 = arith.constant 8 : i32
    %scan3A_85 = arith.addi %scan3A_83, %scan3A_84 : i32
    %scan3A_86 = arith.constant 1 : i32
    scf.for %scan3A_104 = %scan3A_83 to %scan3A_85 step %scan3A_86  : i32 {
      %mul3A_105 = arith.constant 16 : i32
      %mul3A_106 = arith.muli %scan3A_104, %mul3A_105 : i32
      %add3A_107 = vector.broadcast %mul3A_106 : i32 to vector<16xi32>
      %add3A_108 = arith.addi %iota3A, %add3A_107 : vector<16xi32>
      %broadcast_in_dim3A = arith.constant 0.000000e+00 : f32
      %broadcast_in_dim3A_109 = vector.broadcast %broadcast_in_dim3A : f32 to vector<16xf32>
      %broadcast_in_dim3A_110 = arith.constant 0 : i32
      %broadcast_in_dim3A_111 = vector.broadcast %broadcast_in_dim3A_110 : i32 to vector<16xi32>
      %gather3A = tpu.vector_load_idx %arg9[%add3A_108, %broadcast_in_dim3A_111] : memref<128x32xf32, #tpu.memory_space<vmem>>[vector<16xi32>, vector<16xi32>], vector<16xf32>,
      %gather3A_112 = tpu.vector_load_idx %arg10[%add3A_108, %broadcast_in_dim3A_111] : memref<128x32xf32, #tpu.memory_space<vmem>>[vector<16xi32>, vector<16xi32>], vector<16xf32>,
      %mul3A_113 = arith.mulf %gather3A, %gather3A_112 : vector<16xf32>
      %add3A_114 = arith.addf %broadcast_in_dim3A_109, %mul3A_113 : vector<16xf32>
      %broadcast_in_dim3A_115 = arith.constant 1 : i32
      %broadcast_in_dim3A_116 = vector.broadcast %broadcast_in_dim3A_115 : i32 to vector<16xi32>
      %gather3A_117 = tpu.vector_load_idx %arg9[%add3A_108, %broadcast_in_dim3A_116] : memref<128x32xf32, #tpu.memory_space<vmem>>[vector<16xi32>, vector<16xi32>], vector<16xf32>,
      %gather3A_118 = tpu.vector_load_idx %arg10[%add3A_108, %broadcast_in_dim3A_116] : memref<128x32xf32, #tpu.memory_space<vmem>>[vector<16xi32>, vector<16xi32>], vector<16xf32>,
      %mul3A_119 = arith.mulf %gather3A_117, %gather3A_118 : vector<16xf32>
      %add3A_120 = arith.addf %add3A_114, %mul3A_119 : vector<16xf32>
      %broadcast_in_dim3A_121 = arith.constant 2 : i32
      %broadcast_in_dim3A_122 = vector.broadcast %broadcast_in_dim3A_121 : i32 to vector<16xi32>
      %gather3A_123 = tpu.vector_load_idx %arg9[%add3A_108, %broadcast_in_dim3A_122] : memref<128x32xf32, #tpu.memory_space<vmem>>[vector<16xi32>, vector<16xi32>], vector<16xf32>,
      %gather3A_124 = tpu.vector_load_idx %arg10[%add3A_108, %broadcast_in_dim3A_122] : memref<128x32xf32, #tpu.memory_space<vmem>>[vector<16xi32>, vector<16xi32>], vector<16xf32>,
      %mul3A_125 = arith.mulf %gather3A_123, %gather3A_124 : vector<16xf32>
      %add3A_126 = arith.addf %add3A_120, %mul3A_125 : vector<16xf32>
      %broadcast_in_dim3A_127 = arith.constant 3 : i32
      %broadcast_in_dim3A_128 = vector.broadcast %broadcast_in_dim3A_127 : i32 to vector<16xi32>
      %gather3A_129 = tpu.vector_load_idx %arg9[%add3A_108, %broadcast_in_dim3A_128] : memref<128x32xf32, #tpu.memory_space<vmem>>[vector<16xi32>, vector<16xi32>], vector<16xf32>,
      %gather3A_130 = tpu.vector_load_idx %arg10[%add3A_108, %broadcast_in_dim3A_128] : memref<128x32xf32, #tpu.memory_space<vmem>>[vector<16xi32>, vector<16xi32>], vector<16xf32>,
      %mul3A_131 = arith.mulf %gather3A_129, %gather3A_130 : vector<16xf32>
      %add3A_132 = arith.addf %add3A_126, %mul3A_131 : vector<16xf32>
      %broadcast_in_dim3A_133 = arith.constant 4 : i32
      %broadcast_in_dim3A_134 = vector.broadcast %broadcast_in_dim3A_133 : i32 to vector<16xi32>
      %gather3A_135 = tpu.vector_load_idx %arg9[%add3A_108, %broadcast_in_dim3A_134] : memref<128x32xf32, #tpu.memory_space<vmem>>[vector<16xi32>, vector<16xi32>], vector<16xf32>,
      %gather3A_136 = tpu.vector_load_idx %arg10[%add3A_108, %broadcast_in_dim3A_134] : memref<128x32xf32, #tpu.memory_space<vmem>>[vector<16xi32>, vector<16xi32>], vector<16xf32>,
      %mul3A_137 = arith.mulf %gather3A_135, %gather3A_136 : vector<16xf32>
      %add3A_138 = arith.addf %add3A_132, %mul3A_137 : vector<16xf32>
      %broadcast_in_dim3A_139 = arith.constant 5 : i32
      %broadcast_in_dim3A_140 = vector.broadcast %broadcast_in_dim3A_139 : i32 to vector<16xi32>
      %gather3A_141 = tpu.vector_load_idx %arg9[%add3A_108, %broadcast_in_dim3A_140] : memref<128x32xf32, #tpu.memory_space<vmem>>[vector<16xi32>, vector<16xi32>], vector<16xf32>,
      %gather3A_142 = tpu.vector_load_idx %arg10[%add3A_108, %broadcast_in_dim3A_140] : memref<128x32xf32, #tpu.memory_space<vmem>>[vector<16xi32>, vector<16xi32>], vector<16xf32>,
      %mul3A_143 = arith.mulf %gather3A_141, %gather3A_142 : vector<16xf32>
      %add3A_144 = arith.addf %add3A_138, %mul3A_143 : vector<16xf32>
      %broadcast_in_dim3A_145 = arith.constant 6 : i32
      %broadcast_in_dim3A_146 = vector.broadcast %broadcast_in_dim3A_145 : i32 to vector<16xi32>
      %gather3A_147 = tpu.vector_load_idx %arg9[%add3A_108, %broadcast_in_dim3A_146] : memref<128x32xf32, #tpu.memory_space<vmem>>[vector<16xi32>, vector<16xi32>], vector<16xf32>,
      %gather3A_148 = tpu.vector_load_idx %arg10[%add3A_108, %broadcast_in_dim3A_146] : memref<128x32xf32, #tpu.memory_space<vmem>>[vector<16xi32>, vector<16xi32>], vector<16xf32>,
      %mul3A_149 = arith.mulf %gather3A_147, %gather3A_148 : vector<16xf32>
      %add3A_150 = arith.addf %add3A_144, %mul3A_149 : vector<16xf32>
      %broadcast_in_dim3A_151 = arith.constant 7 : i32
      %broadcast_in_dim3A_152 = vector.broadcast %broadcast_in_dim3A_151 : i32 to vector<16xi32>
      %gather3A_153 = tpu.vector_load_idx %arg9[%add3A_108, %broadcast_in_dim3A_152] : memref<128x32xf32, #tpu.memory_space<vmem>>[vector<16xi32>, vector<16xi32>], vector<16xf32>,
      %gather3A_154 = tpu.vector_load_idx %arg10[%add3A_108, %broadcast_in_dim3A_152] : memref<128x32xf32, #tpu.memory_space<vmem>>[vector<16xi32>, vector<16xi32>], vector<16xf32>,
      %mul3A_155 = arith.mulf %gather3A_153, %gather3A_154 : vector<16xf32>
      %add3A_156 = arith.addf %add3A_150, %mul3A_155 : vector<16xf32>
      %broadcast_in_dim3A_157 = arith.constant 8 : i32
      %broadcast_in_dim3A_158 = vector.broadcast %broadcast_in_dim3A_157 : i32 to vector<16xi32>
      %gather3A_159 = tpu.vector_load_idx %arg9[%add3A_108, %broadcast_in_dim3A_158] : memref<128x32xf32, #tpu.memory_space<vmem>>[vector<16xi32>, vector<16xi32>], vector<16xf32>,
      %gather3A_160 = tpu.vector_load_idx %arg10[%add3A_108, %broadcast_in_dim3A_158] : memref<128x32xf32, #tpu.memory_space<vmem>>[vector<16xi32>, vector<16xi32>], vector<16xf32>,
      %mul3A_161 = arith.mulf %gather3A_159, %gather3A_160 : vector<16xf32>
      %add3A_162 = arith.addf %add3A_156, %mul3A_161 : vector<16xf32>
      %broadcast_in_dim3A_163 = arith.constant 9 : i32
      %broadcast_in_dim3A_164 = vector.broadcast %broadcast_in_dim3A_163 : i32 to vector<16xi32>
      %gather3A_165 = tpu.vector_load_idx %arg9[%add3A_108, %broadcast_in_dim3A_164] : memref<128x32xf32, #tpu.memory_space<vmem>>[vector<16xi32>, vector<16xi32>], vector<16xf32>,
      %gather3A_166 = tpu.vector_load_idx %arg10[%add3A_108, %broadcast_in_dim3A_164] : memref<128x32xf32, #tpu.memory_space<vmem>>[vector<16xi32>, vector<16xi32>], vector<16xf32>,
      %mul3A_167 = arith.mulf %gather3A_165, %gather3A_166 : vector<16xf32>
      %add3A_168 = arith.addf %add3A_162, %mul3A_167 : vector<16xf32>
      %broadcast_in_dim3A_169 = arith.constant 10 : i32
      %broadcast_in_dim3A_170 = vector.broadcast %broadcast_in_dim3A_169 : i32 to vector<16xi32>
      %gather3A_171 = tpu.vector_load_idx %arg9[%add3A_108, %broadcast_in_dim3A_170] : memref<128x32xf32, #tpu.memory_space<vmem>>[vector<16xi32>, vector<16xi32>], vector<16xf32>,
      %gather3A_172 = tpu.vector_load_idx %arg10[%add3A_108, %broadcast_in_dim3A_170] : memref<128x32xf32, #tpu.memory_space<vmem>>[vector<16xi32>, vector<16xi32>], vector<16xf32>,
      %mul3A_173 = arith.mulf %gather3A_171, %gather3A_172 : vector<16xf32>
      %add3A_174 = arith.addf %add3A_168, %mul3A_173 : vector<16xf32>
      %broadcast_in_dim3A_175 = arith.constant 11 : i32
      %broadcast_in_dim3A_176 = vector.broadcast %broadcast_in_dim3A_175 : i32 to vector<16xi32>
      %gather3A_177 = tpu.vector_load_idx %arg9[%add3A_108, %broadcast_in_dim3A_176] : memref<128x32xf32, #tpu.memory_space<vmem>>[vector<16xi32>, vector<16xi32>], vector<16xf32>,
      %gather3A_178 = tpu.vector_load_idx %arg10[%add3A_108, %broadcast_in_dim3A_176] : memref<128x32xf32, #tpu.memory_space<vmem>>[vector<16xi32>, vector<16xi32>], vector<16xf32>,
      %mul3A_179 = arith.mulf %gather3A_177, %gather3A_178 : vector<16xf32>
      %add3A_180 = arith.addf %add3A_174, %mul3A_179 : vector<16xf32>
      %broadcast_in_dim3A_181 = arith.constant 12 : i32
      %broadcast_in_dim3A_182 = vector.broadcast %broadcast_in_dim3A_181 : i32 to vector<16xi32>
      %gather3A_183 = tpu.vector_load_idx %arg9[%add3A_108, %broadcast_in_dim3A_182] : memref<128x32xf32, #tpu.memory_space<vmem>>[vector<16xi32>, vector<16xi32>], vector<16xf32>,
      %gather3A_184 = tpu.vector_load_idx %arg10[%add3A_108, %broadcast_in_dim3A_182] : memref<128x32xf32, #tpu.memory_space<vmem>>[vector<16xi32>, vector<16xi32>], vector<16xf32>,
      %mul3A_185 = arith.mulf %gather3A_183, %gather3A_184 : vector<16xf32>
      %add3A_186 = arith.addf %add3A_180, %mul3A_185 : vector<16xf32>
      %broadcast_in_dim3A_187 = arith.constant 13 : i32
      %broadcast_in_dim3A_188 = vector.broadcast %broadcast_in_dim3A_187 : i32 to vector<16xi32>
      %gather3A_189 = tpu.vector_load_idx %arg9[%add3A_108, %broadcast_in_dim3A_188] : memref<128x32xf32, #tpu.memory_space<vmem>>[vector<16xi32>, vector<16xi32>], vector<16xf32>,
      %gather3A_190 = tpu.vector_load_idx %arg10[%add3A_108, %broadcast_in_dim3A_188] : memref<128x32xf32, #tpu.memory_space<vmem>>[vector<16xi32>, vector<16xi32>], vector<16xf32>,
      %mul3A_191 = arith.mulf %gather3A_189, %gather3A_190 : vector<16xf32>
      %add3A_192 = arith.addf %add3A_186, %mul3A_191 : vector<16xf32>
      %broadcast_in_dim3A_193 = arith.constant 14 : i32
      %broadcast_in_dim3A_194 = vector.broadcast %broadcast_in_dim3A_193 : i32 to vector<16xi32>
      %gather3A_195 = tpu.vector_load_idx %arg9[%add3A_108, %broadcast_in_dim3A_194] : memref<128x32xf32, #tpu.memory_space<vmem>>[vector<16xi32>, vector<16xi32>], vector<16xf32>,
      %gather3A_196 = tpu.vector_load_idx %arg10[%add3A_108, %broadcast_in_dim3A_194] : memref<128x32xf32, #tpu.memory_space<vmem>>[vector<16xi32>, vector<16xi32>], vector<16xf32>,
      %mul3A_197 = arith.mulf %gather3A_195, %gather3A_196 : vector<16xf32>
      %add3A_198 = arith.addf %add3A_192, %mul3A_197 : vector<16xf32>
      %broadcast_in_dim3A_199 = arith.constant 15 : i32
      %broadcast_in_dim3A_200 = vector.broadcast %broadcast_in_dim3A_199 : i32 to vector<16xi32>
      %gather3A_201 = tpu.vector_load_idx %arg9[%add3A_108, %broadcast_in_dim3A_200] : memref<128x32xf32, #tpu.memory_space<vmem>>[vector<16xi32>, vector<16xi32>], vector<16xf32>,
      %gather3A_202 = tpu.vector_load_idx %arg10[%add3A_108, %broadcast_in_dim3A_200] : memref<128x32xf32, #tpu.memory_space<vmem>>[vector<16xi32>, vector<16xi32>], vector<16xf32>,
      %mul3A_203 = arith.mulf %gather3A_201, %gather3A_202 : vector<16xf32>
      %add3A_204 = arith.addf %add3A_198, %mul3A_203 : vector<16xf32>
      %broadcast_in_dim3A_205 = arith.constant 16 : i32
      %broadcast_in_dim3A_206 = vector.broadcast %broadcast_in_dim3A_205 : i32 to vector<16xi32>
      %gather3A_207 = tpu.vector_load_idx %arg9[%add3A_108, %broadcast_in_dim3A_206] : memref<128x32xf32, #tpu.memory_space<vmem>>[vector<16xi32>, vector<16xi32>], vector<16xf32>,
      %gather3A_208 = tpu.vector_load_idx %arg10[%add3A_108, %broadcast_in_dim3A_206] : memref<128x32xf32, #tpu.memory_space<vmem>>[vector<16xi32>, vector<16xi32>], vector<16xf32>,
      %mul3A_209 = arith.mulf %gather3A_207, %gather3A_208 : vector<16xf32>
      %add3A_210 = arith.addf %add3A_204, %mul3A_209 : vector<16xf32>
      %broadcast_in_dim3A_211 = arith.constant 17 : i32
      %broadcast_in_dim3A_212 = vector.broadcast %broadcast_in_dim3A_211 : i32 to vector<16xi32>
      %gather3A_213 = tpu.vector_load_idx %arg9[%add3A_108, %broadcast_in_dim3A_212] : memref<128x32xf32, #tpu.memory_space<vmem>>[vector<16xi32>, vector<16xi32>], vector<16xf32>,
      %gather3A_214 = tpu.vector_load_idx %arg10[%add3A_108, %broadcast_in_dim3A_212] : memref<128x32xf32, #tpu.memory_space<vmem>>[vector<16xi32>, vector<16xi32>], vector<16xf32>,
      %mul3A_215 = arith.mulf %gather3A_213, %gather3A_214 : vector<16xf32>
      %add3A_216 = arith.addf %add3A_210, %mul3A_215 : vector<16xf32>
      %broadcast_in_dim3A_217 = arith.constant 18 : i32
      %broadcast_in_dim3A_218 = vector.broadcast %broadcast_in_dim3A_217 : i32 to vector<16xi32>
      %gather3A_219 = tpu.vector_load_idx %arg9[%add3A_108, %broadcast_in_dim3A_218] : memref<128x32xf32, #tpu.memory_space<vmem>>[vector<16xi32>, vector<16xi32>], vector<16xf32>,
      %gather3A_220 = tpu.vector_load_idx %arg10[%add3A_108, %broadcast_in_dim3A_218] : memref<128x32xf32, #tpu.memory_space<vmem>>[vector<16xi32>, vector<16xi32>], vector<16xf32>,
      %mul3A_221 = arith.mulf %gather3A_219, %gather3A_220 : vector<16xf32>
      %add3A_222 = arith.addf %add3A_216, %mul3A_221 : vector<16xf32>
      %broadcast_in_dim3A_223 = arith.constant 19 : i32
      %broadcast_in_dim3A_224 = vector.broadcast %broadcast_in_dim3A_223 : i32 to vector<16xi32>
      %gather3A_225 = tpu.vector_load_idx %arg9[%add3A_108, %broadcast_in_dim3A_224] : memref<128x32xf32, #tpu.memory_space<vmem>>[vector<16xi32>, vector<16xi32>], vector<16xf32>,
      %gather3A_226 = tpu.vector_load_idx %arg10[%add3A_108, %broadcast_in_dim3A_224] : memref<128x32xf32, #tpu.memory_space<vmem>>[vector<16xi32>, vector<16xi32>], vector<16xf32>,
      %mul3A_227 = arith.mulf %gather3A_225, %gather3A_226 : vector<16xf32>
      %add3A_228 = arith.addf %add3A_222, %mul3A_227 : vector<16xf32>
      %broadcast_in_dim3A_229 = arith.constant 20 : i32
      %broadcast_in_dim3A_230 = vector.broadcast %broadcast_in_dim3A_229 : i32 to vector<16xi32>
      %gather3A_231 = tpu.vector_load_idx %arg9[%add3A_108, %broadcast_in_dim3A_230] : memref<128x32xf32, #tpu.memory_space<vmem>>[vector<16xi32>, vector<16xi32>], vector<16xf32>,
      %gather3A_232 = tpu.vector_load_idx %arg10[%add3A_108, %broadcast_in_dim3A_230] : memref<128x32xf32, #tpu.memory_space<vmem>>[vector<16xi32>, vector<16xi32>], vector<16xf32>,
      %mul3A_233 = arith.mulf %gather3A_231, %gather3A_232 : vector<16xf32>
      %add3A_234 = arith.addf %add3A_228, %mul3A_233 : vector<16xf32>
      %broadcast_in_dim3A_235 = arith.constant 21 : i32
      %broadcast_in_dim3A_236 = vector.broadcast %broadcast_in_dim3A_235 : i32 to vector<16xi32>
      %gather3A_237 = tpu.vector_load_idx %arg9[%add3A_108, %broadcast_in_dim3A_236] : memref<128x32xf32, #tpu.memory_space<vmem>>[vector<16xi32>, vector<16xi32>], vector<16xf32>,
      %gather3A_238 = tpu.vector_load_idx %arg10[%add3A_108, %broadcast_in_dim3A_236] : memref<128x32xf32, #tpu.memory_space<vmem>>[vector<16xi32>, vector<16xi32>], vector<16xf32>,
      %mul3A_239 = arith.mulf %gather3A_237, %gather3A_238 : vector<16xf32>
      %add3A_240 = arith.addf %add3A_234, %mul3A_239 : vector<16xf32>
      %broadcast_in_dim3A_241 = arith.constant 22 : i32
      %broadcast_in_dim3A_242 = vector.broadcast %broadcast_in_dim3A_241 : i32 to vector<16xi32>
      %gather3A_243 = tpu.vector_load_idx %arg9[%add3A_108, %broadcast_in_dim3A_242] : memref<128x32xf32, #tpu.memory_space<vmem>>[vector<16xi32>, vector<16xi32>], vector<16xf32>,
      %gather3A_244 = tpu.vector_load_idx %arg10[%add3A_108, %broadcast_in_dim3A_242] : memref<128x32xf32, #tpu.memory_space<vmem>>[vector<16xi32>, vector<16xi32>], vector<16xf32>,
      %mul3A_245 = arith.mulf %gather3A_243, %gather3A_244 : vector<16xf32>
      %add3A_246 = arith.addf %add3A_240, %mul3A_245 : vector<16xf32>
      %broadcast_in_dim3A_247 = arith.constant 23 : i32
      %broadcast_in_dim3A_248 = vector.broadcast %broadcast_in_dim3A_247 : i32 to vector<16xi32>
      %gather3A_249 = tpu.vector_load_idx %arg9[%add3A_108, %broadcast_in_dim3A_248] : memref<128x32xf32, #tpu.memory_space<vmem>>[vector<16xi32>, vector<16xi32>], vector<16xf32>,
      %gather3A_250 = tpu.vector_load_idx %arg10[%add3A_108, %broadcast_in_dim3A_248] : memref<128x32xf32, #tpu.memory_space<vmem>>[vector<16xi32>, vector<16xi32>], vector<16xf32>,
      %mul3A_251 = arith.mulf %gather3A_249, %gather3A_250 : vector<16xf32>
      %add3A_252 = arith.addf %add3A_246, %mul3A_251 : vector<16xf32>
      %broadcast_in_dim3A_253 = arith.constant 24 : i32
      %broadcast_in_dim3A_254 = vector.broadcast %broadcast_in_dim3A_253 : i32 to vector<16xi32>
      %gather3A_255 = tpu.vector_load_idx %arg9[%add3A_108, %broadcast_in_dim3A_254] : memref<128x32xf32, #tpu.memory_space<vmem>>[vector<16xi32>, vector<16xi32>], vector<16xf32>,
      %gather3A_256 = tpu.vector_load_idx %arg10[%add3A_108, %broadcast_in_dim3A_254] : memref<128x32xf32, #tpu.memory_space<vmem>>[vector<16xi32>, vector<16xi32>], vector<16xf32>,
      %mul3A_257 = arith.mulf %gather3A_255, %gather3A_256 : vector<16xf32>
      %add3A_258 = arith.addf %add3A_252, %mul3A_257 : vector<16xf32>
      %broadcast_in_dim3A_259 = arith.constant 25 : i32
      %broadcast_in_dim3A_260 = vector.broadcast %broadcast_in_dim3A_259 : i32 to vector<16xi32>
      %gather3A_261 = tpu.vector_load_idx %arg9[%add3A_108, %broadcast_in_dim3A_260] : memref<128x32xf32, #tpu.memory_space<vmem>>[vector<16xi32>, vector<16xi32>], vector<16xf32>,
      %gather3A_262 = tpu.vector_load_idx %arg10[%add3A_108, %broadcast_in_dim3A_260] : memref<128x32xf32, #tpu.memory_space<vmem>>[vector<16xi32>, vector<16xi32>], vector<16xf32>,
      %mul3A_263 = arith.mulf %gather3A_261, %gather3A_262 : vector<16xf32>
      %add3A_264 = arith.addf %add3A_258, %mul3A_263 : vector<16xf32>
      %broadcast_in_dim3A_265 = arith.constant 26 : i32
      %broadcast_in_dim3A_266 = vector.broadcast %broadcast_in_dim3A_265 : i32 to vector<16xi32>
      %gather3A_267 = tpu.vector_load_idx %arg9[%add3A_108, %broadcast_in_dim3A_266] : memref<128x32xf32, #tpu.memory_space<vmem>>[vector<16xi32>, vector<16xi32>], vector<16xf32>,
      %gather3A_268 = tpu.vector_load_idx %arg10[%add3A_108, %broadcast_in_dim3A_266] : memref<128x32xf32, #tpu.memory_space<vmem>>[vector<16xi32>, vector<16xi32>], vector<16xf32>,
      %mul3A_269 = arith.mulf %gather3A_267, %gather3A_268 : vector<16xf32>
      %add3A_270 = arith.addf %add3A_264, %mul3A_269 : vector<16xf32>
      %broadcast_in_dim3A_271 = arith.constant 27 : i32
      %broadcast_in_dim3A_272 = vector.broadcast %broadcast_in_dim3A_271 : i32 to vector<16xi32>
      %gather3A_273 = tpu.vector_load_idx %arg9[%add3A_108, %broadcast_in_dim3A_272] : memref<128x32xf32, #tpu.memory_space<vmem>>[vector<16xi32>, vector<16xi32>], vector<16xf32>,
      %gather3A_274 = tpu.vector_load_idx %arg10[%add3A_108, %broadcast_in_dim3A_272] : memref<128x32xf32, #tpu.memory_space<vmem>>[vector<16xi32>, vector<16xi32>], vector<16xf32>,
      %mul3A_275 = arith.mulf %gather3A_273, %gather3A_274 : vector<16xf32>
      %add3A_276 = arith.addf %add3A_270, %mul3A_275 : vector<16xf32>
      %broadcast_in_dim3A_277 = arith.constant 28 : i32
      %broadcast_in_dim3A_278 = vector.broadcast %broadcast_in_dim3A_277 : i32 to vector<16xi32>
      %gather3A_279 = tpu.vector_load_idx %arg9[%add3A_108, %broadcast_in_dim3A_278] : memref<128x32xf32, #tpu.memory_space<vmem>>[vector<16xi32>, vector<16xi32>], vector<16xf32>,
      %gather3A_280 = tpu.vector_load_idx %arg10[%add3A_108, %broadcast_in_dim3A_278] : memref<128x32xf32, #tpu.memory_space<vmem>>[vector<16xi32>, vector<16xi32>], vector<16xf32>,
      %mul3A_281 = arith.mulf %gather3A_279, %gather3A_280 : vector<16xf32>
      %add3A_282 = arith.addf %add3A_276, %mul3A_281 : vector<16xf32>
      %broadcast_in_dim3A_283 = arith.constant 29 : i32
      %broadcast_in_dim3A_284 = vector.broadcast %broadcast_in_dim3A_283 : i32 to vector<16xi32>
      %gather3A_285 = tpu.vector_load_idx %arg9[%add3A_108, %broadcast_in_dim3A_284] : memref<128x32xf32, #tpu.memory_space<vmem>>[vector<16xi32>, vector<16xi32>], vector<16xf32>,
      %gather3A_286 = tpu.vector_load_idx %arg10[%add3A_108, %broadcast_in_dim3A_284] : memref<128x32xf32, #tpu.memory_space<vmem>>[vector<16xi32>, vector<16xi32>], vector<16xf32>,
      %mul3A_287 = arith.mulf %gather3A_285, %gather3A_286 : vector<16xf32>
      %add3A_288 = arith.addf %add3A_282, %mul3A_287 : vector<16xf32>
      %broadcast_in_dim3A_289 = arith.constant 30 : i32
      %broadcast_in_dim3A_290 = vector.broadcast %broadcast_in_dim3A_289 : i32 to vector<16xi32>
      %gather3A_291 = tpu.vector_load_idx %arg9[%add3A_108, %broadcast_in_dim3A_290] : memref<128x32xf32, #tpu.memory_space<vmem>>[vector<16xi32>, vector<16xi32>], vector<16xf32>,
      %gather3A_292 = tpu.vector_load_idx %arg10[%add3A_108, %broadcast_in_dim3A_290] : memref<128x32xf32, #tpu.memory_space<vmem>>[vector<16xi32>, vector<16xi32>], vector<16xf32>,
      %mul3A_293 = arith.mulf %gather3A_291, %gather3A_292 : vector<16xf32>
      %add3A_294 = arith.addf %add3A_288, %mul3A_293 : vector<16xf32>
      %broadcast_in_dim3A_295 = arith.constant 31 : i32
      %broadcast_in_dim3A_296 = vector.broadcast %broadcast_in_dim3A_295 : i32 to vector<16xi32>
      %gather3A_297 = tpu.vector_load_idx %arg9[%add3A_108, %broadcast_in_dim3A_296] : memref<128x32xf32, #tpu.memory_space<vmem>>[vector<16xi32>, vector<16xi32>], vector<16xf32>,
      %gather3A_298 = tpu.vector_load_idx %arg10[%add3A_108, %broadcast_in_dim3A_296] : memref<128x32xf32, #tpu.memory_space<vmem>>[vector<16xi32>, vector<16xi32>], vector<16xf32>,
      %mul3A_299 = arith.mulf %gather3A_297, %gather3A_298 : vector<16xf32>
      %add3A_300 = arith.addf %add3A_294, %mul3A_299 : vector<16xf32>
      %mul3A_301 = arith.constant 16 : i32
      %mul3A_302 = arith.muli %scan3A_104, %mul3A_301 : i32
      %add3A_303 = arith.constant 256 : i32
      %add3A_304 = arith.addi %add3A_303, %mul3A_302 : i32
      %swap3A = arith.index_cast %add3A_304 : i32 to index
      %swap3A_305 = tpu.vector_load %arg13[%swap3A] {strides = array<i32>} : memref<512xf32, #tpu.memory_space<vmem>>, vector<16xf32>,
      tpu.vector_store %arg13[%swap3A], %add3A_300 {strides = array<i32>} : memref<512xf32, #tpu.memory_space<vmem>>, vector<16xf32>,
    }
    %scan3A_87 = arith.constant 8 : i32
    %dma_wait3A_88 = arith.constant 384 : i32
    %dma_wait3A_89 = tpu.memref_slice %arg7[%dma_wait3A_88] : memref<512xi32, #tpu.memory_space<vmem>> -> memref<128xi32, #tpu.memory_space<vmem>>
    %dma_wait3A_90 = arith.constant 0 : i32
    %dma_wait3A_91 = arith.constant 0 : i32
    %dma_wait3A_92 = tpu.memref_slice %arg4[%dma_wait3A_90, %dma_wait3A_91] : memref<1000000x32xf32, #tpu.memory_space<hbm>> -> memref<1000000x32xf32, #tpu.memory_space<hbm>>
    tpu.wait_indirect_dma semaphore(%arg15 : memref<!tpu.dma_semaphore, #tpu.memory_space<semaphore_mem>>) src(%dma_wait3A_92 : memref<1000000x32xf32, #tpu.memory_space<hbm>>) dst(%arg11 : memref<128x32xf32, #tpu.memory_space<vmem>>)
    %dma_wait3A_93 = arith.constant 384 : i32
    %dma_wait3A_94 = tpu.memref_slice %arg8[%dma_wait3A_93] : memref<512xi32, #tpu.memory_space<vmem>> -> memref<128xi32, #tpu.memory_space<vmem>>
    %dma_wait3A_95 = arith.constant 0 : i32
    %dma_wait3A_96 = arith.constant 0 : i32
    %dma_wait3A_97 = tpu.memref_slice %arg5[%dma_wait3A_95, %dma_wait3A_96] : memref<100000x32xf32, #tpu.memory_space<hbm>> -> memref<100000x32xf32, #tpu.memory_space<hbm>>
    tpu.wait_indirect_dma semaphore(%arg15 : memref<!tpu.dma_semaphore, #tpu.memory_space<semaphore_mem>>) src(%dma_wait3A_97 : memref<100000x32xf32, #tpu.memory_space<hbm>>) dst(%arg12 : memref<128x32xf32, #tpu.memory_space<vmem>>)
    %scan3A_98 = arith.constant 0 : i32
    %scan3A_99 = arith.constant 0 : i32
    %scan3A_100 = arith.constant 8 : i32
    %scan3A_101 = arith.addi %scan3A_99, %scan3A_100 : i32
    %scan3A_102 = arith.constant 1 : i32
    scf.for %scan3A_104 = %scan3A_99 to %scan3A_101 step %scan3A_102  : i32 {
      %mul3A_105 = arith.constant 16 : i32
      %mul3A_106 = arith.muli %scan3A_104, %mul3A_105 : i32
      %add3A_107 = vector.broadcast %mul3A_106 : i32 to vector<16xi32>
      %add3A_108 = arith.addi %iota3A, %add3A_107 : vector<16xi32>
      %broadcast_in_dim3A = arith.constant 0.000000e+00 : f32
      %broadcast_in_dim3A_109 = vector.broadcast %broadcast_in_dim3A : f32 to vector<16xf32>
      %broadcast_in_dim3A_110 = arith.constant 0 : i32
      %broadcast_in_dim3A_111 = vector.broadcast %broadcast_in_dim3A_110 : i32 to vector<16xi32>
      %gather3A = tpu.vector_load_idx %arg11[%add3A_108, %broadcast_in_dim3A_111] : memref<128x32xf32, #tpu.memory_space<vmem>>[vector<16xi32>, vector<16xi32>], vector<16xf32>,
      %gather3A_112 = tpu.vector_load_idx %arg12[%add3A_108, %broadcast_in_dim3A_111] : memref<128x32xf32, #tpu.memory_space<vmem>>[vector<16xi32>, vector<16xi32>], vector<16xf32>,
      %mul3A_113 = arith.mulf %gather3A, %gather3A_112 : vector<16xf32>
      %add3A_114 = arith.addf %broadcast_in_dim3A_109, %mul3A_113 : vector<16xf32>
      %broadcast_in_dim3A_115 = arith.constant 1 : i32
      %broadcast_in_dim3A_116 = vector.broadcast %broadcast_in_dim3A_115 : i32 to vector<16xi32>
      %gather3A_117 = tpu.vector_load_idx %arg11[%add3A_108, %broadcast_in_dim3A_116] : memref<128x32xf32, #tpu.memory_space<vmem>>[vector<16xi32>, vector<16xi32>], vector<16xf32>,
      %gather3A_118 = tpu.vector_load_idx %arg12[%add3A_108, %broadcast_in_dim3A_116] : memref<128x32xf32, #tpu.memory_space<vmem>>[vector<16xi32>, vector<16xi32>], vector<16xf32>,
      %mul3A_119 = arith.mulf %gather3A_117, %gather3A_118 : vector<16xf32>
      %add3A_120 = arith.addf %add3A_114, %mul3A_119 : vector<16xf32>
      %broadcast_in_dim3A_121 = arith.constant 2 : i32
      %broadcast_in_dim3A_122 = vector.broadcast %broadcast_in_dim3A_121 : i32 to vector<16xi32>
      %gather3A_123 = tpu.vector_load_idx %arg11[%add3A_108, %broadcast_in_dim3A_122] : memref<128x32xf32, #tpu.memory_space<vmem>>[vector<16xi32>, vector<16xi32>], vector<16xf32>,
      %gather3A_124 = tpu.vector_load_idx %arg12[%add3A_108, %broadcast_in_dim3A_122] : memref<128x32xf32, #tpu.memory_space<vmem>>[vector<16xi32>, vector<16xi32>], vector<16xf32>,
      %mul3A_125 = arith.mulf %gather3A_123, %gather3A_124 : vector<16xf32>
      %add3A_126 = arith.addf %add3A_120, %mul3A_125 : vector<16xf32>
      %broadcast_in_dim3A_127 = arith.constant 3 : i32
      %broadcast_in_dim3A_128 = vector.broadcast %broadcast_in_dim3A_127 : i32 to vector<16xi32>
      %gather3A_129 = tpu.vector_load_idx %arg11[%add3A_108, %broadcast_in_dim3A_128] : memref<128x32xf32, #tpu.memory_space<vmem>>[vector<16xi32>, vector<16xi32>], vector<16xf32>,
      %gather3A_130 = tpu.vector_load_idx %arg12[%add3A_108, %broadcast_in_dim3A_128] : memref<128x32xf32, #tpu.memory_space<vmem>>[vector<16xi32>, vector<16xi32>], vector<16xf32>,
      %mul3A_131 = arith.mulf %gather3A_129, %gather3A_130 : vector<16xf32>
      %add3A_132 = arith.addf %add3A_126, %mul3A_131 : vector<16xf32>
      %broadcast_in_dim3A_133 = arith.constant 4 : i32
      %broadcast_in_dim3A_134 = vector.broadcast %broadcast_in_dim3A_133 : i32 to vector<16xi32>
      %gather3A_135 = tpu.vector_load_idx %arg11[%add3A_108, %broadcast_in_dim3A_134] : memref<128x32xf32, #tpu.memory_space<vmem>>[vector<16xi32>, vector<16xi32>], vector<16xf32>,
      %gather3A_136 = tpu.vector_load_idx %arg12[%add3A_108, %broadcast_in_dim3A_134] : memref<128x32xf32, #tpu.memory_space<vmem>>[vector<16xi32>, vector<16xi32>], vector<16xf32>,
      %mul3A_137 = arith.mulf %gather3A_135, %gather3A_136 : vector<16xf32>
      %add3A_138 = arith.addf %add3A_132, %mul3A_137 : vector<16xf32>
      %broadcast_in_dim3A_139 = arith.constant 5 : i32
      %broadcast_in_dim3A_140 = vector.broadcast %broadcast_in_dim3A_139 : i32 to vector<16xi32>
      %gather3A_141 = tpu.vector_load_idx %arg11[%add3A_108, %broadcast_in_dim3A_140] : memref<128x32xf32, #tpu.memory_space<vmem>>[vector<16xi32>, vector<16xi32>], vector<16xf32>,
      %gather3A_142 = tpu.vector_load_idx %arg12[%add3A_108, %broadcast_in_dim3A_140] : memref<128x32xf32, #tpu.memory_space<vmem>>[vector<16xi32>, vector<16xi32>], vector<16xf32>,
      %mul3A_143 = arith.mulf %gather3A_141, %gather3A_142 : vector<16xf32>
      %add3A_144 = arith.addf %add3A_138, %mul3A_143 : vector<16xf32>
      %broadcast_in_dim3A_145 = arith.constant 6 : i32
      %broadcast_in_dim3A_146 = vector.broadcast %broadcast_in_dim3A_145 : i32 to vector<16xi32>
      %gather3A_147 = tpu.vector_load_idx %arg11[%add3A_108, %broadcast_in_dim3A_146] : memref<128x32xf32, #tpu.memory_space<vmem>>[vector<16xi32>, vector<16xi32>], vector<16xf32>,
      %gather3A_148 = tpu.vector_load_idx %arg12[%add3A_108, %broadcast_in_dim3A_146] : memref<128x32xf32, #tpu.memory_space<vmem>>[vector<16xi32>, vector<16xi32>], vector<16xf32>,
      %mul3A_149 = arith.mulf %gather3A_147, %gather3A_148 : vector<16xf32>
      %add3A_150 = arith.addf %add3A_144, %mul3A_149 : vector<16xf32>
      %broadcast_in_dim3A_151 = arith.constant 7 : i32
      %broadcast_in_dim3A_152 = vector.broadcast %broadcast_in_dim3A_151 : i32 to vector<16xi32>
      %gather3A_153 = tpu.vector_load_idx %arg11[%add3A_108, %broadcast_in_dim3A_152] : memref<128x32xf32, #tpu.memory_space<vmem>>[vector<16xi32>, vector<16xi32>], vector<16xf32>,
      %gather3A_154 = tpu.vector_load_idx %arg12[%add3A_108, %broadcast_in_dim3A_152] : memref<128x32xf32, #tpu.memory_space<vmem>>[vector<16xi32>, vector<16xi32>], vector<16xf32>,
      %mul3A_155 = arith.mulf %gather3A_153, %gather3A_154 : vector<16xf32>
      %add3A_156 = arith.addf %add3A_150, %mul3A_155 : vector<16xf32>
      %broadcast_in_dim3A_157 = arith.constant 8 : i32
      %broadcast_in_dim3A_158 = vector.broadcast %broadcast_in_dim3A_157 : i32 to vector<16xi32>
      %gather3A_159 = tpu.vector_load_idx %arg11[%add3A_108, %broadcast_in_dim3A_158] : memref<128x32xf32, #tpu.memory_space<vmem>>[vector<16xi32>, vector<16xi32>], vector<16xf32>,
      %gather3A_160 = tpu.vector_load_idx %arg12[%add3A_108, %broadcast_in_dim3A_158] : memref<128x32xf32, #tpu.memory_space<vmem>>[vector<16xi32>, vector<16xi32>], vector<16xf32>,
      %mul3A_161 = arith.mulf %gather3A_159, %gather3A_160 : vector<16xf32>
      %add3A_162 = arith.addf %add3A_156, %mul3A_161 : vector<16xf32>
      %broadcast_in_dim3A_163 = arith.constant 9 : i32
      %broadcast_in_dim3A_164 = vector.broadcast %broadcast_in_dim3A_163 : i32 to vector<16xi32>
      %gather3A_165 = tpu.vector_load_idx %arg11[%add3A_108, %broadcast_in_dim3A_164] : memref<128x32xf32, #tpu.memory_space<vmem>>[vector<16xi32>, vector<16xi32>], vector<16xf32>,
      %gather3A_166 = tpu.vector_load_idx %arg12[%add3A_108, %broadcast_in_dim3A_164] : memref<128x32xf32, #tpu.memory_space<vmem>>[vector<16xi32>, vector<16xi32>], vector<16xf32>,
      %mul3A_167 = arith.mulf %gather3A_165, %gather3A_166 : vector<16xf32>
      %add3A_168 = arith.addf %add3A_162, %mul3A_167 : vector<16xf32>
      %broadcast_in_dim3A_169 = arith.constant 10 : i32
      %broadcast_in_dim3A_170 = vector.broadcast %broadcast_in_dim3A_169 : i32 to vector<16xi32>
      %gather3A_171 = tpu.vector_load_idx %arg11[%add3A_108, %broadcast_in_dim3A_170] : memref<128x32xf32, #tpu.memory_space<vmem>>[vector<16xi32>, vector<16xi32>], vector<16xf32>,
      %gather3A_172 = tpu.vector_load_idx %arg12[%add3A_108, %broadcast_in_dim3A_170] : memref<128x32xf32, #tpu.memory_space<vmem>>[vector<16xi32>, vector<16xi32>], vector<16xf32>,
      %mul3A_173 = arith.mulf %gather3A_171, %gather3A_172 : vector<16xf32>
      %add3A_174 = arith.addf %add3A_168, %mul3A_173 : vector<16xf32>
      %broadcast_in_dim3A_175 = arith.constant 11 : i32
      %broadcast_in_dim3A_176 = vector.broadcast %broadcast_in_dim3A_175 : i32 to vector<16xi32>
      %gather3A_177 = tpu.vector_load_idx %arg11[%add3A_108, %broadcast_in_dim3A_176] : memref<128x32xf32, #tpu.memory_space<vmem>>[vector<16xi32>, vector<16xi32>], vector<16xf32>,
      %gather3A_178 = tpu.vector_load_idx %arg12[%add3A_108, %broadcast_in_dim3A_176] : memref<128x32xf32, #tpu.memory_space<vmem>>[vector<16xi32>, vector<16xi32>], vector<16xf32>,
      %mul3A_179 = arith.mulf %gather3A_177, %gather3A_178 : vector<16xf32>
      %add3A_180 = arith.addf %add3A_174, %mul3A_179 : vector<16xf32>
      %broadcast_in_dim3A_181 = arith.constant 12 : i32
      %broadcast_in_dim3A_182 = vector.broadcast %broadcast_in_dim3A_181 : i32 to vector<16xi32>
      %gather3A_183 = tpu.vector_load_idx %arg11[%add3A_108, %broadcast_in_dim3A_182] : memref<128x32xf32, #tpu.memory_space<vmem>>[vector<16xi32>, vector<16xi32>], vector<16xf32>,
      %gather3A_184 = tpu.vector_load_idx %arg12[%add3A_108, %broadcast_in_dim3A_182] : memref<128x32xf32, #tpu.memory_space<vmem>>[vector<16xi32>, vector<16xi32>], vector<16xf32>,
      %mul3A_185 = arith.mulf %gather3A_183, %gather3A_184 : vector<16xf32>
      %add3A_186 = arith.addf %add3A_180, %mul3A_185 : vector<16xf32>
      %broadcast_in_dim3A_187 = arith.constant 13 : i32
      %broadcast_in_dim3A_188 = vector.broadcast %broadcast_in_dim3A_187 : i32 to vector<16xi32>
      %gather3A_189 = tpu.vector_load_idx %arg11[%add3A_108, %broadcast_in_dim3A_188] : memref<128x32xf32, #tpu.memory_space<vmem>>[vector<16xi32>, vector<16xi32>], vector<16xf32>,
      %gather3A_190 = tpu.vector_load_idx %arg12[%add3A_108, %broadcast_in_dim3A_188] : memref<128x32xf32, #tpu.memory_space<vmem>>[vector<16xi32>, vector<16xi32>], vector<16xf32>,
      %mul3A_191 = arith.mulf %gather3A_189, %gather3A_190 : vector<16xf32>
      %add3A_192 = arith.addf %add3A_186, %mul3A_191 : vector<16xf32>
      %broadcast_in_dim3A_193 = arith.constant 14 : i32
      %broadcast_in_dim3A_194 = vector.broadcast %broadcast_in_dim3A_193 : i32 to vector<16xi32>
      %gather3A_195 = tpu.vector_load_idx %arg11[%add3A_108, %broadcast_in_dim3A_194] : memref<128x32xf32, #tpu.memory_space<vmem>>[vector<16xi32>, vector<16xi32>], vector<16xf32>,
      %gather3A_196 = tpu.vector_load_idx %arg12[%add3A_108, %broadcast_in_dim3A_194] : memref<128x32xf32, #tpu.memory_space<vmem>>[vector<16xi32>, vector<16xi32>], vector<16xf32>,
      %mul3A_197 = arith.mulf %gather3A_195, %gather3A_196 : vector<16xf32>
      %add3A_198 = arith.addf %add3A_192, %mul3A_197 : vector<16xf32>
      %broadcast_in_dim3A_199 = arith.constant 15 : i32
      %broadcast_in_dim3A_200 = vector.broadcast %broadcast_in_dim3A_199 : i32 to vector<16xi32>
      %gather3A_201 = tpu.vector_load_idx %arg11[%add3A_108, %broadcast_in_dim3A_200] : memref<128x32xf32, #tpu.memory_space<vmem>>[vector<16xi32>, vector<16xi32>], vector<16xf32>,
      %gather3A_202 = tpu.vector_load_idx %arg12[%add3A_108, %broadcast_in_dim3A_200] : memref<128x32xf32, #tpu.memory_space<vmem>>[vector<16xi32>, vector<16xi32>], vector<16xf32>,
      %mul3A_203 = arith.mulf %gather3A_201, %gather3A_202 : vector<16xf32>
      %add3A_204 = arith.addf %add3A_198, %mul3A_203 : vector<16xf32>
      %broadcast_in_dim3A_205 = arith.constant 16 : i32
      %broadcast_in_dim3A_206 = vector.broadcast %broadcast_in_dim3A_205 : i32 to vector<16xi32>
      %gather3A_207 = tpu.vector_load_idx %arg11[%add3A_108, %broadcast_in_dim3A_206] : memref<128x32xf32, #tpu.memory_space<vmem>>[vector<16xi32>, vector<16xi32>], vector<16xf32>,
      %gather3A_208 = tpu.vector_load_idx %arg12[%add3A_108, %broadcast_in_dim3A_206] : memref<128x32xf32, #tpu.memory_space<vmem>>[vector<16xi32>, vector<16xi32>], vector<16xf32>,
      %mul3A_209 = arith.mulf %gather3A_207, %gather3A_208 : vector<16xf32>
      %add3A_210 = arith.addf %add3A_204, %mul3A_209 : vector<16xf32>
      %broadcast_in_dim3A_211 = arith.constant 17 : i32
      %broadcast_in_dim3A_212 = vector.broadcast %broadcast_in_dim3A_211 : i32 to vector<16xi32>
      %gather3A_213 = tpu.vector_load_idx %arg11[%add3A_108, %broadcast_in_dim3A_212] : memref<128x32xf32, #tpu.memory_space<vmem>>[vector<16xi32>, vector<16xi32>], vector<16xf32>,
      %gather3A_214 = tpu.vector_load_idx %arg12[%add3A_108, %broadcast_in_dim3A_212] : memref<128x32xf32, #tpu.memory_space<vmem>>[vector<16xi32>, vector<16xi32>], vector<16xf32>,
      %mul3A_215 = arith.mulf %gather3A_213, %gather3A_214 : vector<16xf32>
      %add3A_216 = arith.addf %add3A_210, %mul3A_215 : vector<16xf32>
      %broadcast_in_dim3A_217 = arith.constant 18 : i32
      %broadcast_in_dim3A_218 = vector.broadcast %broadcast_in_dim3A_217 : i32 to vector<16xi32>
      %gather3A_219 = tpu.vector_load_idx %arg11[%add3A_108, %broadcast_in_dim3A_218] : memref<128x32xf32, #tpu.memory_space<vmem>>[vector<16xi32>, vector<16xi32>], vector<16xf32>,
      %gather3A_220 = tpu.vector_load_idx %arg12[%add3A_108, %broadcast_in_dim3A_218] : memref<128x32xf32, #tpu.memory_space<vmem>>[vector<16xi32>, vector<16xi32>], vector<16xf32>,
      %mul3A_221 = arith.mulf %gather3A_219, %gather3A_220 : vector<16xf32>
      %add3A_222 = arith.addf %add3A_216, %mul3A_221 : vector<16xf32>
      %broadcast_in_dim3A_223 = arith.constant 19 : i32
      %broadcast_in_dim3A_224 = vector.broadcast %broadcast_in_dim3A_223 : i32 to vector<16xi32>
      %gather3A_225 = tpu.vector_load_idx %arg11[%add3A_108, %broadcast_in_dim3A_224] : memref<128x32xf32, #tpu.memory_space<vmem>>[vector<16xi32>, vector<16xi32>], vector<16xf32>,
      %gather3A_226 = tpu.vector_load_idx %arg12[%add3A_108, %broadcast_in_dim3A_224] : memref<128x32xf32, #tpu.memory_space<vmem>>[vector<16xi32>, vector<16xi32>], vector<16xf32>,
      %mul3A_227 = arith.mulf %gather3A_225, %gather3A_226 : vector<16xf32>
      %add3A_228 = arith.addf %add3A_222, %mul3A_227 : vector<16xf32>
      %broadcast_in_dim3A_229 = arith.constant 20 : i32
      %broadcast_in_dim3A_230 = vector.broadcast %broadcast_in_dim3A_229 : i32 to vector<16xi32>
      %gather3A_231 = tpu.vector_load_idx %arg11[%add3A_108, %broadcast_in_dim3A_230] : memref<128x32xf32, #tpu.memory_space<vmem>>[vector<16xi32>, vector<16xi32>], vector<16xf32>,
      %gather3A_232 = tpu.vector_load_idx %arg12[%add3A_108, %broadcast_in_dim3A_230] : memref<128x32xf32, #tpu.memory_space<vmem>>[vector<16xi32>, vector<16xi32>], vector<16xf32>,
      %mul3A_233 = arith.mulf %gather3A_231, %gather3A_232 : vector<16xf32>
      %add3A_234 = arith.addf %add3A_228, %mul3A_233 : vector<16xf32>
      %broadcast_in_dim3A_235 = arith.constant 21 : i32
      %broadcast_in_dim3A_236 = vector.broadcast %broadcast_in_dim3A_235 : i32 to vector<16xi32>
      %gather3A_237 = tpu.vector_load_idx %arg11[%add3A_108, %broadcast_in_dim3A_236] : memref<128x32xf32, #tpu.memory_space<vmem>>[vector<16xi32>, vector<16xi32>], vector<16xf32>,
      %gather3A_238 = tpu.vector_load_idx %arg12[%add3A_108, %broadcast_in_dim3A_236] : memref<128x32xf32, #tpu.memory_space<vmem>>[vector<16xi32>, vector<16xi32>], vector<16xf32>,
      %mul3A_239 = arith.mulf %gather3A_237, %gather3A_238 : vector<16xf32>
      %add3A_240 = arith.addf %add3A_234, %mul3A_239 : vector<16xf32>
      %broadcast_in_dim3A_241 = arith.constant 22 : i32
      %broadcast_in_dim3A_242 = vector.broadcast %broadcast_in_dim3A_241 : i32 to vector<16xi32>
      %gather3A_243 = tpu.vector_load_idx %arg11[%add3A_108, %broadcast_in_dim3A_242] : memref<128x32xf32, #tpu.memory_space<vmem>>[vector<16xi32>, vector<16xi32>], vector<16xf32>,
      %gather3A_244 = tpu.vector_load_idx %arg12[%add3A_108, %broadcast_in_dim3A_242] : memref<128x32xf32, #tpu.memory_space<vmem>>[vector<16xi32>, vector<16xi32>], vector<16xf32>,
      %mul3A_245 = arith.mulf %gather3A_243, %gather3A_244 : vector<16xf32>
      %add3A_246 = arith.addf %add3A_240, %mul3A_245 : vector<16xf32>
      %broadcast_in_dim3A_247 = arith.constant 23 : i32
      %broadcast_in_dim3A_248 = vector.broadcast %broadcast_in_dim3A_247 : i32 to vector<16xi32>
      %gather3A_249 = tpu.vector_load_idx %arg11[%add3A_108, %broadcast_in_dim3A_248] : memref<128x32xf32, #tpu.memory_space<vmem>>[vector<16xi32>, vector<16xi32>], vector<16xf32>,
      %gather3A_250 = tpu.vector_load_idx %arg12[%add3A_108, %broadcast_in_dim3A_248] : memref<128x32xf32, #tpu.memory_space<vmem>>[vector<16xi32>, vector<16xi32>], vector<16xf32>,
      %mul3A_251 = arith.mulf %gather3A_249, %gather3A_250 : vector<16xf32>
      %add3A_252 = arith.addf %add3A_246, %mul3A_251 : vector<16xf32>
      %broadcast_in_dim3A_253 = arith.constant 24 : i32
      %broadcast_in_dim3A_254 = vector.broadcast %broadcast_in_dim3A_253 : i32 to vector<16xi32>
      %gather3A_255 = tpu.vector_load_idx %arg11[%add3A_108, %broadcast_in_dim3A_254] : memref<128x32xf32, #tpu.memory_space<vmem>>[vector<16xi32>, vector<16xi32>], vector<16xf32>,
      %gather3A_256 = tpu.vector_load_idx %arg12[%add3A_108, %broadcast_in_dim3A_254] : memref<128x32xf32, #tpu.memory_space<vmem>>[vector<16xi32>, vector<16xi32>], vector<16xf32>,
      %mul3A_257 = arith.mulf %gather3A_255, %gather3A_256 : vector<16xf32>
      %add3A_258 = arith.addf %add3A_252, %mul3A_257 : vector<16xf32>
      %broadcast_in_dim3A_259 = arith.constant 25 : i32
      %broadcast_in_dim3A_260 = vector.broadcast %broadcast_in_dim3A_259 : i32 to vector<16xi32>
      %gather3A_261 = tpu.vector_load_idx %arg11[%add3A_108, %broadcast_in_dim3A_260] : memref<128x32xf32, #tpu.memory_space<vmem>>[vector<16xi32>, vector<16xi32>], vector<16xf32>,
      %gather3A_262 = tpu.vector_load_idx %arg12[%add3A_108, %broadcast_in_dim3A_260] : memref<128x32xf32, #tpu.memory_space<vmem>>[vector<16xi32>, vector<16xi32>], vector<16xf32>,
      %mul3A_263 = arith.mulf %gather3A_261, %gather3A_262 : vector<16xf32>
      %add3A_264 = arith.addf %add3A_258, %mul3A_263 : vector<16xf32>
      %broadcast_in_dim3A_265 = arith.constant 26 : i32
      %broadcast_in_dim3A_266 = vector.broadcast %broadcast_in_dim3A_265 : i32 to vector<16xi32>
      %gather3A_267 = tpu.vector_load_idx %arg11[%add3A_108, %broadcast_in_dim3A_266] : memref<128x32xf32, #tpu.memory_space<vmem>>[vector<16xi32>, vector<16xi32>], vector<16xf32>,
      %gather3A_268 = tpu.vector_load_idx %arg12[%add3A_108, %broadcast_in_dim3A_266] : memref<128x32xf32, #tpu.memory_space<vmem>>[vector<16xi32>, vector<16xi32>], vector<16xf32>,
      %mul3A_269 = arith.mulf %gather3A_267, %gather3A_268 : vector<16xf32>
      %add3A_270 = arith.addf %add3A_264, %mul3A_269 : vector<16xf32>
      %broadcast_in_dim3A_271 = arith.constant 27 : i32
      %broadcast_in_dim3A_272 = vector.broadcast %broadcast_in_dim3A_271 : i32 to vector<16xi32>
      %gather3A_273 = tpu.vector_load_idx %arg11[%add3A_108, %broadcast_in_dim3A_272] : memref<128x32xf32, #tpu.memory_space<vmem>>[vector<16xi32>, vector<16xi32>], vector<16xf32>,
      %gather3A_274 = tpu.vector_load_idx %arg12[%add3A_108, %broadcast_in_dim3A_272] : memref<128x32xf32, #tpu.memory_space<vmem>>[vector<16xi32>, vector<16xi32>], vector<16xf32>,
      %mul3A_275 = arith.mulf %gather3A_273, %gather3A_274 : vector<16xf32>
      %add3A_276 = arith.addf %add3A_270, %mul3A_275 : vector<16xf32>
      %broadcast_in_dim3A_277 = arith.constant 28 : i32
      %broadcast_in_dim3A_278 = vector.broadcast %broadcast_in_dim3A_277 : i32 to vector<16xi32>
      %gather3A_279 = tpu.vector_load_idx %arg11[%add3A_108, %broadcast_in_dim3A_278] : memref<128x32xf32, #tpu.memory_space<vmem>>[vector<16xi32>, vector<16xi32>], vector<16xf32>,
      %gather3A_280 = tpu.vector_load_idx %arg12[%add3A_108, %broadcast_in_dim3A_278] : memref<128x32xf32, #tpu.memory_space<vmem>>[vector<16xi32>, vector<16xi32>], vector<16xf32>,
      %mul3A_281 = arith.mulf %gather3A_279, %gather3A_280 : vector<16xf32>
      %add3A_282 = arith.addf %add3A_276, %mul3A_281 : vector<16xf32>
      %broadcast_in_dim3A_283 = arith.constant 29 : i32
      %broadcast_in_dim3A_284 = vector.broadcast %broadcast_in_dim3A_283 : i32 to vector<16xi32>
      %gather3A_285 = tpu.vector_load_idx %arg11[%add3A_108, %broadcast_in_dim3A_284] : memref<128x32xf32, #tpu.memory_space<vmem>>[vector<16xi32>, vector<16xi32>], vector<16xf32>,
      %gather3A_286 = tpu.vector_load_idx %arg12[%add3A_108, %broadcast_in_dim3A_284] : memref<128x32xf32, #tpu.memory_space<vmem>>[vector<16xi32>, vector<16xi32>], vector<16xf32>,
      %mul3A_287 = arith.mulf %gather3A_285, %gather3A_286 : vector<16xf32>
      %add3A_288 = arith.addf %add3A_282, %mul3A_287 : vector<16xf32>
      %broadcast_in_dim3A_289 = arith.constant 30 : i32
      %broadcast_in_dim3A_290 = vector.broadcast %broadcast_in_dim3A_289 : i32 to vector<16xi32>
      %gather3A_291 = tpu.vector_load_idx %arg11[%add3A_108, %broadcast_in_dim3A_290] : memref<128x32xf32, #tpu.memory_space<vmem>>[vector<16xi32>, vector<16xi32>], vector<16xf32>,
      %gather3A_292 = tpu.vector_load_idx %arg12[%add3A_108, %broadcast_in_dim3A_290] : memref<128x32xf32, #tpu.memory_space<vmem>>[vector<16xi32>, vector<16xi32>], vector<16xf32>,
      %mul3A_293 = arith.mulf %gather3A_291, %gather3A_292 : vector<16xf32>
      %add3A_294 = arith.addf %add3A_288, %mul3A_293 : vector<16xf32>
      %broadcast_in_dim3A_295 = arith.constant 31 : i32
      %broadcast_in_dim3A_296 = vector.broadcast %broadcast_in_dim3A_295 : i32 to vector<16xi32>
      %gather3A_297 = tpu.vector_load_idx %arg11[%add3A_108, %broadcast_in_dim3A_296] : memref<128x32xf32, #tpu.memory_space<vmem>>[vector<16xi32>, vector<16xi32>], vector<16xf32>,
      %gather3A_298 = tpu.vector_load_idx %arg12[%add3A_108, %broadcast_in_dim3A_296] : memref<128x32xf32, #tpu.memory_space<vmem>>[vector<16xi32>, vector<16xi32>], vector<16xf32>,
      %mul3A_299 = arith.mulf %gather3A_297, %gather3A_298 : vector<16xf32>
      %add3A_300 = arith.addf %add3A_294, %mul3A_299 : vector<16xf32>
      %mul3A_301 = arith.constant 16 : i32
      %mul3A_302 = arith.muli %scan3A_104, %mul3A_301 : i32
      %add3A_303 = arith.constant 384 : i32
      %add3A_304 = arith.addi %add3A_303, %mul3A_302 : i32
      %swap3A = arith.index_cast %add3A_304 : i32 to index
      %swap3A_305 = tpu.vector_load %arg13[%swap3A] {strides = array<i32>} : memref<512xf32, #tpu.memory_space<vmem>>, vector<16xf32>,
      tpu.vector_store %arg13[%swap3A], %add3A_300 {strides = array<i32>} : memref<512xf32, #tpu.memory_space<vmem>>, vector<16xf32>,
    }
    %scan3A_103 = arith.constant 8 : i32
    "tpu.region"() ({
      %run_scoped3A = tpu.sem_alloc : memref<!tpu.dma_semaphore, #tpu.memory_space<semaphore_mem>>
      %dma_start3A_104 = tpu.memref_slice %arg6[%mul3A_2] : memref<16384xf32, #tpu.memory_space<hbm>> -> memref<512xf32, #tpu.memory_space<hbm>>
      %dma_start3A_105 = tpu.memref_slice %arg6[%mul3A_2] : memref<16384xf32, #tpu.memory_space<hbm>> -> memref<512xf32, #tpu.memory_space<hbm>>
      tpu.enqueue_dma source(%arg13 : memref<512xf32, #tpu.memory_space<vmem>>) target(%dma_start3A_105 : memref<512xf32, #tpu.memory_space<hbm>>) target_semaphore(%run_scoped3A : memref<!tpu.dma_semaphore, #tpu.memory_space<semaphore_mem>>)
      %dma_wait3A_106 = tpu.memref_slice %arg6[%mul3A_2] : memref<16384xf32, #tpu.memory_space<hbm>> -> memref<512xf32, #tpu.memory_space<hbm>>
      %dma_wait3A_107 = tpu.memref_slice %arg6[%mul3A_2] : memref<16384xf32, #tpu.memory_space<hbm>> -> memref<512xf32, #tpu.memory_space<hbm>>
      tpu.wait_dma2 semaphore(%run_scoped3A : memref<!tpu.dma_semaphore, #tpu.memory_space<semaphore_mem>>) src(%arg13 : memref<512xf32, #tpu.memory_space<vmem>>) dst(%dma_wait3A_107 : memref<512xf32, #tpu.memory_space<hbm>>)
      tpu.yield
    }) : () -> ()
    return
  }
}

</mosaic_0001>

<sc_bundles>
// kernel: kernel.3.cloned.1.call-start
scs
__scs_entry_jumppad:
0x0: {  	(pc) =	sbr.rel $0x88, $3  }
0x1: {  	(tag) =	ssettag $0x0;
	lr =	simm.s32 $0x1  }
0x2: {  	[smem:$0x3F9D] =	sst lr;
	_ =	strace $0xD0000000  }
0x3: {  	_ = 	snop  }
0x4: {  	_ = 	snop  }
0x5: {  	_ = 	snop  }
0x6: {  	_ = 	snop  }
0x7: {  	_ = 	snop  }
__scs_overlays_trampoline_lowered:
0x8: {  	[smem:$0x3FAC] =	sst s0  }
0x9: {  	[smem:$0x3FAD] =	sst s1  }
0xa: {  	[smem:$0x3FAE] =	sst s2  }
0xb: {  	[smem:$0x3FAF] =	sst s3  }
0xc: {  	[smem:$0x3FB0] =	sst s4  }
0xd: {  	[smem:$0x3FB1] =	sst s5  }
0xe: {  	[smem:$0x3FB2] =	sst s6  }
0xf: {  	[smem:$0x3FB3] =	sst s7  }
0x10: {  	[smem:$0x3FB4] =	sst s8  }
0x11: {  	[smem:$0x3FB5] =	sst s9;
	s0 =	simm.s32 @!p0 $0x0  }
0x12: {  	s1 =	sld [smem:$0x3F9B];
	s0 =	simm.s32 @p0 $0x1  }
0x13: {  	[smem:$0x3FB6] =	sst s0;
	s0 =	simm.s32 @!p1 $0x0  }
0x14: {  	s2 =	sld [smem:$0x3F9A];
	s0 =	simm.s32 @p1 $0x1  }
0x15: {  	[smem:$0x3FB7] =	sst s0;
	s0 =	simm.s32 @!p2 $0x0  }
0x16: {  	s3 =	sld [smem:$0x3FDB];
	s0 =	simm.s32 @p2 $0x1  }
0x17: {  	s4 =	simm.s32 $0x1BF5;
	[smem:$0x3FB9] =	sst s0  }
0x18: {  	s0 =	sld [smem:$0x3F9C];
	_ =	swait.ge [sflag:s4], $0x0  }
0x19: {  	s7 =	sld [smem:$0x3F9D]  }
0x1a: {  	s8 =	sadd.s32 $0xFFFFE003, lr  }
0x1b: {  	s9 =	sadd.s32 $0xFFFFFEF7, lr;
	s5 =	simm.s32 $0xFFFFFFFF;
	p2 =	slt.u32 s8, $0xFFFFF086  }
0x1c: {  	p1 =	slt.u32 s9, $0xF7A;
	s5 =	simm.s32 @!p2 $0x0  }
0x1d: {  	s5 =	simm.s32 @p1 $0x1;
	p0 =	seq.s32 s7, s2  }
0x1e: {  	s7 =	smul.u32 @!p0 $0xF7A, s2;
	p2 =	seq.s32 @!p0 s5, $0x0  }
0x1f: {  	s9 =	smul.u32 $0xF7A, s1;
	s8 =	simm.s32 @!p0 $0x1BF5;
	p2 =	por !p2, p0  }
0x20: {  	[sflag:s8] =	ssyncset.s32 @!p0 $0xFFFFF086;
	s6 =	sadd.s32 @!p0 s3, s7;
	s7 =	simm.s32 @!p0 $0x108  }
0x21: {  	s3 =	sadd.s32 s3, s9;
	s6 =	sadd.s32 @!p0 $0x88, s6;
	s7 =	simm.s32 @p2 $0x1082  }
0x22: {  	[simem:s7], [sflag:s8] =	dma.local @!p0 [hbm:s6], $0xF7A  }
0x23: {  	s9 =	sor.u32 $0xD0000000, s2;
	s6 =	simm.s32 $0x108;
	_ =	swait.ge @!p0 [sflag:s8], $0x0  }
0x24: {  	s3 =	sadd.s32 $0x88, s3;
	s6 =	simm.s32 @!p1 $0x1082;
	[sflag:s4] =	ssyncset.s32 $0xFFFFF086  }
0x25: {  	[simem:s6], [sflag:s4] =	dma.local [hbm:s3], $0xF7A  }
0x26: {  	[smem:$0x3F9D] =	sst s1;
	(tag) =	ssettag s2;
	_ =	strace s9  }
0x27: {  	s1 =	sld [smem:$0x3FAD]  }
0x28: {  	s2 =	sld [smem:$0x3FAE]  }
0x29: {  	s4 =	sld [smem:$0x3FB0]  }
0x2a: {  	p0 =	seq.s32 s5, $0x0;
	s5 =	sld [smem:$0x3FB1]  }
0x2b: {  	s6 =	sld [smem:$0x3FB2]  }
0x2c: {  	s7 =	sld [smem:$0x3FB3]  }
0x2d: {  	s3 =	simm.s32 $0x108;
	s8 =	sld [smem:$0x3FB4]  }
0x2e: {  	s3 =	simm.s32 @!p0 $0x1082;
	s9 =	sld [smem:$0x3FB5]  }
0x2f: {  	lr =	sadd.s32 s0, s3;
	s0 =	sld [smem:$0x3FAC]  }
0x30: {  	s3 =	sld [smem:$0x3FAF]  }
0x31: {  	[smem:$0x3FB8] =	sst s10  }
0x32: {  	s10 =	sld [smem:$0x3FB6];
	_ =	sdelay $0x3  }
0x33: {  	p0 =	seq.s32 s10, $0x1;
	s10 =	sld [smem:$0x3FB8];
	_ =	sdelay $0x3  }
0x34: {  	[smem:$0x3FB8] =	sst s10  }
0x35: {  	s10 =	sld [smem:$0x3FB7];
	_ =	sdelay $0x3  }
0x36: {  	p1 =	seq.s32 s10, $0x1;
	s10 =	sld [smem:$0x3FB8];
	_ =	sdelay $0x3  }
0x37: {  	[smem:$0x3FB8] =	sst s10  }
0x38: {  	s10 =	sld [smem:$0x3FB9]  }
0x39: {  	_ = 	snop;
	(pc) =	sbr.ind lr, $3  }
0x3a: {  	_ = 	snop  }
0x3b: {  	_ = 	snop  }
0x3c: {  	p2 =	seq.s32 s10, $0x1;
	s10 =	sld [smem:$0x3FB8]  }
0x3d: {  	_ =	shalt  }
0x3e: {  	_ =	shalt  }
0x3f: {  	_ =	shalt  }
0x40: {  	_ =	shalt  }
0x41: {  	_ =	shalt  }
0x42: {  	_ =	shalt  }
0x43: {  	_ =	shalt  }
0x44: {  	_ =	shalt  }
0x45: {  	_ =	shalt  }
0x46: {  	_ =	shalt  }
0x47: {  	_ =	shalt  }
0x48: {  	_ =	shalt  }
0x49: {  	_ =	shalt  }
0x4a: {  	_ =	shalt  }
0x4b: {  	_ =	shalt  }
0x4c: {  	_ =	shalt  }
0x4d: {  	_ =	shalt  }
0x4e: {  	_ =	shalt  }
0x4f: {  	_ =	shalt  }
0x50: {  	_ =	shalt  }
0x51: {  	_ =	shalt  }
0x52: {  	_ =	shalt  }
0x53: {  	_ =	shalt  }
0x54: {  	_ =	shalt  }
0x55: {  	_ =	shalt  }
0x56: {  	_ =	shalt  }
0x57: {  	_ =	shalt  }
0x58: {  	_ =	shalt  }
0x59: {  	_ =	shalt  }
0x5a: {  	_ =	shalt  }
0x5b: {  	_ =	shalt  }
0x5c: {  	_ =	shalt  }
0x5d: {  	_ =	shalt  }
0x5e: {  	_ =	shalt  }
0x5f: {  	_ =	shalt  }
0x60: {  	_ =	shalt  }
0x61: {  	_ =	shalt  }
0x62: {  	_ =	shalt  }
0x63: {  	_ =	shalt  }
0x64: {  	_ =	shalt  }
0x65: {  	_ =	shalt  }
0x66: {  	_ =	shalt  }
0x67: {  	_ =	shalt  }
0x68: {  	_ =	shalt  }
0x69: {  	_ =	shalt  }
0x6a: {  	_ =	shalt  }
0x6b: {  	_ =	shalt  }
0x6c: {  	_ =	shalt  }
0x6d: {  	_ =	shalt  }
0x6e: {  	_ =	shalt  }
0x6f: {  	_ =	shalt  }
0x70: {  	_ =	shalt  }
0x71: {  	_ =	shalt  }
0x72: {  	_ =	shalt  }
0x73: {  	_ =	shalt  }
0x74: {  	_ =	shalt  }
0x75: {  	_ =	shalt  }
0x76: {  	_ =	shalt  }
0x77: {  	_ =	shalt  }
0x78: {  	_ =	shalt  }
0x79: {  	_ =	shalt  }
0x7a: {  	_ =	shalt  }
0x7b: {  	_ =	shalt  }
0x7c: {  	_ =	shalt  }
0x7d: {  	_ =	shalt  }
0x7e: {  	_ =	shalt  }
0x7f: {  	_ =	shalt  }
0x80: {  	_ =	shalt  }
0x81: {  	_ =	shalt  }
0x82: {  	_ =	shalt  }
0x83: {  	_ =	shalt  }
0x84: {  	_ =	shalt  }
0x85: {  	_ =	shalt  }
0x86: {  	_ =	shalt  }
0x87: {  	_ =	shalt  }
.Lfunc_end0:
.L_simem_size_0:
called_computation_lowered:
.L_overlay_start_0:
0x88: {  	s2 =	sld [smem:$0x3FD9]  }
0x89: {  	s3 =	sld [smem:$0x3FFE];
	_ =	sdelay $0x1  }
0x8a: {  	s1 =	srdreg.scid  }
0x8b: {  	s0 =	sand.u32 $0x1, s1  }
0x8c: {  	s17 =	sshll.u32 s0, $0xA;
	s2 =	sadd.s32 s3, s2  }
0x8d: {  	s2 =	sadd.s32 s2, s17  }
0x8e: {  	[smem:$0x3FC4] =	sst s2  }
0x8f: {  	_ = 	snop  }
0x90: {  	s2 =	sld [smem:$0x3FC9]  }
0x91: {  	s18 =	sld [smem:$0x3FC8]  }
0x92: {  	s4 =	sld [smem:$0x3FD0];
	(tm) =	ssettm $0x1  }
0x93: {  	s5 =	sld [smem:$0x3FFB];
	_ =	sdelay $0x3  }
0x94: {  	_ =	strace s5  }
0x95: {  	s5 =	sld [smem:$0x3FFC];
	_ =	sdelay $0x3  }
0x96: {  	_ =	strace s5  }
0x97: {  	s5 =	sld [smem:$0x3FFD];
	_ =	sdelay $0x3  }
0x98: {  	_ =	strace s5  }
0x99: {  	_ =	strace $0x8FFFFFFF  }
0x9a: {  	s19 =	sld [smem:$0x3FDB];
	_ =	sdelay $0x1  }
0x9b: {  	s6 =	simm.s32 $_scs_section_size  }
0x9c: {  	s7 =	simm.s32 $_size__tile_overlayer_lowered;
	s8 =	simm.s32 $_tile_overlayer_lowered  }
0x9d: {  	s22 =	simm.s32 $0x1BFF;
	s21 =	sshll.u32 s8, $0x1;
	s5 =	sadd.s32 s6, s19  }
0x9e: {  	s9 =	simm.s32 $0x0;
	s20 =	sshll.u32 s7, $0x1;
	s7 =	sadd.s32 s21, s5  }
0x9f: {  	[timem:s9], [sflag:s22] =	dma.local [hbm:s7], s20  }
0xa0: {  	_ =	swait.ge [sflag:s22], s20  }
0xa1: {  	s6 =	ssub.s32 $0x0, s20;
	[sflag:s22] =	ssyncset.done $0x0  }
0xa2: {  	[sflag:s22] =	ssyncadd.s32 s6;
	_ =	sdelay $0x1  }
0xa3: {  	s23 =	simm.s32 $0x1B8B  }
0xa4: {  	_ =	swait.ge [sflag:s23], $0x1  }
0xa5: {  	[sflag:s23] =	ssyncset.done $0x0  }
0xa6: {  	s25 =	simm.s32 $0x1B8E;
	s24 =	sld [smem:$0x3FFE];
	[sflag:s23] =	ssyncadd.s32 $0xFFFFFFFF  }
0xa7: {  	s26 =	simm.s32 $execute0_lowered;
	[smem:$0x3FD2] =	sst s25  }
0xa8: {  	s7 =	sshll.u32 s26, $0x1;
	_ =	strace $0x80000046;
	[dreg:$0x1] =	wrdreg $0xFFFFFFFF  }
0xa9: {  	s28 =	simm.s32 $_size_execute0_lowered;
	s5 =	sadd.s32 s5, s7;
	[dreg:$0x0] =	wrdreg $0x0  }
0xaa: {  	s7 =	sshll.u32 s28, $0x1;
	[dreg:$0x2] =	wrdreg s5  }
0xab: {  	[dreg:$0x3] =	wrdreg s7  }
0xac: {  	[dreg:$0x4] =	wrdreg $0xC0  }
0xad: {  	_ =	task [dreg:s9], $0x5FFFF  }
0xae: {  	[dreg:$0x1] =	wrdreg $0xFFFFFFFF  }
0xaf: {  	[dreg:$0x0] =	wrdreg $0x60  }
0xb0: {  	[dreg:$0x2] =	wrdreg s2  }
0xb1: {  	[dreg:$0x3] =	wrdreg s18  }
0xb2: {  	[dreg:$0x4] =	wrdreg s24  }
0xb3: {  	[dreg:$0x5] =	wrdreg s4  }
0xb4: {  	[dreg:$0x6] =	wrdreg $0x9  }
0xb5: {  	_ =	task.clear_ibuf [dreg:s9], $0x7FFFF;
	_ =	strace $0x90000046  }
0xb6: {  	s29 =	simm.s32 $0x9;
	_ =	strace $0x80000048  }
0xb7: {  	_ =	swait.ge [sflag:s29], $0x1  }
0xb8: {  	[sflag:s29] =	ssyncadd.s32 $0xFFFFFFFF  }
0xb9: {  	_ =	strace $0x90000048  }
0xba: {  	_ =	sfence  }
0xbb: {  	s30 =	sld [smem:$0x0];
	_ =	sdelay $0x2  }
0xbc: {  	s31 =	sshll.u32 s1, $0xD;
	s1 =	sshrl.u32 s1, $0x2  }
0xbd: {  	s3 =	sand.u32 $0x4000, s31;
	s1 =	sadd.s32 s1, s30  }
0xbe: {  	s0 =	sor.u32 s3, s0;
	s1 =	sshll.u32 s1, $0x11  }
0xbf: {  	s0 =	sor.u32 s1, s0  }
0xc0: {  	s0 =	sadd.s32 $0x8F2B, s0  }
0xc1: {  	[sflag:s0] =	ssyncadd.remote.s32 $0x1  }
0xc2: {  	_ =	sfence.sel $0xFFFF  }
0xc3: {  	[dreg:$0x0] =	wrdreg $0xFFFFFFFF;
	(pc) =	sbr.abs _section_cstart, $3  }
0xc4: {  	[dreg:$0x1] =	wrdreg $0xFFFFFFFF  }
0xc5: {  	_ =	task.clear_ibuf [dreg:s9], $0x2FFFF;
	_ =	strace $0x9FFFFFFF  }
0xc6: {  	(tm) =	ssettm $0x7FFFFFFF  }
0xc7: {  	_ =	shalt  }
tec
execute0_lowered:
.L_overlay_start_1:
0x0: {  	(tag) =	ssettag $0x1  }
0x1: {  	s5 =	rddreg [dreg:$0x0]  }
0x2: {  	s6 =	rddreg [dreg:$0x1]  }
0x3: {  	s4 =	rddreg [dreg:$0x2]  }
0x4: {  	s7 =	rddreg [dreg:$0x3]  }
0x5: {  	s0 =	rddreg [dreg:$0x4];
	s1 =	simm.s32 $0x0  }
0x6: {  	s8 =	srdreg.scid;
	s2 =	stileid.u32;
	s12 =	simm.s32 $0x400  }
0x7: {  	s13 =	simm.s32 $0x1400;
	s14 =	simm.s32 $0x2400;
	s15 =	simm.s32 $0x280  }
0x8: {  	s16 =	simm.s32 $0x3400;
	s17 =	simm.s32 $0x1;
	s18 =	simm.s32 $0x100  }
0x9: {  	s19 =	simm.s32 $0x300;
	s20 =	simm.s32 $0x2;
	s21 =	simm.s32 $0x180  }
0xa: {  	s22 =	simm.s32 $0x380;
	s23 =	simm.s32 $0x4400;
	s24 =	simm.s32 $0x0  }
0xb: {  	[smem:$0x7FF] =	sst s1;
	s3 =	sadd.s32 $0xF42A00, s4;
	s8 =	sand.u32 $0x1, s8  }
0xc: {  	s10 =	sshll.u32 s2, $0x7;
	s4 =	sadd.s32 $0x187000, s4;
	s9 =	ssub.s32 $0x2, s8  }
0xd: {  	_ =	strace $0x80000047;
	s8 =	sshll.u32 s8, $0x6;
	s11 =	sshrl.u32 s9, $0x1  }
0xe: {  	v0 =	vlaneseq.u32;
	s8 =	sor.u32 s8, s10;
	s10 =	simm.s32 $0x200;
	s9 =	ssub.s32 s9, s11  }
0xf: {  	v0 =	vmul.u32 $0x20, v0;
	s5 =	sadd.s32 s5, s8;
	s6 =	sadd.s32 s6, s8;
	s7 =	sadd.s32 s7, s8  }
0x10: {  	s11 =	simm.s32 $0x80;
	s8 =	smax.u32 s9, $0x1;
	s9 =	simm.s32 $0x3  }
.LBB2_1:
0x11: {  	[tilespmem:s1], [sflag:$0x3] =	stream.linear.gather [hbm4b:s5+s1], $0x200, $0x38;
	[tilespmem:$0x4600] =	vst v63  }
0x12: {  	_ =	swait.ge [sflag:s9], $0x200  }
0x13: {  	[sflag:s9] =	ssyncset.done $0x0  }
0x14: {  	[sflag:s9] =	ssyncadd.s32 $0xFFFFFE00  }
0x15: {  	[tilespmem:s10], [sflag:$0x3] =	stream.linear.gather [hbm4b:s6+s1], $0x200, $0x38;
	[tilespmem:$0x4600] =	vst v63  }
0x16: {  	_ =	swait.ge [sflag:s9], $0x200  }
0x17: {  	[sflag:s9] =	ssyncset.done $0x0  }
0x18: {  	[sflag:s9] =	ssyncadd.s32 $0xFFFFFE00  }
0x19: {  	[tilespmem:s12], [sflag:$0x1] =	stream.indirect.gather [hbm4b:s3+s11], $0x20, s1, s11, $0xb8;
	[tilespmem:$0x4600] =	vst v63  }
0x1a: {  	_ = 	snop  }
0x1b: {  	[tilespmem:s13], [sflag:$0x1] =	stream.indirect.gather [hbm4b:s4+s11], $0x20, s10, s11, $0xb8;
	[tilespmem:$0x4600] =	vst v63  }
0x1c: {  	_ = 	snop  }
0x1d: {  	[tilespmem:s14], [sflag:$0x2] =	stream.indirect.gather [hbm4b:s3+s11], $0x20, s11, s11, $0xb8;
	[tilespmem:$0x4600] =	vst v63  }
0x1e: {  	_ = 	snop  }
0x1f: {  	v1 =	vmov s1;
	[tilespmem:s16], [sflag:$0x2] =	stream.indirect.gather [hbm4b:s4+s11], $0x20, s15, s11, $0xb8;
	[tilespmem:$0x4600] =	vst v63  }
0x20: {  	v1 =	vshll.u32 v1, $0x5;
	_ =	swait.ge [sflag:s17], $0x1000  }
0x21: {  	v1 =	vor.u32 v0, v1;
	[sflag:s17] =	ssyncset.done $0x0  }
0x22: {  	[sflag:s17] =	ssyncadd.s32 $0xFFFFF000  }
0x23: {  	v2 =	vor.u32 $0x1, v1;
	_ =	swait.ge [sflag:s17], $0x1000  }
0x24: {  	[sflag:s17] =	ssyncset.done $0x0  }
0x25: {  	v3 =	vor.u32 $0x2, v1;
	[sflag:s17] =	ssyncadd.s32 $0xFFFFF000  }
0x26: {  	v4 =	vld.idx.msk [tilespmem:v1+s13+$0x0], $0xffff  }
0x27: {  	v6 =	vor.u32 $0x3, v1;
	v5 =	vld.idx.msk [tilespmem:v1+s12+$0x0], $0xffff  }
0x28: {  	v7 =	vld.idx.msk [tilespmem:v2+s12+$0x0], $0xffff  }
0x29: {  	v8 =	vor.u32 $0x4, v1;
	v2 =	vld.idx.msk [tilespmem:v2+s13+$0x0], $0xffff  }
0x2a: {  	v9 =	vld.idx.msk [tilespmem:v3+s12+$0x0], $0xffff  }
0x2b: {  	v10 =	vor.u32 $0x5, v1;
	v3 =	vld.idx.msk [tilespmem:v3+s13+$0x0], $0xffff  }
0x2c: {  	v11 =	vld.idx.msk [tilespmem:v6+s12+$0x0], $0xffff;
	v4 =	vmul.f32 v4, v5  }
0x2d: {  	v5 =	vld.idx.msk [tilespmem:v6+s13+$0x0], $0xffff;
	v6 =	vor.u32 $0x6, v1  }
0x2e: {  	v12 =	vld.idx.msk [tilespmem:v8+s12+$0x0], $0xffff;
	v2 =	vmul.f32 v2, v7;
	v4 =	vadd.f32 $0.0e+00, v4  }
0x2f: {  	v25 =	vor.u32 $0x7, v1;
	v7 =	vld.idx.msk [tilespmem:v8+s13+$0x0], $0xffff  }
0x30: {  	v13 =	vld.idx.msk [tilespmem:v10+s12+$0x0], $0xffff;
	v3 =	vmul.f32 v3, v9;
	v2 =	vadd.f32 v2, v4  }
0x31: {  	v26 =	vor.u32 $0x8, v1;
	v4 =	vld.idx.msk [tilespmem:v10+s13+$0x0], $0xffff  }
0x32: {  	v27 =	vld.idx.msk [tilespmem:v6+s12+$0x0], $0xffff;
	v2 =	vadd.f32 v3, v2;
	v3 =	vmul.f32 v5, v11  }
0x33: {  	v5 =	vld.idx.msk [tilespmem:v6+s13+$0x0], $0xffff;
	v6 =	vor.u32 $0x9, v1  }
0x34: {  	v28 =	vld.idx.msk [tilespmem:v25+s12+$0x0], $0xffff;
	v2 =	vadd.f32 v3, v2;
	v3 =	vmul.f32 v7, v12  }
0x35: {  	v29 =	vor.u32 $0xA, v1;
	v7 =	vld.idx.msk [tilespmem:v25+s13+$0x0], $0xffff  }
0x36: {  	v30 =	vld.idx.msk [tilespmem:v26+s12+$0x0], $0xffff;
	v2 =	vadd.f32 v3, v2;
	v3 =	vmul.f32 v4, v13  }
0x37: {  	v31 =	vor.u32 $0xB, v1;
	v4 =	vld.idx.msk [tilespmem:v26+s13+$0x0], $0xffff  }
0x38: {  	v32 =	vld.idx.msk [tilespmem:v6+s12+$0x0], $0xffff;
	v2 =	vadd.f32 v3, v2;
	v3 =	vmul.f32 v5, v27  }
0x39: {  	v5 =	vld.idx.msk [tilespmem:v6+s13+$0x0], $0xffff;
	v6 =	vor.u32 $0xC, v1  }
0x3a: {  	v33 =	vld.idx.msk [tilespmem:v29+s12+$0x0], $0xffff;
	v2 =	vadd.f32 v3, v2;
	v3 =	vmul.f32 v7, v28  }
0x3b: {  	v34 =	vor.u32 $0xD, v1;
	v7 =	vld.idx.msk [tilespmem:v29+s13+$0x0], $0xffff  }
0x3c: {  	v35 =	vld.idx.msk [tilespmem:v31+s12+$0x0], $0xffff;
	v2 =	vadd.f32 v3, v2;
	v3 =	vmul.f32 v4, v30  }
0x3d: {  	v36 =	vor.u32 $0xE, v1;
	v4 =	vld.idx.msk [tilespmem:v31+s13+$0x0], $0xffff  }
0x3e: {  	v37 =	vld.idx.msk [tilespmem:v6+s12+$0x0], $0xffff;
	v2 =	vadd.f32 v3, v2;
	v3 =	vmul.f32 v5, v32  }
0x3f: {  	v5 =	vld.idx.msk [tilespmem:v6+s13+$0x0], $0xffff;
	v6 =	vor.u32 $0xF, v1  }
0x40: {  	v38 =	vld.idx.msk [tilespmem:v34+s12+$0x0], $0xffff;
	v2 =	vadd.f32 v3, v2;
	v3 =	vmul.f32 v7, v33  }
0x41: {  	v39 =	vor.u32 $0x10, v1;
	v7 =	vld.idx.msk [tilespmem:v34+s13+$0x0], $0xffff  }
0x42: {  	v40 =	vld.idx.msk [tilespmem:v36+s12+$0x0], $0xffff;
	v2 =	vadd.f32 v3, v2;
	v3 =	vmul.f32 v4, v35  }
0x43: {  	v41 =	vor.u32 $0x11, v1;
	v4 =	vld.idx.msk [tilespmem:v36+s13+$0x0], $0xffff  }
0x44: {  	v42 =	vld.idx.msk [tilespmem:v6+s12+$0x0], $0xffff;
	v2 =	vadd.f32 v3, v2;
	v3 =	vmul.f32 v5, v37  }
0x45: {  	v5 =	vld.idx.msk [tilespmem:v6+s13+$0x0], $0xffff;
	v6 =	vor.u32 $0x12, v1  }
0x46: {  	v43 =	vld.idx.msk [tilespmem:v39+s12+$0x0], $0xffff;
	v2 =	vadd.f32 v3, v2;
	v3 =	vmul.f32 v7, v38  }
0x47: {  	v44 =	vor.u32 $0x13, v1;
	v7 =	vld.idx.msk [tilespmem:v39+s13+$0x0], $0xffff  }
0x48: {  	v45 =	vld.idx.msk [tilespmem:v41+s12+$0x0], $0xffff;
	v2 =	vadd.f32 v3, v2;
	v3 =	vmul.f32 v4, v40  }
0x49: {  	v46 =	vor.u32 $0x14, v1;
	v4 =	vld.idx.msk [tilespmem:v41+s13+$0x0], $0xffff  }
0x4a: {  	v47 =	vld.idx.msk [tilespmem:v6+s12+$0x0], $0xffff;
	v2 =	vadd.f32 v3, v2;
	v3 =	vmul.f32 v5, v42  }
0x4b: {  	v5 =	vld.idx.msk [tilespmem:v6+s13+$0x0], $0xffff;
	v6 =	vor.u32 $0x15, v1  }
0x4c: {  	v48 =	vld.idx.msk [tilespmem:v44+s12+$0x0], $0xffff;
	v2 =	vadd.f32 v3, v2;
	v3 =	vmul.f32 v7, v43  }
0x4d: {  	v49 =	vor.u32 $0x16, v1;
	v7 =	vld.idx.msk [tilespmem:v44+s13+$0x0], $0xffff  }
0x4e: {  	v50 =	vld.idx.msk [tilespmem:v46+s12+$0x0], $0xffff;
	v2 =	vadd.f32 v3, v2;
	v3 =	vmul.f32 v4, v45  }
0x4f: {  	v51 =	vor.u32 $0x17, v1;
	v4 =	vld.idx.msk [tilespmem:v46+s13+$0x0], $0xffff  }
0x50: {  	v52 =	vld.idx.msk [tilespmem:v6+s12+$0x0], $0xffff;
	v2 =	vadd.f32 v3, v2;
	v3 =	vmul.f32 v5, v47  }
0x51: {  	v5 =	vld.idx.msk [tilespmem:v6+s13+$0x0], $0xffff;
	v6 =	vor.u32 $0x18, v1  }
0x52: {  	v53 =	vld.idx.msk [tilespmem:v49+s12+$0x0], $0xffff;
	v2 =	vadd.f32 v3, v2;
	v3 =	vmul.f32 v7, v48  }
0x53: {  	v54 =	vor.u32 $0x19, v1;
	v7 =	vld.idx.msk [tilespmem:v49+s13+$0x0], $0xffff  }
0x54: {  	v55 =	vld.idx.msk [tilespmem:v51+s12+$0x0], $0xffff;
	v2 =	vadd.f32 v3, v2;
	v3 =	vmul.f32 v4, v50  }
0x55: {  	v56 =	vor.u32 $0x1A, v1;
	v4 =	vld.idx.msk [tilespmem:v51+s13+$0x0], $0xffff  }
0x56: {  	v57 =	vld.idx.msk [tilespmem:v6+s12+$0x0], $0xffff;
	v2 =	vadd.f32 v3, v2;
	v3 =	vmul.f32 v5, v52  }
0x57: {  	v5 =	vld.idx.msk [tilespmem:v6+s13+$0x0], $0xffff;
	v6 =	vor.u32 $0x1B, v1  }
0x58: {  	v58 =	vld.idx.msk [tilespmem:v54+s12+$0x0], $0xffff;
	v2 =	vadd.f32 v3, v2;
	v3 =	vmul.f32 v7, v53  }
0x59: {  	v59 =	vor.u32 $0x1C, v1;
	v7 =	vld.idx.msk [tilespmem:v54+s13+$0x0], $0xffff  }
0x5a: {  	v60 =	vld.idx.msk [tilespmem:v56+s12+$0x0], $0xffff;
	v2 =	vadd.f32 v3, v2;
	v3 =	vmul.f32 v4, v55  }
0x5b: {  	v61 =	vor.u32 $0x1D, v1;
	v4 =	vld.idx.msk [tilespmem:v56+s13+$0x0], $0xffff  }
0x5c: {  	v62 =	vld.idx.msk [tilespmem:v6+s12+$0x0], $0xffff;
	v2 =	vadd.f32 v3, v2;
	v3 =	vmul.f32 v5, v57  }
0x5d: {  	v5 =	vld.idx.msk [tilespmem:v6+s13+$0x0], $0xffff;
	v6 =	vor.u32 $0x1E, v1  }
0x5e: {  	v63 =	vld.idx.msk [tilespmem:v59+s12+$0x0], $0xffff;
	v2 =	vadd.f32 v3, v2;
	v3 =	vmul.f32 v7, v58  }
0x5f: {  	v1 =	vor.u32 $0x1F, v1;
	v7 =	vld.idx.msk [tilespmem:v59+s13+$0x0], $0xffff  }
0x60: {  	v15 =	vld.idx.msk [tilespmem:v61+s12+$0x0], $0xffff;
	v2 =	vadd.f32 v3, v2;
	v3 =	vmul.f32 v4, v60  }
0x61: {  	v4 =	vld.idx.msk [tilespmem:v61+s13+$0x0], $0xffff  }
0x62: {  	v16 =	vld.idx.msk [tilespmem:v6+s12+$0x0], $0xffff;
	v2 =	vadd.f32 v3, v2;
	v3 =	vmul.f32 v5, v62  }
0x63: {  	v5 =	vld.idx.msk [tilespmem:v6+s13+$0x0], $0xffff  }
0x64: {  	v6 =	vld.idx.msk [tilespmem:v1+s12+$0x0], $0xffff;
	v2 =	vadd.f32 v3, v2;
	v3 =	vmul.f32 v7, v63  }
0x65: {  	v7 =	vld.idx.msk [tilespmem:v1+s13+$0x0], $0xffff  }
0x66: {  	v1 =	vadd.f32 v3, v2;
	v2 =	vmul.f32 v4, v15  }
0x67: {  	s25 =	simm.s32 $0x10  }
0x68: {  	v3 =	vmov s25;
	v4 =	vmul.f32 v5, v16;
	v2 =	vadd.f32 v2, v1  }
0x69: {  	v1 =	vshll.u32 v3, $0x5  }
0x6a: {  	v1 =	vor.u32 v0, v1;
	v3 =	vmul.f32 v7, v6;
	v2 =	vadd.f32 v4, v2;
	_ =	sdelay $0x1  }
0x6b: {  	v4 =	vor.u32 $0x1, v1;
	v2 =	vadd.f32 v3, v2;
	_ =	sdelay $0x1  }
0x6c: {  	v3 =	vor.u32 $0x2, v1;
	[tilespmem:s23+$0x0] =	vst v2  }
0x6d: {  	v2 =	vld.idx.msk [tilespmem:v1+s13+$0x0], $0xffff  }
0x6e: {  	v6 =	vor.u32 $0x3, v1;
	v5 =	vld.idx.msk [tilespmem:v1+s12+$0x0], $0xffff  }
0x6f: {  	v7 =	vld.idx.msk [tilespmem:v4+s12+$0x0], $0xffff  }
0x70: {  	v17 =	vor.u32 $0x4, v1;
	v4 =	vld.idx.msk [tilespmem:v4+s13+$0x0], $0xffff  }
0x71: {  	v18 =	vld.idx.msk [tilespmem:v3+s12+$0x0], $0xffff  }
0x72: {  	v19 =	vor.u32 $0x5, v1;
	v3 =	vld.idx.msk [tilespmem:v3+s13+$0x0], $0xffff  }
0x73: {  	v20 =	vld.idx.msk [tilespmem:v6+s12+$0x0], $0xffff;
	v2 =	vmul.f32 v2, v5  }
0x74: {  	v5 =	vld.idx.msk [tilespmem:v6+s13+$0x0], $0xffff;
	v6 =	vor.u32 $0x6, v1  }
0x75: {  	v21 =	vld.idx.msk [tilespmem:v17+s12+$0x0], $0xffff;
	v4 =	vmul.f32 v4, v7;
	v2 =	vadd.f32 $0.0e+00, v2  }
0x76: {  	v22 =	vor.u32 $0x7, v1;
	v7 =	vld.idx.msk [tilespmem:v17+s13+$0x0], $0xffff  }
0x77: {  	v23 =	vld.idx.msk [tilespmem:v19+s12+$0x0], $0xffff;
	v3 =	vmul.f32 v3, v18;
	v2 =	vadd.f32 v4, v2  }
0x78: {  	v24 =	vor.u32 $0x8, v1;
	v4 =	vld.idx.msk [tilespmem:v19+s13+$0x0], $0xffff  }
0x79: {  	v25 =	vld.idx.msk [tilespmem:v6+s12+$0x0], $0xffff;
	v2 =	vadd.f32 v3, v2;
	v3 =	vmul.f32 v5, v20  }
0x7a: {  	v5 =	vld.idx.msk [tilespmem:v6+s13+$0x0], $0xffff;
	v6 =	vor.u32 $0x9, v1  }
0x7b: {  	v26 =	vld.idx.msk [tilespmem:v22+s12+$0x0], $0xffff;
	v2 =	vadd.f32 v3, v2;
	v3 =	vmul.f32 v7, v21  }
0x7c: {  	v27 =	vor.u32 $0xA, v1;
	v7 =	vld.idx.msk [tilespmem:v22+s13+$0x0], $0xffff  }
0x7d: {  	v28 =	vld.idx.msk [tilespmem:v24+s12+$0x0], $0xffff;
	v2 =	vadd.f32 v3, v2;
	v3 =	vmul.f32 v4, v23  }
0x7e: {  	v29 =	vor.u32 $0xB, v1;
	v4 =	vld.idx.msk [tilespmem:v24+s13+$0x0], $0xffff  }
0x7f: {  	v30 =	vld.idx.msk [tilespmem:v6+s12+$0x0], $0xffff;
	v2 =	vadd.f32 v3, v2;
	v3 =	vmul.f32 v5, v25  }
0x80: {  	v5 =	vld.idx.msk [tilespmem:v6+s13+$0x0], $0xffff;
	v6 =	vor.u32 $0xC, v1  }
0x81: {  	v31 =	vld.idx.msk [tilespmem:v27+s12+$0x0], $0xffff;
	v2 =	vadd.f32 v3, v2;
	v3 =	vmul.f32 v7, v26  }
0x82: {  	v32 =	vor.u32 $0xD, v1;
	v7 =	vld.idx.msk [tilespmem:v27+s13+$0x0], $0xffff  }
0x83: {  	v33 =	vld.idx.msk [tilespmem:v29+s12+$0x0], $0xffff;
	v2 =	vadd.f32 v3, v2;
	v3 =	vmul.f32 v4, v28  }
0x84: {  	v34 =	vor.u32 $0xE, v1;
	v4 =	vld.idx.msk [tilespmem:v29+s13+$0x0], $0xffff  }
0x85: {  	v35 =	vld.idx.msk [tilespmem:v6+s12+$0x0], $0xffff;
	v2 =	vadd.f32 v3, v2;
	v3 =	vmul.f32 v5, v30  }
0x86: {  	v5 =	vld.idx.msk [tilespmem:v6+s13+$0x0], $0xffff;
	v6 =	vor.u32 $0xF, v1  }
0x87: {  	v36 =	vld.idx.msk [tilespmem:v32+s12+$0x0], $0xffff;
	v2 =	vadd.f32 v3, v2;
	v3 =	vmul.f32 v7, v31  }
0x88: {  	v37 =	vor.u32 $0x10, v1;
	v7 =	vld.idx.msk [tilespmem:v32+s13+$0x0], $0xffff  }
0x89: {  	v38 =	vld.idx.msk [tilespmem:v34+s12+$0x0], $0xffff;
	v2 =	vadd.f32 v3, v2;
	v3 =	vmul.f32 v4, v33  }
0x8a: {  	v39 =	vor.u32 $0x11, v1;
	v4 =	vld.idx.msk [tilespmem:v34+s13+$0x0], $0xffff  }
0x8b: {  	v40 =	vld.idx.msk [tilespmem:v6+s12+$0x0], $0xffff;
	v2 =	vadd.f32 v3, v2;
	v3 =	vmul.f32 v5, v35  }
0x8c: {  	v5 =	vld.idx.msk [tilespmem:v6+s13+$0x0], $0xffff;
	v6 =	vor.u32 $0x12, v1  }
0x8d: {  	v41 =	vld.idx.msk [tilespmem:v37+s12+$0x0], $0xffff;
	v2 =	vadd.f32 v3, v2;
	v3 =	vmul.f32 v7, v36  }
0x8e: {  	v42 =	vor.u32 $0x13, v1;
	v7 =	vld.idx.msk [tilespmem:v37+s13+$0x0], $0xffff  }
0x8f: {  	v43 =	vld.idx.msk [tilespmem:v39+s12+$0x0], $0xffff;
	v2 =	vadd.f32 v3, v2;
	v3 =	vmul.f32 v4, v38  }
0x90: {  	v44 =	vor.u32 $0x14, v1;
	v4 =	vld.idx.msk [tilespmem:v39+s13+$0x0], $0xffff  }
0x91: {  	v45 =	vld.idx.msk [tilespmem:v6+s12+$0x0], $0xffff;
	v2 =	vadd.f32 v3, v2;
	v3 =	vmul.f32 v5, v40  }
0x92: {  	v5 =	vld.idx.msk [tilespmem:v6+s13+$0x0], $0xffff;
	v6 =	vor.u32 $0x15, v1  }
0x93: {  	v46 =	vld.idx.msk [tilespmem:v42+s12+$0x0], $0xffff;
	v2 =	vadd.f32 v3, v2;
	v3 =	vmul.f32 v7, v41  }
0x94: {  	v47 =	vor.u32 $0x16, v1;
	v7 =	vld.idx.msk [tilespmem:v42+s13+$0x0], $0xffff  }
0x95: {  	v48 =	vld.idx.msk [tilespmem:v44+s12+$0x0], $0xffff;
	v2 =	vadd.f32 v3, v2;
	v3 =	vmul.f32 v4, v43  }
0x96: {  	v49 =	vor.u32 $0x17, v1;
	v4 =	vld.idx.msk [tilespmem:v44+s13+$0x0], $0xffff  }
0x97: {  	v50 =	vld.idx.msk [tilespmem:v6+s12+$0x0], $0xffff;
	v2 =	vadd.f32 v3, v2;
	v3 =	vmul.f32 v5, v45  }
0x98: {  	v5 =	vld.idx.msk [tilespmem:v6+s13+$0x0], $0xffff;
	v6 =	vor.u32 $0x18, v1  }
0x99: {  	v51 =	vld.idx.msk [tilespmem:v47+s12+$0x0], $0xffff;
	v2 =	vadd.f32 v3, v2;
	v3 =	vmul.f32 v7, v46  }
0x9a: {  	v52 =	vor.u32 $0x19, v1;
	v7 =	vld.idx.msk [tilespmem:v47+s13+$0x0], $0xffff  }
0x9b: {  	v53 =	vld.idx.msk [tilespmem:v49+s12+$0x0], $0xffff;
	v2 =	vadd.f32 v3, v2;
	v3 =	vmul.f32 v4, v48  }
0x9c: {  	v54 =	vor.u32 $0x1A, v1;
	v4 =	vld.idx.msk [tilespmem:v49+s13+$0x0], $0xffff  }
0x9d: {  	v55 =	vld.idx.msk [tilespmem:v6+s12+$0x0], $0xffff;
	v2 =	vadd.f32 v3, v2;
	v3 =	vmul.f32 v5, v50  }
0x9e: {  	v5 =	vld.idx.msk [tilespmem:v6+s13+$0x0], $0xffff;
	v6 =	vor.u32 $0x1B, v1  }
0x9f: {  	v56 =	vld.idx.msk [tilespmem:v52+s12+$0x0], $0xffff;
	v2 =	vadd.f32 v3, v2;
	v3 =	vmul.f32 v7, v51  }
0xa0: {  	v57 =	vor.u32 $0x1C, v1;
	v7 =	vld.idx.msk [tilespmem:v52+s13+$0x0], $0xffff  }
0xa1: {  	v58 =	vld.idx.msk [tilespmem:v54+s12+$0x0], $0xffff;
	v2 =	vadd.f32 v3, v2;
	v3 =	vmul.f32 v4, v53  }
0xa2: {  	v4 =	vld.idx.msk [tilespmem:v54+s13+$0x0], $0xffff  }
0xa3: {  	v60 =	vld.idx.msk [tilespmem:v6+s12+$0x0], $0xffff;
	v2 =	vadd.f32 v3, v2;
	v3 =	vmul.f32 v5, v55  }
0xa4: {  	v59 =	vor.u32 $0x1D, v1;
	v5 =	vld.idx.msk [tilespmem:v6+s13+$0x0], $0xffff  }
0xa5: {  	v61 =	vld.idx.msk [tilespmem:v57+s12+$0x0], $0xffff;
	v2 =	vadd.f32 v3, v2;
	v3 =	vmul.f32 v7, v56  }
0xa6: {  	v6 =	vor.u32 $0x1E, v1;
	v7 =	vld.idx.msk [tilespmem:v57+s13+$0x0], $0xffff  }
0xa7: {  	v2 =	vadd.f32 v3, v2;
	v3 =	vmul.f32 v4, v58  }
0xa8: {  	v1 =	vor.u32 $0x1F, v1  }
0xa9: {  	v62 =	vld.idx.msk [tilespmem:v59+s12+$0x0], $0xffff;
	v2 =	vadd.f32 v3, v2;
	v3 =	vmul.f32 v5, v60  }
0xaa: {  	v4 =	vld.idx.msk [tilespmem:v59+s13+$0x0], $0xffff  }
0xab: {  	v63 =	vld.idx.msk [tilespmem:v6+s12+$0x0], $0xffff;
	v2 =	vadd.f32 v3, v2;
	v3 =	vmul.f32 v7, v61  }
0xac: {  	v5 =	vld.idx.msk [tilespmem:v6+s13+$0x0], $0xffff  }
0xad: {  	v6 =	vadd.f32 v3, v2;
	v2 =	vld.idx.msk [tilespmem:v1+s12+$0x0], $0xffff  }
0xae: {  	v3 =	vld.idx.msk [tilespmem:v1+s13+$0x0], $0xffff  }
0xaf: {  	v4 =	vmul.f32 v4, v62  }
0xb0: {  	s31 =	simm.s32 $0x20  }
0xb1: {  	v7 =	vmov s31;
	v5 =	vmul.f32 v5, v63;
	v4 =	vadd.f32 v4, v6  }
0xb2: {  	s26 =	simm.s32 $0x30;
	s25 =	simm.s32 $0x4400;
	v1 =	vshll.u32 v7, $0x5  }
.LBB2_2:
0xb3: {  	p0 =	sne.s32 s26, $0x70;
	v1 =	vor.u32 v0, v1;
	v4 =	vadd.f32 v5, v4;
	v2 =	vmul.f32 v3, v2;
	_ =	sdelay $0x1  }
0xb4: {  	v3 =	vor.u32 $0x1, v1;
	v2 =	vadd.f32 v2, v4  }
0xb5: {  	s25 =	sadd.s32 $0x10, s25  }
0xb6: {  	v4 =	vor.u32 $0x2, v1;
	[tilespmem:s25+$0x0] =	vst v2  }
0xb7: {  	v2 =	vld.idx.msk [tilespmem:v1+s13+$0x0], $0xffff  }
0xb8: {  	v6 =	vor.u32 $0x3, v1;
	v5 =	vld.idx.msk [tilespmem:v1+s12+$0x0], $0xffff  }
0xb9: {  	v7 =	vld.idx.msk [tilespmem:v3+s12+$0x0], $0xffff  }
0xba: {  	v8 =	vor.u32 $0x4, v1;
	v3 =	vld.idx.msk [tilespmem:v3+s13+$0x0], $0xffff  }
0xbb: {  	v9 =	vld.idx.msk [tilespmem:v4+s12+$0x0], $0xffff  }
0xbc: {  	v10 =	vor.u32 $0x5, v1;
	v4 =	vld.idx.msk [tilespmem:v4+s13+$0x0], $0xffff  }
0xbd: {  	v11 =	vld.idx.msk [tilespmem:v6+s12+$0x0], $0xffff  }
0xbe: {  	v2 =	vmul.f32 v2, v5;
	v5 =	vld.idx.msk [tilespmem:v6+s13+$0x0], $0xffff;
	v6 =	vor.u32 $0x6, v1  }
0xbf: {  	v12 =	vld.idx.msk [tilespmem:v8+s12+$0x0], $0xffff  }
0xc0: {  	v2 =	vadd.f32 $0.0e+00, v2;
	v3 =	vmul.f32 v3, v7;
	v7 =	vld.idx.msk [tilespmem:v8+s13+$0x0], $0xffff;
	v8 =	vor.u32 $0x7, v1  }
0xc1: {  	v13 =	vld.idx.msk [tilespmem:v10+s12+$0x0], $0xffff  }
0xc2: {  	v2 =	vadd.f32 v3, v2;
	v3 =	vmul.f32 v4, v9;
	v9 =	vor.u32 $0x8, v1;
	v4 =	vld.idx.msk [tilespmem:v10+s13+$0x0], $0xffff  }
0xc3: {  	v10 =	vld.idx.msk [tilespmem:v6+s12+$0x0], $0xffff  }
0xc4: {  	v2 =	vadd.f32 v3, v2;
	v3 =	vmul.f32 v5, v11;
	v5 =	vld.idx.msk [tilespmem:v6+s13+$0x0], $0xffff;
	v6 =	vor.u32 $0x9, v1  }
0xc5: {  	v11 =	vld.idx.msk [tilespmem:v8+s12+$0x0], $0xffff  }
0xc6: {  	v2 =	vadd.f32 v3, v2;
	v3 =	vmul.f32 v7, v12;
	v7 =	vld.idx.msk [tilespmem:v8+s13+$0x0], $0xffff;
	v8 =	vor.u32 $0xA, v1  }
0xc7: {  	v12 =	vld.idx.msk [tilespmem:v9+s12+$0x0], $0xffff  }
0xc8: {  	v2 =	vadd.f32 v3, v2;
	v3 =	vmul.f32 v4, v13;
	v4 =	vld.idx.msk [tilespmem:v9+s13+$0x0], $0xffff;
	v9 =	vor.u32 $0xB, v1  }
0xc9: {  	v13 =	vld.idx.msk [tilespmem:v6+s12+$0x0], $0xffff  }
0xca: {  	v2 =	vadd.f32 v3, v2;
	v3 =	vmul.f32 v5, v10;
	v5 =	vld.idx.msk [tilespmem:v6+s13+$0x0], $0xffff;
	v6 =	vor.u32 $0xC, v1  }
0xcb: {  	v10 =	vld.idx.msk [tilespmem:v8+s12+$0x0], $0xffff  }
0xcc: {  	v2 =	vadd.f32 v3, v2;
	v3 =	vmul.f32 v7, v11;
	v7 =	vld.idx.msk [tilespmem:v8+s13+$0x0], $0xffff;
	v8 =	vor.u32 $0xD, v1  }
0xcd: {  	v11 =	vld.idx.msk [tilespmem:v9+s12+$0x0], $0xffff  }
0xce: {  	v2 =	vadd.f32 v3, v2;
	v3 =	vmul.f32 v4, v12;
	v4 =	vld.idx.msk [tilespmem:v9+s13+$0x0], $0xffff;
	v9 =	vor.u32 $0xE, v1  }
0xcf: {  	v12 =	vld.idx.msk [tilespmem:v6+s12+$0x0], $0xffff  }
0xd0: {  	v2 =	vadd.f32 v3, v2;
	v3 =	vmul.f32 v5, v13;
	v5 =	vld.idx.msk [tilespmem:v6+s13+$0x0], $0xffff;
	v6 =	vor.u32 $0xF, v1  }
0xd1: {  	v13 =	vld.idx.msk [tilespmem:v8+s12+$0x0], $0xffff  }
0xd2: {  	v2 =	vadd.f32 v3, v2;
	v3 =	vmul.f32 v7, v10;
	v7 =	vld.idx.msk [tilespmem:v8+s13+$0x0], $0xffff;
	v8 =	vor.u32 $0x10, v1  }
0xd3: {  	v10 =	vld.idx.msk [tilespmem:v9+s12+$0x0], $0xffff  }
0xd4: {  	v2 =	vadd.f32 v3, v2;
	v3 =	vmul.f32 v4, v11;
	v4 =	vld.idx.msk [tilespmem:v9+s13+$0x0], $0xffff;
	v9 =	vor.u32 $0x11, v1  }
0xd5: {  	v11 =	vld.idx.msk [tilespmem:v6+s12+$0x0], $0xffff  }
0xd6: {  	v2 =	vadd.f32 v3, v2;
	v3 =	vmul.f32 v5, v12;
	v5 =	vld.idx.msk [tilespmem:v6+s13+$0x0], $0xffff;
	v6 =	vor.u32 $0x12, v1  }
0xd7: {  	v12 =	vld.idx.msk [tilespmem:v8+s12+$0x0], $0xffff  }
0xd8: {  	v2 =	vadd.f32 v3, v2;
	v3 =	vmul.f32 v7, v13;
	v7 =	vld.idx.msk [tilespmem:v8+s13+$0x0], $0xffff;
	v8 =	vor.u32 $0x13, v1  }
0xd9: {  	v13 =	vld.idx.msk [tilespmem:v9+s12+$0x0], $0xffff  }
0xda: {  	v2 =	vadd.f32 v3, v2;
	v3 =	vmul.f32 v4, v10;
	v4 =	vld.idx.msk [tilespmem:v9+s13+$0x0], $0xffff;
	v9 =	vor.u32 $0x14, v1  }
0xdb: {  	v10 =	vld.idx.msk [tilespmem:v6+s12+$0x0], $0xffff  }
0xdc: {  	v2 =	vadd.f32 v3, v2;
	v3 =	vmul.f32 v5, v11;
	v5 =	vld.idx.msk [tilespmem:v6+s13+$0x0], $0xffff;
	v6 =	vor.u32 $0x15, v1  }
0xdd: {  	v11 =	vld.idx.msk [tilespmem:v8+s12+$0x0], $0xffff  }
0xde: {  	v2 =	vadd.f32 v3, v2;
	v3 =	vmul.f32 v7, v12;
	v7 =	vld.idx.msk [tilespmem:v8+s13+$0x0], $0xffff;
	v8 =	vor.u32 $0x16, v1  }
0xdf: {  	v12 =	vld.idx.msk [tilespmem:v9+s12+$0x0], $0xffff  }
0xe0: {  	v2 =	vadd.f32 v3, v2;
	v3 =	vmul.f32 v4, v13;
	v4 =	vld.idx.msk [tilespmem:v9+s13+$0x0], $0xffff;
	v9 =	vor.u32 $0x17, v1  }
0xe1: {  	v13 =	vld.idx.msk [tilespmem:v6+s12+$0x0], $0xffff  }
0xe2: {  	v2 =	vadd.f32 v3, v2;
	v3 =	vmul.f32 v5, v10;
	v5 =	vld.idx.msk [tilespmem:v6+s13+$0x0], $0xffff;
	v6 =	vor.u32 $0x18, v1  }
0xe3: {  	v10 =	vld.idx.msk [tilespmem:v8+s12+$0x0], $0xffff  }
0xe4: {  	v2 =	vadd.f32 v3, v2;
	v3 =	vmul.f32 v7, v11;
	v7 =	vld.idx.msk [tilespmem:v8+s13+$0x0], $0xffff;
	v8 =	vor.u32 $0x19, v1  }
0xe5: {  	v11 =	vld.idx.msk [tilespmem:v9+s12+$0x0], $0xffff  }
0xe6: {  	v2 =	vadd.f32 v3, v2;
	v3 =	vmul.f32 v4, v12;
	v4 =	vld.idx.msk [tilespmem:v9+s13+$0x0], $0xffff;
	v9 =	vor.u32 $0x1A, v1  }
0xe7: {  	v12 =	vld.idx.msk [tilespmem:v6+s12+$0x0], $0xffff  }
0xe8: {  	v2 =	vadd.f32 v3, v2;
	v3 =	vmul.f32 v5, v13;
	v5 =	vld.idx.msk [tilespmem:v6+s13+$0x0], $0xffff;
	v6 =	vor.u32 $0x1B, v1  }
0xe9: {  	v13 =	vld.idx.msk [tilespmem:v8+s12+$0x0], $0xffff  }
0xea: {  	v2 =	vadd.f32 v3, v2;
	v3 =	vmul.f32 v7, v10;
	v7 =	vld.idx.msk [tilespmem:v8+s13+$0x0], $0xffff;
	v8 =	vor.u32 $0x1C, v1  }
0xeb: {  	v10 =	vld.idx.msk [tilespmem:v9+s12+$0x0], $0xffff  }
0xec: {  	v2 =	vadd.f32 v3, v2;
	v3 =	vmul.f32 v4, v11;
	v4 =	vld.idx.msk [tilespmem:v9+s13+$0x0], $0xffff;
	v9 =	vor.u32 $0x1D, v1  }
0xed: {  	v11 =	vld.idx.msk [tilespmem:v6+s12+$0x0], $0xffff  }
0xee: {  	v2 =	vadd.f32 v3, v2;
	v3 =	vmul.f32 v5, v12;
	v5 =	vld.idx.msk [tilespmem:v6+s13+$0x0], $0xffff;
	v6 =	vor.u32 $0x1E, v1  }
0xef: {  	v12 =	vld.idx.msk [tilespmem:v8+s12+$0x0], $0xffff  }
0xf0: {  	v1 =	vor.u32 $0x1F, v1;
	v2 =	vadd.f32 v3, v2;
	v3 =	vmul.f32 v7, v13;
	v7 =	vld.idx.msk [tilespmem:v8+s13+$0x0], $0xffff  }
0xf1: {  	v8 =	vld.idx.msk [tilespmem:v9+s12+$0x0], $0xffff  }
0xf2: {  	v2 =	vadd.f32 v3, v2;
	v3 =	vmul.f32 v4, v10;
	v4 =	vld.idx.msk [tilespmem:v9+s13+$0x0], $0xffff  }
0xf3: {  	v9 =	vld.idx.msk [tilespmem:v6+s12+$0x0], $0xffff  }
0xf4: {  	v3 =	vadd.f32 v3, v2;
	v5 =	vmul.f32 v5, v11;
	v6 =	vld.idx.msk [tilespmem:v6+s13+$0x0], $0xffff  }
0xf5: {  	v2 =	vld.idx.msk [tilespmem:v1+s12+$0x0], $0xffff  }
0xf6: {  	v5 =	vadd.f32 v5, v3;
	v7 =	vmul.f32 v7, v12;
	v3 =	vld.idx.msk [tilespmem:v1+s13+$0x0], $0xffff  }
.Ltmp0:
0xf7: {  	(pc) =	sbr.rel @p0 .LBB2_2-.Ltmp0, $3  }
0xf8: {  	v1 =	vadd.f32 v7, v5;
	v4 =	vmul.f32 v4, v8;
	_ =	sdelay $0x1  }
0xf9: {  	v7 =	vmov s26;
	v4 =	vadd.f32 v4, v1;
	v5 =	vmul.f32 v6, v9  }
0xfa: {  	s26 =	sadd.s32 $0x10, s26;
	v1 =	vshll.u32 v7, $0x5  }
0xfb: {  	v1 =	vor.u32 v0, v1;
	v4 =	vadd.f32 v5, v4;
	v2 =	vmul.f32 v3, v2;
	_ =	sdelay $0x1  }
0xfc: {  	v3 =	vor.u32 $0x1, v1;
	v2 =	vadd.f32 v2, v4  }
0xfd: {  	s25 =	sadd.s32 $0x10, s25  }
0xfe: {  	v4 =	vor.u32 $0x2, v1;
	[tilespmem:s25+$0x0] =	vst v2  }
0xff: {  	v2 =	vld.idx.msk [tilespmem:v1+s13+$0x0], $0xffff  }
0x100: {  	v6 =	vor.u32 $0x3, v1;
	v5 =	vld.idx.msk [tilespmem:v1+s12+$0x0], $0xffff  }
0x101: {  	v7 =	vld.idx.msk [tilespmem:v3+s12+$0x0], $0xffff  }
0x102: {  	v8 =	vor.u32 $0x4, v1;
	v3 =	vld.idx.msk [tilespmem:v3+s13+$0x0], $0xffff  }
0x103: {  	v9 =	vld.idx.msk [tilespmem:v4+s12+$0x0], $0xffff  }
0x104: {  	v10 =	vor.u32 $0x5, v1;
	v4 =	vld.idx.msk [tilespmem:v4+s13+$0x0], $0xffff  }
0x105: {  	v11 =	vld.idx.msk [tilespmem:v6+s12+$0x0], $0xffff;
	v2 =	vmul.f32 v2, v5  }
0x106: {  	v5 =	vld.idx.msk [tilespmem:v6+s13+$0x0], $0xffff;
	v6 =	vor.u32 $0x6, v1  }
0x107: {  	v12 =	vld.idx.msk [tilespmem:v8+s12+$0x0], $0xffff;
	v3 =	vmul.f32 v3, v7;
	v2 =	vadd.f32 $0.0e+00, v2  }
0x108: {  	v26 =	vor.u32 $0x7, v1;
	v7 =	vld.idx.msk [tilespmem:v8+s13+$0x0], $0xffff  }
0x109: {  	v13 =	vld.idx.msk [tilespmem:v10+s12+$0x0], $0xffff;
	v2 =	vadd.f32 v3, v2;
	v3 =	vmul.f32 v4, v9  }
0x10a: {  	v27 =	vor.u32 $0x8, v1;
	v4 =	vld.idx.msk [tilespmem:v10+s13+$0x0], $0xffff  }
0x10b: {  	v28 =	vld.idx.msk [tilespmem:v6+s12+$0x0], $0xffff;
	v2 =	vadd.f32 v3, v2;
	v3 =	vmul.f32 v5, v11  }
0x10c: {  	v5 =	vld.idx.msk [tilespmem:v6+s13+$0x0], $0xffff;
	v6 =	vor.u32 $0x9, v1  }
0x10d: {  	v29 =	vld.idx.msk [tilespmem:v26+s12+$0x0], $0xffff;
	v2 =	vadd.f32 v3, v2;
	v3 =	vmul.f32 v7, v12  }
0x10e: {  	v30 =	vor.u32 $0xA, v1;
	v7 =	vld.idx.msk [tilespmem:v26+s13+$0x0], $0xffff  }
0x10f: {  	v31 =	vld.idx.msk [tilespmem:v27+s12+$0x0], $0xffff;
	v2 =	vadd.f32 v3, v2;
	v3 =	vmul.f32 v4, v13  }
0x110: {  	v32 =	vor.u32 $0xB, v1;
	v4 =	vld.idx.msk [tilespmem:v27+s13+$0x0], $0xffff  }
0x111: {  	v33 =	vld.idx.msk [tilespmem:v6+s12+$0x0], $0xffff;
	v2 =	vadd.f32 v3, v2;
	v3 =	vmul.f32 v5, v28  }
0x112: {  	v5 =	vld.idx.msk [tilespmem:v6+s13+$0x0], $0xffff;
	v6 =	vor.u32 $0xC, v1  }
0x113: {  	v34 =	vld.idx.msk [tilespmem:v30+s12+$0x0], $0xffff;
	v2 =	vadd.f32 v3, v2;
	v3 =	vmul.f32 v7, v29  }
0x114: {  	v35 =	vor.u32 $0xD, v1;
	v7 =	vld.idx.msk [tilespmem:v30+s13+$0x0], $0xffff  }
0x115: {  	v36 =	vld.idx.msk [tilespmem:v32+s12+$0x0], $0xffff;
	v2 =	vadd.f32 v3, v2;
	v3 =	vmul.f32 v4, v31  }
0x116: {  	v37 =	vor.u32 $0xE, v1;
	v4 =	vld.idx.msk [tilespmem:v32+s13+$0x0], $0xffff  }
0x117: {  	v38 =	vld.idx.msk [tilespmem:v6+s12+$0x0], $0xffff;
	v2 =	vadd.f32 v3, v2;
	v3 =	vmul.f32 v5, v33  }
0x118: {  	v5 =	vld.idx.msk [tilespmem:v6+s13+$0x0], $0xffff;
	v6 =	vor.u32 $0xF, v1  }
0x119: {  	v39 =	vld.idx.msk [tilespmem:v35+s12+$0x0], $0xffff;
	v2 =	vadd.f32 v3, v2;
	v3 =	vmul.f32 v7, v34  }
0x11a: {  	v40 =	vor.u32 $0x10, v1;
	v7 =	vld.idx.msk [tilespmem:v35+s13+$0x0], $0xffff  }
0x11b: {  	v41 =	vld.idx.msk [tilespmem:v37+s12+$0x0], $0xffff;
	v2 =	vadd.f32 v3, v2;
	v3 =	vmul.f32 v4, v36  }
0x11c: {  	v42 =	vor.u32 $0x11, v1;
	v4 =	vld.idx.msk [tilespmem:v37+s13+$0x0], $0xffff  }
0x11d: {  	v43 =	vld.idx.msk [tilespmem:v6+s12+$0x0], $0xffff;
	v2 =	vadd.f32 v3, v2;
	v3 =	vmul.f32 v5, v38  }
0x11e: {  	v5 =	vld.idx.msk [tilespmem:v6+s13+$0x0], $0xffff;
	v6 =	vor.u32 $0x12, v1  }
0x11f: {  	v44 =	vld.idx.msk [tilespmem:v40+s12+$0x0], $0xffff;
	v2 =	vadd.f32 v3, v2;
	v3 =	vmul.f32 v7, v39  }
0x120: {  	v45 =	vor.u32 $0x13, v1;
	v7 =	vld.idx.msk [tilespmem:v40+s13+$0x0], $0xffff  }
0x121: {  	v46 =	vld.idx.msk [tilespmem:v42+s12+$0x0], $0xffff;
	v2 =	vadd.f32 v3, v2;
	v3 =	vmul.f32 v4, v41  }
0x122: {  	v47 =	vor.u32 $0x14, v1;
	v4 =	vld.idx.msk [tilespmem:v42+s13+$0x0], $0xffff  }
0x123: {  	v48 =	vld.idx.msk [tilespmem:v6+s12+$0x0], $0xffff;
	v2 =	vadd.f32 v3, v2;
	v3 =	vmul.f32 v5, v43  }
0x124: {  	v5 =	vld.idx.msk [tilespmem:v6+s13+$0x0], $0xffff;
	v6 =	vor.u32 $0x15, v1  }
0x125: {  	v49 =	vld.idx.msk [tilespmem:v45+s12+$0x0], $0xffff;
	v2 =	vadd.f32 v3, v2;
	v3 =	vmul.f32 v7, v44  }
0x126: {  	v50 =	vor.u32 $0x16, v1;
	v7 =	vld.idx.msk [tilespmem:v45+s13+$0x0], $0xffff  }
0x127: {  	v51 =	vld.idx.msk [tilespmem:v47+s12+$0x0], $0xffff;
	v2 =	vadd.f32 v3, v2;
	v3 =	vmul.f32 v4, v46  }
0x128: {  	v52 =	vor.u32 $0x17, v1;
	v4 =	vld.idx.msk [tilespmem:v47+s13+$0x0], $0xffff  }
0x129: {  	v53 =	vld.idx.msk [tilespmem:v6+s12+$0x0], $0xffff;
	v2 =	vadd.f32 v3, v2;
	v3 =	vmul.f32 v5, v48  }
0x12a: {  	v5 =	vld.idx.msk [tilespmem:v6+s13+$0x0], $0xffff;
	v6 =	vor.u32 $0x18, v1  }
0x12b: {  	v54 =	vld.idx.msk [tilespmem:v50+s12+$0x0], $0xffff;
	v2 =	vadd.f32 v3, v2;
	v3 =	vmul.f32 v7, v49  }
0x12c: {  	v55 =	vor.u32 $0x19, v1;
	v7 =	vld.idx.msk [tilespmem:v50+s13+$0x0], $0xffff  }
0x12d: {  	v56 =	vld.idx.msk [tilespmem:v52+s12+$0x0], $0xffff;
	v2 =	vadd.f32 v3, v2;
	v3 =	vmul.f32 v4, v51  }
0x12e: {  	v57 =	vor.u32 $0x1A, v1;
	v4 =	vld.idx.msk [tilespmem:v52+s13+$0x0], $0xffff  }
0x12f: {  	v58 =	vld.idx.msk [tilespmem:v6+s12+$0x0], $0xffff;
	v2 =	vadd.f32 v3, v2;
	v3 =	vmul.f32 v5, v53  }
0x130: {  	v5 =	vld.idx.msk [tilespmem:v6+s13+$0x0], $0xffff;
	v6 =	vor.u32 $0x1B, v1  }
0x131: {  	v59 =	vld.idx.msk [tilespmem:v55+s12+$0x0], $0xffff;
	v2 =	vadd.f32 v3, v2;
	v3 =	vmul.f32 v7, v54  }
0x132: {  	v60 =	vor.u32 $0x1C, v1;
	v7 =	vld.idx.msk [tilespmem:v55+s13+$0x0], $0xffff  }
0x133: {  	v61 =	vld.idx.msk [tilespmem:v57+s12+$0x0], $0xffff;
	v2 =	vadd.f32 v3, v2;
	v3 =	vmul.f32 v4, v56  }
0x134: {  	v62 =	vor.u32 $0x1D, v1;
	v4 =	vld.idx.msk [tilespmem:v57+s13+$0x0], $0xffff  }
0x135: {  	v63 =	vld.idx.msk [tilespmem:v6+s12+$0x0], $0xffff;
	v2 =	vadd.f32 v3, v2;
	v3 =	vmul.f32 v5, v58  }
0x136: {  	v5 =	vld.idx.msk [tilespmem:v6+s13+$0x0], $0xffff;
	v6 =	vor.u32 $0x1E, v1  }
0x137: {  	v16 =	vld.idx.msk [tilespmem:v60+s12+$0x0], $0xffff;
	v2 =	vadd.f32 v3, v2;
	v3 =	vmul.f32 v7, v59  }
0x138: {  	v1 =	vor.u32 $0x1F, v1;
	v7 =	vld.idx.msk [tilespmem:v60+s13+$0x0], $0xffff  }
0x139: {  	v17 =	vld.idx.msk [tilespmem:v62+s12+$0x0], $0xffff;
	v2 =	vadd.f32 v3, v2;
	v3 =	vmul.f32 v4, v61  }
0x13a: {  	v4 =	vld.idx.msk [tilespmem:v62+s13+$0x0], $0xffff  }
0x13b: {  	v18 =	vld.idx.msk [tilespmem:v6+s12+$0x0], $0xffff;
	v2 =	vadd.f32 v3, v2;
	v3 =	vmul.f32 v5, v63  }
0x13c: {  	v5 =	vld.idx.msk [tilespmem:v6+s13+$0x0], $0xffff  }
0x13d: {  	v6 =	vld.idx.msk [tilespmem:v1+s12+$0x0], $0xffff;
	v2 =	vadd.f32 v3, v2;
	v3 =	vmul.f32 v7, v16  }
0x13e: {  	v1 =	vld.idx.msk [tilespmem:v1+s13+$0x0], $0xffff  }
0x13f: {  	v2 =	vadd.f32 v3, v2;
	v3 =	vmul.f32 v4, v17;
	_ =	sdelay $0x1  }
0x140: {  	v2 =	vadd.f32 v3, v2;
	v3 =	vmul.f32 v5, v18;
	_ =	sdelay $0x1  }
0x141: {  	v1 =	vmul.f32 v1, v6;
	v2 =	vadd.f32 v3, v2;
	_ =	sdelay $0x1  }
0x142: {  	v1 =	vadd.f32 v1, v2  }
0x143: {  	s25 =	sadd.s32 $0x10, s25  }
0x144: {  	[tilespmem:s25+$0x0] =	vst v1  }
0x145: {  	[tilespmem:s12], [sflag:$0x1] =	stream.indirect.gather [hbm4b:s3+s11], $0x20, s18, s11, $0xb8;
	[tilespmem:$0x4600] =	vst v63  }
0x146: {  	s30 =	simm.s32 $0x0  }
0x147: {  	v1 =	vmov s30;
	[tilespmem:s13], [sflag:$0x1] =	stream.indirect.gather [hbm4b:s4+s11], $0x20, s19, s11, $0xb8;
	[tilespmem:$0x4600] =	vst v63  }
0x148: {  	v1 =	vshll.u32 v1, $0x5;
	_ =	swait.ge [sflag:s20], $0x1000  }
0x149: {  	v1 =	vor.u32 v0, v1;
	[sflag:s20] =	ssyncset.done $0x0  }
0x14a: {  	[sflag:s20] =	ssyncadd.s32 $0xFFFFF000  }
0x14b: {  	v2 =	vor.u32 $0x1, v1;
	_ =	swait.ge [sflag:s20], $0x1000  }
0x14c: {  	[sflag:s20] =	ssyncset.done $0x0  }
0x14d: {  	v3 =	vor.u32 $0x2, v1;
	[sflag:s20] =	ssyncadd.s32 $0xFFFFF000  }
0x14e: {  	v4 =	vld.idx.msk [tilespmem:v1+s16+$0x0], $0xffff  }
0x14f: {  	v6 =	vor.u32 $0x3, v1;
	v5 =	vld.idx.msk [tilespmem:v1+s14+$0x0], $0xffff  }
0x150: {  	v7 =	vld.idx.msk [tilespmem:v2+s14+$0x0], $0xffff  }
0x151: {  	v19 =	vor.u32 $0x4, v1;
	v2 =	vld.idx.msk [tilespmem:v2+s16+$0x0], $0xffff  }
0x152: {  	v20 =	vld.idx.msk [tilespmem:v3+s14+$0x0], $0xffff  }
0x153: {  	v21 =	vor.u32 $0x5, v1;
	v3 =	vld.idx.msk [tilespmem:v3+s16+$0x0], $0xffff  }
0x154: {  	v22 =	vld.idx.msk [tilespmem:v6+s14+$0x0], $0xffff;
	v4 =	vmul.f32 v4, v5  }
0x155: {  	v5 =	vld.idx.msk [tilespmem:v6+s16+$0x0], $0xffff;
	v6 =	vor.u32 $0x6, v1  }
0x156: {  	v23 =	vld.idx.msk [tilespmem:v19+s14+$0x0], $0xffff;
	v2 =	vmul.f32 v2, v7;
	v4 =	vadd.f32 $0.0e+00, v4  }
0x157: {  	v24 =	vor.u32 $0x7, v1;
	v7 =	vld.idx.msk [tilespmem:v19+s16+$0x0], $0xffff  }
0x158: {  	v25 =	vld.idx.msk [tilespmem:v21+s14+$0x0], $0xffff;
	v3 =	vmul.f32 v3, v20;
	v2 =	vadd.f32 v2, v4  }
0x159: {  	v26 =	vor.u32 $0x8, v1;
	v4 =	vld.idx.msk [tilespmem:v21+s16+$0x0], $0xffff  }
0x15a: {  	v27 =	vld.idx.msk [tilespmem:v6+s14+$0x0], $0xffff;
	v2 =	vadd.f32 v3, v2;
	v3 =	vmul.f32 v5, v22  }
0x15b: {  	v5 =	vld.idx.msk [tilespmem:v6+s16+$0x0], $0xffff;
	v6 =	vor.u32 $0x9, v1  }
0x15c: {  	v28 =	vld.idx.msk [tilespmem:v24+s14+$0x0], $0xffff;
	v2 =	vadd.f32 v3, v2;
	v3 =	vmul.f32 v7, v23  }
0x15d: {  	v29 =	vor.u32 $0xA, v1;
	v7 =	vld.idx.msk [tilespmem:v24+s16+$0x0], $0xffff  }
0x15e: {  	v30 =	vld.idx.msk [tilespmem:v26+s14+$0x0], $0xffff;
	v2 =	vadd.f32 v3, v2;
	v3 =	vmul.f32 v4, v25  }
0x15f: {  	v31 =	vor.u32 $0xB, v1;
	v4 =	vld.idx.msk [tilespmem:v26+s16+$0x0], $0xffff  }
0x160: {  	v32 =	vld.idx.msk [tilespmem:v6+s14+$0x0], $0xffff;
	v2 =	vadd.f32 v3, v2;
	v3 =	vmul.f32 v5, v27  }
0x161: {  	v5 =	vld.idx.msk [tilespmem:v6+s16+$0x0], $0xffff;
	v6 =	vor.u32 $0xC, v1  }
0x162: {  	v33 =	vld.idx.msk [tilespmem:v29+s14+$0x0], $0xffff;
	v2 =	vadd.f32 v3, v2;
	v3 =	vmul.f32 v7, v28  }
0x163: {  	v34 =	vor.u32 $0xD, v1;
	v7 =	vld.idx.msk [tilespmem:v29+s16+$0x0], $0xffff  }
0x164: {  	v35 =	vld.idx.msk [tilespmem:v31+s14+$0x0], $0xffff;
	v2 =	vadd.f32 v3, v2;
	v3 =	vmul.f32 v4, v30  }
0x165: {  	v36 =	vor.u32 $0xE, v1;
	v4 =	vld.idx.msk [tilespmem:v31+s16+$0x0], $0xffff  }
0x166: {  	v37 =	vld.idx.msk [tilespmem:v6+s14+$0x0], $0xffff;
	v2 =	vadd.f32 v3, v2;
	v3 =	vmul.f32 v5, v32  }
0x167: {  	v5 =	vld.idx.msk [tilespmem:v6+s16+$0x0], $0xffff;
	v6 =	vor.u32 $0xF, v1  }
0x168: {  	v38 =	vld.idx.msk [tilespmem:v34+s14+$0x0], $0xffff;
	v2 =	vadd.f32 v3, v2;
	v3 =	vmul.f32 v7, v33  }
0x169: {  	v39 =	vor.u32 $0x10, v1;
	v7 =	vld.idx.msk [tilespmem:v34+s16+$0x0], $0xffff  }
0x16a: {  	v40 =	vld.idx.msk [tilespmem:v36+s14+$0x0], $0xffff;
	v2 =	vadd.f32 v3, v2;
	v3 =	vmul.f32 v4, v35  }
0x16b: {  	v41 =	vor.u32 $0x11, v1;
	v4 =	vld.idx.msk [tilespmem:v36+s16+$0x0], $0xffff  }
0x16c: {  	v42 =	vld.idx.msk [tilespmem:v6+s14+$0x0], $0xffff;
	v2 =	vadd.f32 v3, v2;
	v3 =	vmul.f32 v5, v37  }
0x16d: {  	v5 =	vld.idx.msk [tilespmem:v6+s16+$0x0], $0xffff;
	v6 =	vor.u32 $0x12, v1  }
0x16e: {  	v43 =	vld.idx.msk [tilespmem:v39+s14+$0x0], $0xffff;
	v2 =	vadd.f32 v3, v2;
	v3 =	vmul.f32 v7, v38  }
0x16f: {  	v44 =	vor.u32 $0x13, v1;
	v7 =	vld.idx.msk [tilespmem:v39+s16+$0x0], $0xffff  }
0x170: {  	v45 =	vld.idx.msk [tilespmem:v41+s14+$0x0], $0xffff;
	v2 =	vadd.f32 v3, v2;
	v3 =	vmul.f32 v4, v40  }
0x171: {  	v46 =	vor.u32 $0x14, v1;
	v4 =	vld.idx.msk [tilespmem:v41+s16+$0x0], $0xffff  }
0x172: {  	v47 =	vld.idx.msk [tilespmem:v6+s14+$0x0], $0xffff;
	v2 =	vadd.f32 v3, v2;
	v3 =	vmul.f32 v5, v42  }
0x173: {  	v5 =	vld.idx.msk [tilespmem:v6+s16+$0x0], $0xffff;
	v6 =	vor.u32 $0x15, v1  }
0x174: {  	v48 =	vld.idx.msk [tilespmem:v44+s14+$0x0], $0xffff;
	v2 =	vadd.f32 v3, v2;
	v3 =	vmul.f32 v7, v43  }
0x175: {  	v49 =	vor.u32 $0x16, v1;
	v7 =	vld.idx.msk [tilespmem:v44+s16+$0x0], $0xffff  }
0x176: {  	v50 =	vld.idx.msk [tilespmem:v46+s14+$0x0], $0xffff;
	v2 =	vadd.f32 v3, v2;
	v3 =	vmul.f32 v4, v45  }
0x177: {  	v51 =	vor.u32 $0x17, v1;
	v4 =	vld.idx.msk [tilespmem:v46+s16+$0x0], $0xffff  }
0x178: {  	v52 =	vld.idx.msk [tilespmem:v6+s14+$0x0], $0xffff;
	v2 =	vadd.f32 v3, v2;
	v3 =	vmul.f32 v5, v47  }
0x179: {  	v5 =	vld.idx.msk [tilespmem:v6+s16+$0x0], $0xffff;
	v6 =	vor.u32 $0x18, v1  }
0x17a: {  	v53 =	vld.idx.msk [tilespmem:v49+s14+$0x0], $0xffff;
	v2 =	vadd.f32 v3, v2;
	v3 =	vmul.f32 v7, v48  }
0x17b: {  	v54 =	vor.u32 $0x19, v1;
	v7 =	vld.idx.msk [tilespmem:v49+s16+$0x0], $0xffff  }
0x17c: {  	v55 =	vld.idx.msk [tilespmem:v51+s14+$0x0], $0xffff;
	v2 =	vadd.f32 v3, v2;
	v3 =	vmul.f32 v4, v50  }
0x17d: {  	v56 =	vor.u32 $0x1A, v1;
	v4 =	vld.idx.msk [tilespmem:v51+s16+$0x0], $0xffff  }
0x17e: {  	v57 =	vld.idx.msk [tilespmem:v6+s14+$0x0], $0xffff;
	v2 =	vadd.f32 v3, v2;
	v3 =	vmul.f32 v5, v52  }
0x17f: {  	v5 =	vld.idx.msk [tilespmem:v6+s16+$0x0], $0xffff;
	v6 =	vor.u32 $0x1B, v1  }
0x180: {  	v58 =	vld.idx.msk [tilespmem:v54+s14+$0x0], $0xffff;
	v2 =	vadd.f32 v3, v2;
	v3 =	vmul.f32 v7, v53  }
0x181: {  	v59 =	vor.u32 $0x1C, v1;
	v7 =	vld.idx.msk [tilespmem:v54+s16+$0x0], $0xffff  }
0x182: {  	v60 =	vld.idx.msk [tilespmem:v56+s14+$0x0], $0xffff;
	v2 =	vadd.f32 v3, v2;
	v3 =	vmul.f32 v4, v55  }
0x183: {  	v61 =	vor.u32 $0x1D, v1;
	v4 =	vld.idx.msk [tilespmem:v56+s16+$0x0], $0xffff  }
0x184: {  	v62 =	vld.idx.msk [tilespmem:v6+s14+$0x0], $0xffff;
	v2 =	vadd.f32 v3, v2;
	v3 =	vmul.f32 v5, v57  }
0x185: {  	v5 =	vld.idx.msk [tilespmem:v6+s16+$0x0], $0xffff;
	v6 =	vor.u32 $0x1E, v1  }
0x186: {  	v63 =	vld.idx.msk [tilespmem:v59+s14+$0x0], $0xffff;
	v2 =	vadd.f32 v3, v2;
	v3 =	vmul.f32 v7, v58  }
0x187: {  	v1 =	vor.u32 $0x1F, v1;
	v7 =	vld.idx.msk [tilespmem:v59+s16+$0x0], $0xffff  }
0x188: {  	v15 =	vld.idx.msk [tilespmem:v61+s14+$0x0], $0xffff;
	v2 =	vadd.f32 v3, v2;
	v3 =	vmul.f32 v4, v60  }
0x189: {  	v4 =	vld.idx.msk [tilespmem:v61+s16+$0x0], $0xffff  }
0x18a: {  	v16 =	vld.idx.msk [tilespmem:v6+s14+$0x0], $0xffff;
	v2 =	vadd.f32 v3, v2;
	v3 =	vmul.f32 v5, v62  }
0x18b: {  	v5 =	vld.idx.msk [tilespmem:v6+s16+$0x0], $0xffff  }
0x18c: {  	v6 =	vld.idx.msk [tilespmem:v1+s14+$0x0], $0xffff;
	v2 =	vadd.f32 v3, v2;
	v3 =	vmul.f32 v7, v63  }
0x18d: {  	v7 =	vld.idx.msk [tilespmem:v1+s16+$0x0], $0xffff  }
0x18e: {  	v1 =	vadd.f32 v3, v2;
	v2 =	vmul.f32 v4, v15  }
0x18f: {  	s31 =	simm.s32 $0x10  }
0x190: {  	v3 =	vmov s31;
	v4 =	vmul.f32 v5, v16;
	v2 =	vadd.f32 v2, v1  }
0x191: {  	v1 =	vshll.u32 v3, $0x5  }
0x192: {  	v1 =	vor.u32 v0, v1;
	v3 =	vmul.f32 v7, v6;
	v2 =	vadd.f32 v4, v2;
	_ =	sdelay $0x1  }
0x193: {  	v4 =	vor.u32 $0x1, v1;
	v2 =	vadd.f32 v3, v2  }
0x194: {  	s25 =	simm.s32 $0x4480  }
0x195: {  	v3 =	vor.u32 $0x2, v1;
	[tilespmem:s25+$0x0] =	vst v2  }
0x196: {  	v2 =	vld.idx.msk [tilespmem:v1+s16+$0x0], $0xffff  }
0x197: {  	v6 =	vor.u32 $0x3, v1;
	v5 =	vld.idx.msk [tilespmem:v1+s14+$0x0], $0xffff  }
0x198: {  	v7 =	vld.idx.msk [tilespmem:v4+s14+$0x0], $0xffff  }
0x199: {  	v17 =	vor.u32 $0x4, v1;
	v4 =	vld.idx.msk [tilespmem:v4+s16+$0x0], $0xffff  }
0x19a: {  	v18 =	vld.idx.msk [tilespmem:v3+s14+$0x0], $0xffff  }
0x19b: {  	v19 =	vor.u32 $0x5, v1;
	v3 =	vld.idx.msk [tilespmem:v3+s16+$0x0], $0xffff  }
0x19c: {  	v20 =	vld.idx.msk [tilespmem:v6+s14+$0x0], $0xffff;
	v2 =	vmul.f32 v2, v5  }
0x19d: {  	v5 =	vld.idx.msk [tilespmem:v6+s16+$0x0], $0xffff;
	v6 =	vor.u32 $0x6, v1  }
0x19e: {  	v21 =	vld.idx.msk [tilespmem:v17+s14+$0x0], $0xffff;
	v4 =	vmul.f32 v4, v7;
	v2 =	vadd.f32 $0.0e+00, v2  }
0x19f: {  	v22 =	vor.u32 $0x7, v1;
	v7 =	vld.idx.msk [tilespmem:v17+s16+$0x0], $0xffff  }
0x1a0: {  	v23 =	vld.idx.msk [tilespmem:v19+s14+$0x0], $0xffff;
	v3 =	vmul.f32 v3, v18;
	v2 =	vadd.f32 v4, v2  }
0x1a1: {  	v24 =	vor.u32 $0x8, v1;
	v4 =	vld.idx.msk [tilespmem:v19+s16+$0x0], $0xffff  }
0x1a2: {  	v25 =	vld.idx.msk [tilespmem:v6+s14+$0x0], $0xffff;
	v2 =	vadd.f32 v3, v2;
	v3 =	vmul.f32 v5, v20  }
0x1a3: {  	v5 =	vld.idx.msk [tilespmem:v6+s16+$0x0], $0xffff;
	v6 =	vor.u32 $0x9, v1  }
0x1a4: {  	v26 =	vld.idx.msk [tilespmem:v22+s14+$0x0], $0xffff;
	v2 =	vadd.f32 v3, v2;
	v3 =	vmul.f32 v7, v21  }
0x1a5: {  	v27 =	vor.u32 $0xA, v1;
	v7 =	vld.idx.msk [tilespmem:v22+s16+$0x0], $0xffff  }
0x1a6: {  	v28 =	vld.idx.msk [tilespmem:v24+s14+$0x0], $0xffff;
	v2 =	vadd.f32 v3, v2;
	v3 =	vmul.f32 v4, v23  }
0x1a7: {  	v29 =	vor.u32 $0xB, v1;
	v4 =	vld.idx.msk [tilespmem:v24+s16+$0x0], $0xffff  }
0x1a8: {  	v30 =	vld.idx.msk [tilespmem:v6+s14+$0x0], $0xffff;
	v2 =	vadd.f32 v3, v2;
	v3 =	vmul.f32 v5, v25  }
0x1a9: {  	v5 =	vld.idx.msk [tilespmem:v6+s16+$0x0], $0xffff;
	v6 =	vor.u32 $0xC, v1  }
0x1aa: {  	v31 =	vld.idx.msk [tilespmem:v27+s14+$0x0], $0xffff;
	v2 =	vadd.f32 v3, v2;
	v3 =	vmul.f32 v7, v26  }
0x1ab: {  	v32 =	vor.u32 $0xD, v1;
	v7 =	vld.idx.msk [tilespmem:v27+s16+$0x0], $0xffff  }
0x1ac: {  	v33 =	vld.idx.msk [tilespmem:v29+s14+$0x0], $0xffff;
	v2 =	vadd.f32 v3, v2;
	v3 =	vmul.f32 v4, v28  }
0x1ad: {  	v34 =	vor.u32 $0xE, v1;
	v4 =	vld.idx.msk [tilespmem:v29+s16+$0x0], $0xffff  }
0x1ae: {  	v35 =	vld.idx.msk [tilespmem:v6+s14+$0x0], $0xffff;
	v2 =	vadd.f32 v3, v2;
	v3 =	vmul.f32 v5, v30  }
0x1af: {  	v5 =	vld.idx.msk [tilespmem:v6+s16+$0x0], $0xffff;
	v6 =	vor.u32 $0xF, v1  }
0x1b0: {  	v36 =	vld.idx.msk [tilespmem:v32+s14+$0x0], $0xffff;
	v2 =	vadd.f32 v3, v2;
	v3 =	vmul.f32 v7, v31  }
0x1b1: {  	v37 =	vor.u32 $0x10, v1;
	v7 =	vld.idx.msk [tilespmem:v32+s16+$0x0], $0xffff  }
0x1b2: {  	v38 =	vld.idx.msk [tilespmem:v34+s14+$0x0], $0xffff;
	v2 =	vadd.f32 v3, v2;
	v3 =	vmul.f32 v4, v33  }
0x1b3: {  	v39 =	vor.u32 $0x11, v1;
	v4 =	vld.idx.msk [tilespmem:v34+s16+$0x0], $0xffff  }
0x1b4: {  	v40 =	vld.idx.msk [tilespmem:v6+s14+$0x0], $0xffff;
	v2 =	vadd.f32 v3, v2;
	v3 =	vmul.f32 v5, v35  }
0x1b5: {  	v5 =	vld.idx.msk [tilespmem:v6+s16+$0x0], $0xffff;
	v6 =	vor.u32 $0x12, v1  }
0x1b6: {  	v41 =	vld.idx.msk [tilespmem:v37+s14+$0x0], $0xffff;
	v2 =	vadd.f32 v3, v2;
	v3 =	vmul.f32 v7, v36  }
0x1b7: {  	v42 =	vor.u32 $0x13, v1;
	v7 =	vld.idx.msk [tilespmem:v37+s16+$0x0], $0xffff  }
0x1b8: {  	v43 =	vld.idx.msk [tilespmem:v39+s14+$0x0], $0xffff;
	v2 =	vadd.f32 v3, v2;
	v3 =	vmul.f32 v4, v38  }
0x1b9: {  	v44 =	vor.u32 $0x14, v1;
	v4 =	vld.idx.msk [tilespmem:v39+s16+$0x0], $0xffff  }
0x1ba: {  	v45 =	vld.idx.msk [tilespmem:v6+s14+$0x0], $0xffff;
	v2 =	vadd.f32 v3, v2;
	v3 =	vmul.f32 v5, v40  }
0x1bb: {  	v5 =	vld.idx.msk [tilespmem:v6+s16+$0x0], $0xffff;
	v6 =	vor.u32 $0x15, v1  }
0x1bc: {  	v46 =	vld.idx.msk [tilespmem:v42+s14+$0x0], $0xffff;
	v2 =	vadd.f32 v3, v2;
	v3 =	vmul.f32 v7, v41  }
0x1bd: {  	v47 =	vor.u32 $0x16, v1;
	v7 =	vld.idx.msk [tilespmem:v42+s16+$0x0], $0xffff  }
0x1be: {  	v48 =	vld.idx.msk [tilespmem:v44+s14+$0x0], $0xffff;
	v2 =	vadd.f32 v3, v2;
	v3 =	vmul.f32 v4, v43  }
0x1bf: {  	v49 =	vor.u32 $0x17, v1;
	v4 =	vld.idx.msk [tilespmem:v44+s16+$0x0], $0xffff  }
0x1c0: {  	v50 =	vld.idx.msk [tilespmem:v6+s14+$0x0], $0xffff;
	v2 =	vadd.f32 v3, v2;
	v3 =	vmul.f32 v5, v45  }
0x1c1: {  	v5 =	vld.idx.msk [tilespmem:v6+s16+$0x0], $0xffff;
	v6 =	vor.u32 $0x18, v1  }
0x1c2: {  	v51 =	vld.idx.msk [tilespmem:v47+s14+$0x0], $0xffff;
	v2 =	vadd.f32 v3, v2;
	v3 =	vmul.f32 v7, v46  }
0x1c3: {  	v52 =	vor.u32 $0x19, v1;
	v7 =	vld.idx.msk [tilespmem:v47+s16+$0x0], $0xffff  }
0x1c4: {  	v53 =	vld.idx.msk [tilespmem:v49+s14+$0x0], $0xffff;
	v2 =	vadd.f32 v3, v2;
	v3 =	vmul.f32 v4, v48  }
0x1c5: {  	v54 =	vor.u32 $0x1A, v1;
	v4 =	vld.idx.msk [tilespmem:v49+s16+$0x0], $0xffff  }
0x1c6: {  	v55 =	vld.idx.msk [tilespmem:v6+s14+$0x0], $0xffff;
	v2 =	vadd.f32 v3, v2;
	v3 =	vmul.f32 v5, v50  }
0x1c7: {  	v5 =	vld.idx.msk [tilespmem:v6+s16+$0x0], $0xffff;
	v6 =	vor.u32 $0x1B, v1  }
0x1c8: {  	v56 =	vld.idx.msk [tilespmem:v52+s14+$0x0], $0xffff;
	v2 =	vadd.f32 v3, v2;
	v3 =	vmul.f32 v7, v51  }
0x1c9: {  	v57 =	vor.u32 $0x1C, v1;
	v7 =	vld.idx.msk [tilespmem:v52+s16+$0x0], $0xffff  }
0x1ca: {  	v58 =	vld.idx.msk [tilespmem:v54+s14+$0x0], $0xffff;
	v2 =	vadd.f32 v3, v2;
	v3 =	vmul.f32 v4, v53  }
0x1cb: {  	v4 =	vld.idx.msk [tilespmem:v54+s16+$0x0], $0xffff  }
0x1cc: {  	v60 =	vld.idx.msk [tilespmem:v6+s14+$0x0], $0xffff;
	v2 =	vadd.f32 v3, v2;
	v3 =	vmul.f32 v5, v55  }
0x1cd: {  	v59 =	vor.u32 $0x1D, v1;
	v5 =	vld.idx.msk [tilespmem:v6+s16+$0x0], $0xffff  }
0x1ce: {  	v61 =	vld.idx.msk [tilespmem:v57+s14+$0x0], $0xffff;
	v2 =	vadd.f32 v3, v2;
	v3 =	vmul.f32 v7, v56  }
0x1cf: {  	v6 =	vor.u32 $0x1E, v1;
	v7 =	vld.idx.msk [tilespmem:v57+s16+$0x0], $0xffff  }
0x1d0: {  	v2 =	vadd.f32 v3, v2;
	v3 =	vmul.f32 v4, v58  }
0x1d1: {  	v1 =	vor.u32 $0x1F, v1  }
0x1d2: {  	v62 =	vld.idx.msk [tilespmem:v59+s14+$0x0], $0xffff;
	v2 =	vadd.f32 v3, v2;
	v3 =	vmul.f32 v5, v60  }
0x1d3: {  	v4 =	vld.idx.msk [tilespmem:v59+s16+$0x0], $0xffff  }
0x1d4: {  	v63 =	vld.idx.msk [tilespmem:v6+s14+$0x0], $0xffff;
	v2 =	vadd.f32 v3, v2;
	v3 =	vmul.f32 v7, v61  }
0x1d5: {  	v5 =	vld.idx.msk [tilespmem:v6+s16+$0x0], $0xffff  }
0x1d6: {  	v6 =	vadd.f32 v3, v2;
	v2 =	vld.idx.msk [tilespmem:v1+s14+$0x0], $0xffff  }
0x1d7: {  	v3 =	vld.idx.msk [tilespmem:v1+s16+$0x0], $0xffff  }
0x1d8: {  	v4 =	vmul.f32 v4, v62  }
0x1d9: {  	s26 =	simm.s32 $0x20  }
0x1da: {  	v7 =	vmov s26;
	v5 =	vmul.f32 v5, v63;
	v4 =	vadd.f32 v4, v6  }
0x1db: {  	s26 =	simm.s32 $0x30;
	v1 =	vshll.u32 v7, $0x5  }
.LBB2_4:
0x1dc: {  	p0 =	sne.s32 s26, $0x70;
	v1 =	vor.u32 v0, v1;
	v4 =	vadd.f32 v5, v4;
	v2 =	vmul.f32 v3, v2;
	_ =	sdelay $0x1  }
0x1dd: {  	v3 =	vor.u32 $0x1, v1;
	v2 =	vadd.f32 v2, v4  }
0x1de: {  	s25 =	sadd.s32 $0x10, s25  }
0x1df: {  	v4 =	vor.u32 $0x2, v1;
	[tilespmem:s25+$0x0] =	vst v2  }
0x1e0: {  	v2 =	vld.idx.msk [tilespmem:v1+s16+$0x0], $0xffff  }
0x1e1: {  	v6 =	vor.u32 $0x3, v1;
	v5 =	vld.idx.msk [tilespmem:v1+s14+$0x0], $0xffff  }
0x1e2: {  	v7 =	vld.idx.msk [tilespmem:v3+s14+$0x0], $0xffff  }
0x1e3: {  	v8 =	vor.u32 $0x4, v1;
	v3 =	vld.idx.msk [tilespmem:v3+s16+$0x0], $0xffff  }
0x1e4: {  	v9 =	vld.idx.msk [tilespmem:v4+s14+$0x0], $0xffff  }
0x1e5: {  	v10 =	vor.u32 $0x5, v1;
	v4 =	vld.idx.msk [tilespmem:v4+s16+$0x0], $0xffff  }
0x1e6: {  	v11 =	vld.idx.msk [tilespmem:v6+s14+$0x0], $0xffff  }
0x1e7: {  	v2 =	vmul.f32 v2, v5;
	v5 =	vld.idx.msk [tilespmem:v6+s16+$0x0], $0xffff;
	v6 =	vor.u32 $0x6, v1  }
0x1e8: {  	v12 =	vld.idx.msk [tilespmem:v8+s14+$0x0], $0xffff  }
0x1e9: {  	v2 =	vadd.f32 $0.0e+00, v2;
	v3 =	vmul.f32 v3, v7;
	v7 =	vld.idx.msk [tilespmem:v8+s16+$0x0], $0xffff;
	v8 =	vor.u32 $0x7, v1  }
0x1ea: {  	v13 =	vld.idx.msk [tilespmem:v10+s14+$0x0], $0xffff  }
0x1eb: {  	v2 =	vadd.f32 v3, v2;
	v3 =	vmul.f32 v4, v9;
	v9 =	vor.u32 $0x8, v1;
	v4 =	vld.idx.msk [tilespmem:v10+s16+$0x0], $0xffff  }
0x1ec: {  	v10 =	vld.idx.msk [tilespmem:v6+s14+$0x0], $0xffff  }
0x1ed: {  	v2 =	vadd.f32 v3, v2;
	v3 =	vmul.f32 v5, v11;
	v5 =	vld.idx.msk [tilespmem:v6+s16+$0x0], $0xffff;
	v6 =	vor.u32 $0x9, v1  }
0x1ee: {  	v11 =	vld.idx.msk [tilespmem:v8+s14+$0x0], $0xffff  }
0x1ef: {  	v2 =	vadd.f32 v3, v2;
	v3 =	vmul.f32 v7, v12;
	v7 =	vld.idx.msk [tilespmem:v8+s16+$0x0], $0xffff;
	v8 =	vor.u32 $0xA, v1  }
0x1f0: {  	v12 =	vld.idx.msk [tilespmem:v9+s14+$0x0], $0xffff  }
0x1f1: {  	v2 =	vadd.f32 v3, v2;
	v3 =	vmul.f32 v4, v13;
	v4 =	vld.idx.msk [tilespmem:v9+s16+$0x0], $0xffff;
	v9 =	vor.u32 $0xB, v1  }
0x1f2: {  	v13 =	vld.idx.msk [tilespmem:v6+s14+$0x0], $0xffff  }
0x1f3: {  	v2 =	vadd.f32 v3, v2;
	v3 =	vmul.f32 v5, v10;
	v5 =	vld.idx.msk [tilespmem:v6+s16+$0x0], $0xffff;
	v6 =	vor.u32 $0xC, v1  }
0x1f4: {  	v10 =	vld.idx.msk [tilespmem:v8+s14+$0x0], $0xffff  }
0x1f5: {  	v2 =	vadd.f32 v3, v2;
	v3 =	vmul.f32 v7, v11;
	v7 =	vld.idx.msk [tilespmem:v8+s16+$0x0], $0xffff;
	v8 =	vor.u32 $0xD, v1  }
0x1f6: {  	v11 =	vld.idx.msk [tilespmem:v9+s14+$0x0], $0xffff  }
0x1f7: {  	v2 =	vadd.f32 v3, v2;
	v3 =	vmul.f32 v4, v12;
	v4 =	vld.idx.msk [tilespmem:v9+s16+$0x0], $0xffff;
	v9 =	vor.u32 $0xE, v1  }
0x1f8: {  	v12 =	vld.idx.msk [tilespmem:v6+s14+$0x0], $0xffff  }
0x1f9: {  	v2 =	vadd.f32 v3, v2;
	v3 =	vmul.f32 v5, v13;
	v5 =	vld.idx.msk [tilespmem:v6+s16+$0x0], $0xffff;
	v6 =	vor.u32 $0xF, v1  }
0x1fa: {  	v13 =	vld.idx.msk [tilespmem:v8+s14+$0x0], $0xffff  }
0x1fb: {  	v2 =	vadd.f32 v3, v2;
	v3 =	vmul.f32 v7, v10;
	v7 =	vld.idx.msk [tilespmem:v8+s16+$0x0], $0xffff;
	v8 =	vor.u32 $0x10, v1  }
0x1fc: {  	v10 =	vld.idx.msk [tilespmem:v9+s14+$0x0], $0xffff  }
0x1fd: {  	v2 =	vadd.f32 v3, v2;
	v3 =	vmul.f32 v4, v11;
	v4 =	vld.idx.msk [tilespmem:v9+s16+$0x0], $0xffff;
	v9 =	vor.u32 $0x11, v1  }
0x1fe: {  	v11 =	vld.idx.msk [tilespmem:v6+s14+$0x0], $0xffff  }
0x1ff: {  	v2 =	vadd.f32 v3, v2;
	v3 =	vmul.f32 v5, v12;
	v5 =	vld.idx.msk [tilespmem:v6+s16+$0x0], $0xffff;
	v6 =	vor.u32 $0x12, v1  }
0x200: {  	v12 =	vld.idx.msk [tilespmem:v8+s14+$0x0], $0xffff  }
0x201: {  	v2 =	vadd.f32 v3, v2;
	v3 =	vmul.f32 v7, v13;
	v7 =	vld.idx.msk [tilespmem:v8+s16+$0x0], $0xffff;
	v8 =	vor.u32 $0x13, v1  }
0x202: {  	v13 =	vld.idx.msk [tilespmem:v9+s14+$0x0], $0xffff  }
0x203: {  	v2 =	vadd.f32 v3, v2;
	v3 =	vmul.f32 v4, v10;
	v4 =	vld.idx.msk [tilespmem:v9+s16+$0x0], $0xffff;
	v9 =	vor.u32 $0x14, v1  }
0x204: {  	v10 =	vld.idx.msk [tilespmem:v6+s14+$0x0], $0xffff  }
0x205: {  	v2 =	vadd.f32 v3, v2;
	v3 =	vmul.f32 v5, v11;
	v5 =	vld.idx.msk [tilespmem:v6+s16+$0x0], $0xffff;
	v6 =	vor.u32 $0x15, v1  }
0x206: {  	v11 =	vld.idx.msk [tilespmem:v8+s14+$0x0], $0xffff  }
0x207: {  	v2 =	vadd.f32 v3, v2;
	v3 =	vmul.f32 v7, v12;
	v7 =	vld.idx.msk [tilespmem:v8+s16+$0x0], $0xffff;
	v8 =	vor.u32 $0x16, v1  }
0x208: {  	v12 =	vld.idx.msk [tilespmem:v9+s14+$0x0], $0xffff  }
0x209: {  	v2 =	vadd.f32 v3, v2;
	v3 =	vmul.f32 v4, v13;
	v4 =	vld.idx.msk [tilespmem:v9+s16+$0x0], $0xffff;
	v9 =	vor.u32 $0x17, v1  }
0x20a: {  	v13 =	vld.idx.msk [tilespmem:v6+s14+$0x0], $0xffff  }
0x20b: {  	v2 =	vadd.f32 v3, v2;
	v3 =	vmul.f32 v5, v10;
	v5 =	vld.idx.msk [tilespmem:v6+s16+$0x0], $0xffff;
	v6 =	vor.u32 $0x18, v1  }
0x20c: {  	v10 =	vld.idx.msk [tilespmem:v8+s14+$0x0], $0xffff  }
0x20d: {  	v2 =	vadd.f32 v3, v2;
	v3 =	vmul.f32 v7, v11;
	v7 =	vld.idx.msk [tilespmem:v8+s16+$0x0], $0xffff;
	v8 =	vor.u32 $0x19, v1  }
0x20e: {  	v11 =	vld.idx.msk [tilespmem:v9+s14+$0x0], $0xffff  }
0x20f: {  	v2 =	vadd.f32 v3, v2;
	v3 =	vmul.f32 v4, v12;
	v4 =	vld.idx.msk [tilespmem:v9+s16+$0x0], $0xffff;
	v9 =	vor.u32 $0x1A, v1  }
0x210: {  	v12 =	vld.idx.msk [tilespmem:v6+s14+$0x0], $0xffff  }
0x211: {  	v2 =	vadd.f32 v3, v2;
	v3 =	vmul.f32 v5, v13;
	v5 =	vld.idx.msk [tilespmem:v6+s16+$0x0], $0xffff;
	v6 =	vor.u32 $0x1B, v1  }
0x212: {  	v13 =	vld.idx.msk [tilespmem:v8+s14+$0x0], $0xffff  }
0x213: {  	v2 =	vadd.f32 v3, v2;
	v3 =	vmul.f32 v7, v10;
	v7 =	vld.idx.msk [tilespmem:v8+s16+$0x0], $0xffff;
	v8 =	vor.u32 $0x1C, v1  }
0x214: {  	v10 =	vld.idx.msk [tilespmem:v9+s14+$0x0], $0xffff  }
0x215: {  	v2 =	vadd.f32 v3, v2;
	v3 =	vmul.f32 v4, v11;
	v4 =	vld.idx.msk [tilespmem:v9+s16+$0x0], $0xffff;
	v9 =	vor.u32 $0x1D, v1  }
0x216: {  	v11 =	vld.idx.msk [tilespmem:v6+s14+$0x0], $0xffff  }
0x217: {  	v2 =	vadd.f32 v3, v2;
	v3 =	vmul.f32 v5, v12;
	v5 =	vld.idx.msk [tilespmem:v6+s16+$0x0], $0xffff;
	v6 =	vor.u32 $0x1E, v1  }
0x218: {  	v12 =	vld.idx.msk [tilespmem:v8+s14+$0x0], $0xffff  }
0x219: {  	v1 =	vor.u32 $0x1F, v1;
	v2 =	vadd.f32 v3, v2;
	v3 =	vmul.f32 v7, v13;
	v7 =	vld.idx.msk [tilespmem:v8+s16+$0x0], $0xffff  }
0x21a: {  	v8 =	vld.idx.msk [tilespmem:v9+s14+$0x0], $0xffff  }
0x21b: {  	v2 =	vadd.f32 v3, v2;
	v3 =	vmul.f32 v4, v10;
	v4 =	vld.idx.msk [tilespmem:v9+s16+$0x0], $0xffff  }
0x21c: {  	v9 =	vld.idx.msk [tilespmem:v6+s14+$0x0], $0xffff  }
0x21d: {  	v3 =	vadd.f32 v3, v2;
	v5 =	vmul.f32 v5, v11;
	v6 =	vld.idx.msk [tilespmem:v6+s16+$0x0], $0xffff  }
0x21e: {  	v2 =	vld.idx.msk [tilespmem:v1+s14+$0x0], $0xffff  }
0x21f: {  	v5 =	vadd.f32 v5, v3;
	v7 =	vmul.f32 v7, v12;
	v3 =	vld.idx.msk [tilespmem:v1+s16+$0x0], $0xffff  }
.Ltmp1:
0x220: {  	(pc) =	sbr.rel @p0 .LBB2_4-.Ltmp1, $3  }
0x221: {  	v1 =	vadd.f32 v7, v5;
	v4 =	vmul.f32 v4, v8;
	_ =	sdelay $0x1  }
0x222: {  	v7 =	vmov s26;
	v4 =	vadd.f32 v4, v1;
	v5 =	vmul.f32 v6, v9  }
0x223: {  	s26 =	sadd.s32 $0x10, s26;
	v1 =	vshll.u32 v7, $0x5  }
0x224: {  	v1 =	vor.u32 v0, v1;
	v4 =	vadd.f32 v5, v4;
	v2 =	vmul.f32 v3, v2;
	_ =	sdelay $0x1  }
0x225: {  	v3 =	vor.u32 $0x1, v1;
	v2 =	vadd.f32 v2, v4  }
0x226: {  	s25 =	sadd.s32 $0x10, s25  }
0x227: {  	v4 =	vor.u32 $0x2, v1;
	[tilespmem:s25+$0x0] =	vst v2  }
0x228: {  	v2 =	vld.idx.msk [tilespmem:v1+s16+$0x0], $0xffff  }
0x229: {  	v6 =	vor.u32 $0x3, v1;
	v5 =	vld.idx.msk [tilespmem:v1+s14+$0x0], $0xffff  }
0x22a: {  	v7 =	vld.idx.msk [tilespmem:v3+s14+$0x0], $0xffff  }
0x22b: {  	v8 =	vor.u32 $0x4, v1;
	v3 =	vld.idx.msk [tilespmem:v3+s16+$0x0], $0xffff  }
0x22c: {  	v9 =	vld.idx.msk [tilespmem:v4+s14+$0x0], $0xffff  }
0x22d: {  	v10 =	vor.u32 $0x5, v1;
	v4 =	vld.idx.msk [tilespmem:v4+s16+$0x0], $0xffff  }
0x22e: {  	v11 =	vld.idx.msk [tilespmem:v6+s14+$0x0], $0xffff;
	v2 =	vmul.f32 v2, v5  }
0x22f: {  	v5 =	vld.idx.msk [tilespmem:v6+s16+$0x0], $0xffff;
	v6 =	vor.u32 $0x6, v1  }
0x230: {  	v12 =	vld.idx.msk [tilespmem:v8+s14+$0x0], $0xffff;
	v3 =	vmul.f32 v3, v7;
	v2 =	vadd.f32 $0.0e+00, v2  }
0x231: {  	v26 =	vor.u32 $0x7, v1;
	v7 =	vld.idx.msk [tilespmem:v8+s16+$0x0], $0xffff  }
0x232: {  	v13 =	vld.idx.msk [tilespmem:v10+s14+$0x0], $0xffff;
	v2 =	vadd.f32 v3, v2;
	v3 =	vmul.f32 v4, v9  }
0x233: {  	v27 =	vor.u32 $0x8, v1;
	v4 =	vld.idx.msk [tilespmem:v10+s16+$0x0], $0xffff  }
0x234: {  	v28 =	vld.idx.msk [tilespmem:v6+s14+$0x0], $0xffff;
	v2 =	vadd.f32 v3, v2;
	v3 =	vmul.f32 v5, v11  }
0x235: {  	v5 =	vld.idx.msk [tilespmem:v6+s16+$0x0], $0xffff;
	v6 =	vor.u32 $0x9, v1  }
0x236: {  	v29 =	vld.idx.msk [tilespmem:v26+s14+$0x0], $0xffff;
	v2 =	vadd.f32 v3, v2;
	v3 =	vmul.f32 v7, v12  }
0x237: {  	v30 =	vor.u32 $0xA, v1;
	v7 =	vld.idx.msk [tilespmem:v26+s16+$0x0], $0xffff  }
0x238: {  	v31 =	vld.idx.msk [tilespmem:v27+s14+$0x0], $0xffff;
	v2 =	vadd.f32 v3, v2;
	v3 =	vmul.f32 v4, v13  }
0x239: {  	v32 =	vor.u32 $0xB, v1;
	v4 =	vld.idx.msk [tilespmem:v27+s16+$0x0], $0xffff  }
0x23a: {  	v33 =	vld.idx.msk [tilespmem:v6+s14+$0x0], $0xffff;
	v2 =	vadd.f32 v3, v2;
	v3 =	vmul.f32 v5, v28  }
0x23b: {  	v5 =	vld.idx.msk [tilespmem:v6+s16+$0x0], $0xffff;
	v6 =	vor.u32 $0xC, v1  }
0x23c: {  	v34 =	vld.idx.msk [tilespmem:v30+s14+$0x0], $0xffff;
	v2 =	vadd.f32 v3, v2;
	v3 =	vmul.f32 v7, v29  }
0x23d: {  	v35 =	vor.u32 $0xD, v1;
	v7 =	vld.idx.msk [tilespmem:v30+s16+$0x0], $0xffff  }
0x23e: {  	v36 =	vld.idx.msk [tilespmem:v32+s14+$0x0], $0xffff;
	v2 =	vadd.f32 v3, v2;
	v3 =	vmul.f32 v4, v31  }
0x23f: {  	v37 =	vor.u32 $0xE, v1;
	v4 =	vld.idx.msk [tilespmem:v32+s16+$0x0], $0xffff  }
0x240: {  	v38 =	vld.idx.msk [tilespmem:v6+s14+$0x0], $0xffff;
	v2 =	vadd.f32 v3, v2;
	v3 =	vmul.f32 v5, v33  }
0x241: {  	v5 =	vld.idx.msk [tilespmem:v6+s16+$0x0], $0xffff;
	v6 =	vor.u32 $0xF, v1  }
0x242: {  	v39 =	vld.idx.msk [tilespmem:v35+s14+$0x0], $0xffff;
	v2 =	vadd.f32 v3, v2;
	v3 =	vmul.f32 v7, v34  }
0x243: {  	v40 =	vor.u32 $0x10, v1;
	v7 =	vld.idx.msk [tilespmem:v35+s16+$0x0], $0xffff  }
0x244: {  	v41 =	vld.idx.msk [tilespmem:v37+s14+$0x0], $0xffff;
	v2 =	vadd.f32 v3, v2;
	v3 =	vmul.f32 v4, v36  }
0x245: {  	v42 =	vor.u32 $0x11, v1;
	v4 =	vld.idx.msk [tilespmem:v37+s16+$0x0], $0xffff  }
0x246: {  	v43 =	vld.idx.msk [tilespmem:v6+s14+$0x0], $0xffff;
	v2 =	vadd.f32 v3, v2;
	v3 =	vmul.f32 v5, v38  }
0x247: {  	v5 =	vld.idx.msk [tilespmem:v6+s16+$0x0], $0xffff;
	v6 =	vor.u32 $0x12, v1  }
0x248: {  	v44 =	vld.idx.msk [tilespmem:v40+s14+$0x0], $0xffff;
	v2 =	vadd.f32 v3, v2;
	v3 =	vmul.f32 v7, v39  }
0x249: {  	v45 =	vor.u32 $0x13, v1;
	v7 =	vld.idx.msk [tilespmem:v40+s16+$0x0], $0xffff  }
0x24a: {  	v46 =	vld.idx.msk [tilespmem:v42+s14+$0x0], $0xffff;
	v2 =	vadd.f32 v3, v2;
	v3 =	vmul.f32 v4, v41  }
0x24b: {  	v47 =	vor.u32 $0x14, v1;
	v4 =	vld.idx.msk [tilespmem:v42+s16+$0x0], $0xffff  }
0x24c: {  	v48 =	vld.idx.msk [tilespmem:v6+s14+$0x0], $0xffff;
	v2 =	vadd.f32 v3, v2;
	v3 =	vmul.f32 v5, v43  }
0x24d: {  	v5 =	vld.idx.msk [tilespmem:v6+s16+$0x0], $0xffff;
	v6 =	vor.u32 $0x15, v1  }
0x24e: {  	v49 =	vld.idx.msk [tilespmem:v45+s14+$0x0], $0xffff;
	v2 =	vadd.f32 v3, v2;
	v3 =	vmul.f32 v7, v44  }
0x24f: {  	v50 =	vor.u32 $0x16, v1;
	v7 =	vld.idx.msk [tilespmem:v45+s16+$0x0], $0xffff  }
0x250: {  	v51 =	vld.idx.msk [tilespmem:v47+s14+$0x0], $0xffff;
	v2 =	vadd.f32 v3, v2;
	v3 =	vmul.f32 v4, v46  }
0x251: {  	v52 =	vor.u32 $0x17, v1;
	v4 =	vld.idx.msk [tilespmem:v47+s16+$0x0], $0xffff  }
0x252: {  	v53 =	vld.idx.msk [tilespmem:v6+s14+$0x0], $0xffff;
	v2 =	vadd.f32 v3, v2;
	v3 =	vmul.f32 v5, v48  }
0x253: {  	v5 =	vld.idx.msk [tilespmem:v6+s16+$0x0], $0xffff;
	v6 =	vor.u32 $0x18, v1  }
0x254: {  	v54 =	vld.idx.msk [tilespmem:v50+s14+$0x0], $0xffff;
	v2 =	vadd.f32 v3, v2;
	v3 =	vmul.f32 v7, v49  }
0x255: {  	v55 =	vor.u32 $0x19, v1;
	v7 =	vld.idx.msk [tilespmem:v50+s16+$0x0], $0xffff  }
0x256: {  	v56 =	vld.idx.msk [tilespmem:v52+s14+$0x0], $0xffff;
	v2 =	vadd.f32 v3, v2;
	v3 =	vmul.f32 v4, v51  }
0x257: {  	v57 =	vor.u32 $0x1A, v1;
	v4 =	vld.idx.msk [tilespmem:v52+s16+$0x0], $0xffff  }
0x258: {  	v58 =	vld.idx.msk [tilespmem:v6+s14+$0x0], $0xffff;
	v2 =	vadd.f32 v3, v2;
	v3 =	vmul.f32 v5, v53  }
0x259: {  	v5 =	vld.idx.msk [tilespmem:v6+s16+$0x0], $0xffff;
	v6 =	vor.u32 $0x1B, v1  }
0x25a: {  	v59 =	vld.idx.msk [tilespmem:v55+s14+$0x0], $0xffff;
	v2 =	vadd.f32 v3, v2;
	v3 =	vmul.f32 v7, v54  }
0x25b: {  	v60 =	vor.u32 $0x1C, v1;
	v7 =	vld.idx.msk [tilespmem:v55+s16+$0x0], $0xffff  }
0x25c: {  	v61 =	vld.idx.msk [tilespmem:v57+s14+$0x0], $0xffff;
	v2 =	vadd.f32 v3, v2;
	v3 =	vmul.f32 v4, v56  }
0x25d: {  	v62 =	vor.u32 $0x1D, v1;
	v4 =	vld.idx.msk [tilespmem:v57+s16+$0x0], $0xffff  }
0x25e: {  	v63 =	vld.idx.msk [tilespmem:v6+s14+$0x0], $0xffff;
	v2 =	vadd.f32 v3, v2;
	v3 =	vmul.f32 v5, v58  }
0x25f: {  	v5 =	vld.idx.msk [tilespmem:v6+s16+$0x0], $0xffff;
	v6 =	vor.u32 $0x1E, v1  }
0x260: {  	v16 =	vld.idx.msk [tilespmem:v60+s14+$0x0], $0xffff;
	v2 =	vadd.f32 v3, v2;
	v3 =	vmul.f32 v7, v59  }
0x261: {  	v1 =	vor.u32 $0x1F, v1;
	v7 =	vld.idx.msk [tilespmem:v60+s16+$0x0], $0xffff  }
0x262: {  	v17 =	vld.idx.msk [tilespmem:v62+s14+$0x0], $0xffff;
	v2 =	vadd.f32 v3, v2;
	v3 =	vmul.f32 v4, v61  }
0x263: {  	v4 =	vld.idx.msk [tilespmem:v62+s16+$0x0], $0xffff  }
0x264: {  	v18 =	vld.idx.msk [tilespmem:v6+s14+$0x0], $0xffff;
	v2 =	vadd.f32 v3, v2;
	v3 =	vmul.f32 v5, v63  }
0x265: {  	v5 =	vld.idx.msk [tilespmem:v6+s16+$0x0], $0xffff  }
0x266: {  	v6 =	vld.idx.msk [tilespmem:v1+s14+$0x0], $0xffff;
	v2 =	vadd.f32 v3, v2;
	v3 =	vmul.f32 v7, v16  }
0x267: {  	v1 =	vld.idx.msk [tilespmem:v1+s16+$0x0], $0xffff  }
0x268: {  	v2 =	vadd.f32 v3, v2;
	v3 =	vmul.f32 v4, v17;
	_ =	sdelay $0x1  }
0x269: {  	v2 =	vadd.f32 v3, v2;
	v3 =	vmul.f32 v5, v18;
	_ =	sdelay $0x1  }
0x26a: {  	v1 =	vmul.f32 v1, v6;
	v2 =	vadd.f32 v3, v2;
	_ =	sdelay $0x1  }
0x26b: {  	v1 =	vadd.f32 v1, v2  }
0x26c: {  	s25 =	sadd.s32 $0x10, s25  }
0x26d: {  	[tilespmem:s25+$0x0] =	vst v1  }
0x26e: {  	[tilespmem:s14], [sflag:$0x2] =	stream.indirect.gather [hbm4b:s3+s11], $0x20, s21, s11, $0xb8;
	[tilespmem:$0x4600] =	vst v63  }
0x26f: {  	s30 =	simm.s32 $0x0  }
0x270: {  	v1 =	vmov s30;
	[tilespmem:s16], [sflag:$0x2] =	stream.indirect.gather [hbm4b:s4+s11], $0x20, s22, s11, $0xb8;
	[tilespmem:$0x4600] =	vst v63  }
0x271: {  	v1 =	vshll.u32 v1, $0x5;
	_ =	swait.ge [sflag:s17], $0x1000  }
0x272: {  	v1 =	vor.u32 v0, v1;
	[sflag:s17] =	ssyncset.done $0x0  }
0x273: {  	[sflag:s17] =	ssyncadd.s32 $0xFFFFF000  }
0x274: {  	v2 =	vor.u32 $0x1, v1;
	_ =	swait.ge [sflag:s17], $0x1000  }
0x275: {  	[sflag:s17] =	ssyncset.done $0x0  }
0x276: {  	v3 =	vor.u32 $0x2, v1;
	[sflag:s17] =	ssyncadd.s32 $0xFFFFF000  }
0x277: {  	v4 =	vld.idx.msk [tilespmem:v1+s13+$0x0], $0xffff  }
0x278: {  	v6 =	vor.u32 $0x3, v1;
	v5 =	vld.idx.msk [tilespmem:v1+s12+$0x0], $0xffff  }
0x279: {  	v7 =	vld.idx.msk [tilespmem:v2+s12+$0x0], $0xffff  }
0x27a: {  	v19 =	vor.u32 $0x4, v1;
	v2 =	vld.idx.msk [tilespmem:v2+s13+$0x0], $0xffff  }
0x27b: {  	v20 =	vld.idx.msk [tilespmem:v3+s12+$0x0], $0xffff  }
0x27c: {  	v21 =	vor.u32 $0x5, v1;
	v3 =	vld.idx.msk [tilespmem:v3+s13+$0x0], $0xffff  }
0x27d: {  	v22 =	vld.idx.msk [tilespmem:v6+s12+$0x0], $0xffff;
	v4 =	vmul.f32 v4, v5  }
0x27e: {  	v5 =	vld.idx.msk [tilespmem:v6+s13+$0x0], $0xffff;
	v6 =	vor.u32 $0x6, v1  }
0x27f: {  	v23 =	vld.idx.msk [tilespmem:v19+s12+$0x0], $0xffff;
	v2 =	vmul.f32 v2, v7;
	v4 =	vadd.f32 $0.0e+00, v4  }
0x280: {  	v24 =	vor.u32 $0x7, v1;
	v7 =	vld.idx.msk [tilespmem:v19+s13+$0x0], $0xffff  }
0x281: {  	v25 =	vld.idx.msk [tilespmem:v21+s12+$0x0], $0xffff;
	v3 =	vmul.f32 v3, v20;
	v2 =	vadd.f32 v2, v4  }
0x282: {  	v26 =	vor.u32 $0x8, v1;
	v4 =	vld.idx.msk [tilespmem:v21+s13+$0x0], $0xffff  }
0x283: {  	v27 =	vld.idx.msk [tilespmem:v6+s12+$0x0], $0xffff;
	v2 =	vadd.f32 v3, v2;
	v3 =	vmul.f32 v5, v22  }
0x284: {  	v5 =	vld.idx.msk [tilespmem:v6+s13+$0x0], $0xffff;
	v6 =	vor.u32 $0x9, v1  }
0x285: {  	v28 =	vld.idx.msk [tilespmem:v24+s12+$0x0], $0xffff;
	v2 =	vadd.f32 v3, v2;
	v3 =	vmul.f32 v7, v23  }
0x286: {  	v29 =	vor.u32 $0xA, v1;
	v7 =	vld.idx.msk [tilespmem:v24+s13+$0x0], $0xffff  }
0x287: {  	v30 =	vld.idx.msk [tilespmem:v26+s12+$0x0], $0xffff;
	v2 =	vadd.f32 v3, v2;
	v3 =	vmul.f32 v4, v25  }
0x288: {  	v31 =	vor.u32 $0xB, v1;
	v4 =	vld.idx.msk [tilespmem:v26+s13+$0x0], $0xffff  }
0x289: {  	v32 =	vld.idx.msk [tilespmem:v6+s12+$0x0], $0xffff;
	v2 =	vadd.f32 v3, v2;
	v3 =	vmul.f32 v5, v27  }
0x28a: {  	v5 =	vld.idx.msk [tilespmem:v6+s13+$0x0], $0xffff;
	v6 =	vor.u32 $0xC, v1  }
0x28b: {  	v33 =	vld.idx.msk [tilespmem:v29+s12+$0x0], $0xffff;
	v2 =	vadd.f32 v3, v2;
	v3 =	vmul.f32 v7, v28  }
0x28c: {  	v34 =	vor.u32 $0xD, v1;
	v7 =	vld.idx.msk [tilespmem:v29+s13+$0x0], $0xffff  }
0x28d: {  	v35 =	vld.idx.msk [tilespmem:v31+s12+$0x0], $0xffff;
	v2 =	vadd.f32 v3, v2;
	v3 =	vmul.f32 v4, v30  }
0x28e: {  	v36 =	vor.u32 $0xE, v1;
	v4 =	vld.idx.msk [tilespmem:v31+s13+$0x0], $0xffff  }
0x28f: {  	v37 =	vld.idx.msk [tilespmem:v6+s12+$0x0], $0xffff;
	v2 =	vadd.f32 v3, v2;
	v3 =	vmul.f32 v5, v32  }
0x290: {  	v5 =	vld.idx.msk [tilespmem:v6+s13+$0x0], $0xffff;
	v6 =	vor.u32 $0xF, v1  }
0x291: {  	v38 =	vld.idx.msk [tilespmem:v34+s12+$0x0], $0xffff;
	v2 =	vadd.f32 v3, v2;
	v3 =	vmul.f32 v7, v33  }
0x292: {  	v39 =	vor.u32 $0x10, v1;
	v7 =	vld.idx.msk [tilespmem:v34+s13+$0x0], $0xffff  }
0x293: {  	v40 =	vld.idx.msk [tilespmem:v36+s12+$0x0], $0xffff;
	v2 =	vadd.f32 v3, v2;
	v3 =	vmul.f32 v4, v35  }
0x294: {  	v41 =	vor.u32 $0x11, v1;
	v4 =	vld.idx.msk [tilespmem:v36+s13+$0x0], $0xffff  }
0x295: {  	v42 =	vld.idx.msk [tilespmem:v6+s12+$0x0], $0xffff;
	v2 =	vadd.f32 v3, v2;
	v3 =	vmul.f32 v5, v37  }
0x296: {  	v5 =	vld.idx.msk [tilespmem:v6+s13+$0x0], $0xffff;
	v6 =	vor.u32 $0x12, v1  }
0x297: {  	v43 =	vld.idx.msk [tilespmem:v39+s12+$0x0], $0xffff;
	v2 =	vadd.f32 v3, v2;
	v3 =	vmul.f32 v7, v38  }
0x298: {  	v44 =	vor.u32 $0x13, v1;
	v7 =	vld.idx.msk [tilespmem:v39+s13+$0x0], $0xffff  }
0x299: {  	v45 =	vld.idx.msk [tilespmem:v41+s12+$0x0], $0xffff;
	v2 =	vadd.f32 v3, v2;
	v3 =	vmul.f32 v4, v40  }
0x29a: {  	v46 =	vor.u32 $0x14, v1;
	v4 =	vld.idx.msk [tilespmem:v41+s13+$0x0], $0xffff  }
0x29b: {  	v47 =	vld.idx.msk [tilespmem:v6+s12+$0x0], $0xffff;
	v2 =	vadd.f32 v3, v2;
	v3 =	vmul.f32 v5, v42  }
0x29c: {  	v5 =	vld.idx.msk [tilespmem:v6+s13+$0x0], $0xffff;
	v6 =	vor.u32 $0x15, v1  }
0x29d: {  	v48 =	vld.idx.msk [tilespmem:v44+s12+$0x0], $0xffff;
	v2 =	vadd.f32 v3, v2;
	v3 =	vmul.f32 v7, v43  }
0x29e: {  	v49 =	vor.u32 $0x16, v1;
	v7 =	vld.idx.msk [tilespmem:v44+s13+$0x0], $0xffff  }
0x29f: {  	v50 =	vld.idx.msk [tilespmem:v46+s12+$0x0], $0xffff;
	v2 =	vadd.f32 v3, v2;
	v3 =	vmul.f32 v4, v45  }
0x2a0: {  	v51 =	vor.u32 $0x17, v1;
	v4 =	vld.idx.msk [tilespmem:v46+s13+$0x0], $0xffff  }
0x2a1: {  	v52 =	vld.idx.msk [tilespmem:v6+s12+$0x0], $0xffff;
	v2 =	vadd.f32 v3, v2;
	v3 =	vmul.f32 v5, v47  }
0x2a2: {  	v5 =	vld.idx.msk [tilespmem:v6+s13+$0x0], $0xffff;
	v6 =	vor.u32 $0x18, v1  }
0x2a3: {  	v53 =	vld.idx.msk [tilespmem:v49+s12+$0x0], $0xffff;
	v2 =	vadd.f32 v3, v2;
	v3 =	vmul.f32 v7, v48  }
0x2a4: {  	v54 =	vor.u32 $0x19, v1;
	v7 =	vld.idx.msk [tilespmem:v49+s13+$0x0], $0xffff  }
0x2a5: {  	v55 =	vld.idx.msk [tilespmem:v51+s12+$0x0], $0xffff;
	v2 =	vadd.f32 v3, v2;
	v3 =	vmul.f32 v4, v50  }
0x2a6: {  	v56 =	vor.u32 $0x1A, v1;
	v4 =	vld.idx.msk [tilespmem:v51+s13+$0x0], $0xffff  }
0x2a7: {  	v57 =	vld.idx.msk [tilespmem:v6+s12+$0x0], $0xffff;
	v2 =	vadd.f32 v3, v2;
	v3 =	vmul.f32 v5, v52  }
0x2a8: {  	v5 =	vld.idx.msk [tilespmem:v6+s13+$0x0], $0xffff;
	v6 =	vor.u32 $0x1B, v1  }
0x2a9: {  	v58 =	vld.idx.msk [tilespmem:v54+s12+$0x0], $0xffff;
	v2 =	vadd.f32 v3, v2;
	v3 =	vmul.f32 v7, v53  }
0x2aa: {  	v59 =	vor.u32 $0x1C, v1;
	v7 =	vld.idx.msk [tilespmem:v54+s13+$0x0], $0xffff  }
0x2ab: {  	v60 =	vld.idx.msk [tilespmem:v56+s12+$0x0], $0xffff;
	v2 =	vadd.f32 v3, v2;
	v3 =	vmul.f32 v4, v55  }
0x2ac: {  	v61 =	vor.u32 $0x1D, v1;
	v4 =	vld.idx.msk [tilespmem:v56+s13+$0x0], $0xffff  }
0x2ad: {  	v62 =	vld.idx.msk [tilespmem:v6+s12+$0x0], $0xffff;
	v2 =	vadd.f32 v3, v2;
	v3 =	vmul.f32 v5, v57  }
0x2ae: {  	v5 =	vld.idx.msk [tilespmem:v6+s13+$0x0], $0xffff;
	v6 =	vor.u32 $0x1E, v1  }
0x2af: {  	v63 =	vld.idx.msk [tilespmem:v59+s12+$0x0], $0xffff;
	v2 =	vadd.f32 v3, v2;
	v3 =	vmul.f32 v7, v58  }
0x2b0: {  	v1 =	vor.u32 $0x1F, v1;
	v7 =	vld.idx.msk [tilespmem:v59+s13+$0x0], $0xffff  }
0x2b1: {  	v15 =	vld.idx.msk [tilespmem:v61+s12+$0x0], $0xffff;
	v2 =	vadd.f32 v3, v2;
	v3 =	vmul.f32 v4, v60  }
0x2b2: {  	v4 =	vld.idx.msk [tilespmem:v61+s13+$0x0], $0xffff  }
0x2b3: {  	v16 =	vld.idx.msk [tilespmem:v6+s12+$0x0], $0xffff;
	v2 =	vadd.f32 v3, v2;
	v3 =	vmul.f32 v5, v62  }
0x2b4: {  	v5 =	vld.idx.msk [tilespmem:v6+s13+$0x0], $0xffff  }
0x2b5: {  	v6 =	vld.idx.msk [tilespmem:v1+s12+$0x0], $0xffff;
	v2 =	vadd.f32 v3, v2;
	v3 =	vmul.f32 v7, v63  }
0x2b6: {  	v7 =	vld.idx.msk [tilespmem:v1+s13+$0x0], $0xffff  }
0x2b7: {  	v1 =	vadd.f32 v3, v2;
	v2 =	vmul.f32 v4, v15  }
0x2b8: {  	s31 =	simm.s32 $0x10  }
0x2b9: {  	v3 =	vmov s31;
	v4 =	vmul.f32 v5, v16;
	v2 =	vadd.f32 v2, v1  }
0x2ba: {  	v1 =	vshll.u32 v3, $0x5  }
0x2bb: {  	v1 =	vor.u32 v0, v1;
	v3 =	vmul.f32 v7, v6;
	v2 =	vadd.f32 v4, v2;
	_ =	sdelay $0x1  }
0x2bc: {  	v4 =	vor.u32 $0x1, v1;
	v2 =	vadd.f32 v3, v2  }
0x2bd: {  	s25 =	simm.s32 $0x4500  }
0x2be: {  	v3 =	vor.u32 $0x2, v1;
	[tilespmem:s25+$0x0] =	vst v2  }
0x2bf: {  	v2 =	vld.idx.msk [tilespmem:v1+s13+$0x0], $0xffff  }
0x2c0: {  	v6 =	vor.u32 $0x3, v1;
	v5 =	vld.idx.msk [tilespmem:v1+s12+$0x0], $0xffff  }
0x2c1: {  	v7 =	vld.idx.msk [tilespmem:v4+s12+$0x0], $0xffff  }
0x2c2: {  	v17 =	vor.u32 $0x4, v1;
	v4 =	vld.idx.msk [tilespmem:v4+s13+$0x0], $0xffff  }
0x2c3: {  	v18 =	vld.idx.msk [tilespmem:v3+s12+$0x0], $0xffff  }
0x2c4: {  	v19 =	vor.u32 $0x5, v1;
	v3 =	vld.idx.msk [tilespmem:v3+s13+$0x0], $0xffff  }
0x2c5: {  	v20 =	vld.idx.msk [tilespmem:v6+s12+$0x0], $0xffff;
	v2 =	vmul.f32 v2, v5  }
0x2c6: {  	v5 =	vld.idx.msk [tilespmem:v6+s13+$0x0], $0xffff;
	v6 =	vor.u32 $0x6, v1  }
0x2c7: {  	v21 =	vld.idx.msk [tilespmem:v17+s12+$0x0], $0xffff;
	v4 =	vmul.f32 v4, v7;
	v2 =	vadd.f32 $0.0e+00, v2  }
0x2c8: {  	v22 =	vor.u32 $0x7, v1;
	v7 =	vld.idx.msk [tilespmem:v17+s13+$0x0], $0xffff  }
0x2c9: {  	v23 =	vld.idx.msk [tilespmem:v19+s12+$0x0], $0xffff;
	v3 =	vmul.f32 v3, v18;
	v2 =	vadd.f32 v4, v2  }
0x2ca: {  	v24 =	vor.u32 $0x8, v1;
	v4 =	vld.idx.msk [tilespmem:v19+s13+$0x0], $0xffff  }
0x2cb: {  	v25 =	vld.idx.msk [tilespmem:v6+s12+$0x0], $0xffff;
	v2 =	vadd.f32 v3, v2;
	v3 =	vmul.f32 v5, v20  }
0x2cc: {  	v5 =	vld.idx.msk [tilespmem:v6+s13+$0x0], $0xffff;
	v6 =	vor.u32 $0x9, v1  }
0x2cd: {  	v26 =	vld.idx.msk [tilespmem:v22+s12+$0x0], $0xffff;
	v2 =	vadd.f32 v3, v2;
	v3 =	vmul.f32 v7, v21  }
0x2ce: {  	v27 =	vor.u32 $0xA, v1;
	v7 =	vld.idx.msk [tilespmem:v22+s13+$0x0], $0xffff  }
0x2cf: {  	v28 =	vld.idx.msk [tilespmem:v24+s12+$0x0], $0xffff;
	v2 =	vadd.f32 v3, v2;
	v3 =	vmul.f32 v4, v23  }
0x2d0: {  	v29 =	vor.u32 $0xB, v1;
	v4 =	vld.idx.msk [tilespmem:v24+s13+$0x0], $0xffff  }
0x2d1: {  	v30 =	vld.idx.msk [tilespmem:v6+s12+$0x0], $0xffff;
	v2 =	vadd.f32 v3, v2;
	v3 =	vmul.f32 v5, v25  }
0x2d2: {  	v5 =	vld.idx.msk [tilespmem:v6+s13+$0x0], $0xffff;
	v6 =	vor.u32 $0xC, v1  }
0x2d3: {  	v31 =	vld.idx.msk [tilespmem:v27+s12+$0x0], $0xffff;
	v2 =	vadd.f32 v3, v2;
	v3 =	vmul.f32 v7, v26  }
0x2d4: {  	v32 =	vor.u32 $0xD, v1;
	v7 =	vld.idx.msk [tilespmem:v27+s13+$0x0], $0xffff  }
0x2d5: {  	v33 =	vld.idx.msk [tilespmem:v29+s12+$0x0], $0xffff;
	v2 =	vadd.f32 v3, v2;
	v3 =	vmul.f32 v4, v28  }
0x2d6: {  	v34 =	vor.u32 $0xE, v1;
	v4 =	vld.idx.msk [tilespmem:v29+s13+$0x0], $0xffff  }
0x2d7: {  	v35 =	vld.idx.msk [tilespmem:v6+s12+$0x0], $0xffff;
	v2 =	vadd.f32 v3, v2;
	v3 =	vmul.f32 v5, v30  }
0x2d8: {  	v5 =	vld.idx.msk [tilespmem:v6+s13+$0x0], $0xffff;
	v6 =	vor.u32 $0xF, v1  }
0x2d9: {  	v36 =	vld.idx.msk [tilespmem:v32+s12+$0x0], $0xffff;
	v2 =	vadd.f32 v3, v2;
	v3 =	vmul.f32 v7, v31  }
0x2da: {  	v37 =	vor.u32 $0x10, v1;
	v7 =	vld.idx.msk [tilespmem:v32+s13+$0x0], $0xffff  }
0x2db: {  	v38 =	vld.idx.msk [tilespmem:v34+s12+$0x0], $0xffff;
	v2 =	vadd.f32 v3, v2;
	v3 =	vmul.f32 v4, v33  }
0x2dc: {  	v39 =	vor.u32 $0x11, v1;
	v4 =	vld.idx.msk [tilespmem:v34+s13+$0x0], $0xffff  }
0x2dd: {  	v40 =	vld.idx.msk [tilespmem:v6+s12+$0x0], $0xffff;
	v2 =	vadd.f32 v3, v2;
	v3 =	vmul.f32 v5, v35  }
0x2de: {  	v5 =	vld.idx.msk [tilespmem:v6+s13+$0x0], $0xffff;
	v6 =	vor.u32 $0x12, v1  }
0x2df: {  	v41 =	vld.idx.msk [tilespmem:v37+s12+$0x0], $0xffff;
	v2 =	vadd.f32 v3, v2;
	v3 =	vmul.f32 v7, v36  }
0x2e0: {  	v42 =	vor.u32 $0x13, v1;
	v7 =	vld.idx.msk [tilespmem:v37+s13+$0x0], $0xffff  }
0x2e1: {  	v43 =	vld.idx.msk [tilespmem:v39+s12+$0x0], $0xffff;
	v2 =	vadd.f32 v3, v2;
	v3 =	vmul.f32 v4, v38  }
0x2e2: {  	v44 =	vor.u32 $0x14, v1;
	v4 =	vld.idx.msk [tilespmem:v39+s13+$0x0], $0xffff  }
0x2e3: {  	v45 =	vld.idx.msk [tilespmem:v6+s12+$0x0], $0xffff;
	v2 =	vadd.f32 v3, v2;
	v3 =	vmul.f32 v5, v40  }
0x2e4: {  	v5 =	vld.idx.msk [tilespmem:v6+s13+$0x0], $0xffff;
	v6 =	vor.u32 $0x15, v1  }
0x2e5: {  	v46 =	vld.idx.msk [tilespmem:v42+s12+$0x0], $0xffff;
	v2 =	vadd.f32 v3, v2;
	v3 =	vmul.f32 v7, v41  }
0x2e6: {  	v47 =	vor.u32 $0x16, v1;
	v7 =	vld.idx.msk [tilespmem:v42+s13+$0x0], $0xffff  }
0x2e7: {  	v48 =	vld.idx.msk [tilespmem:v44+s12+$0x0], $0xffff;
	v2 =	vadd.f32 v3, v2;
	v3 =	vmul.f32 v4, v43  }
0x2e8: {  	v49 =	vor.u32 $0x17, v1;
	v4 =	vld.idx.msk [tilespmem:v44+s13+$0x0], $0xffff  }
0x2e9: {  	v50 =	vld.idx.msk [tilespmem:v6+s12+$0x0], $0xffff;
	v2 =	vadd.f32 v3, v2;
	v3 =	vmul.f32 v5, v45  }
0x2ea: {  	v5 =	vld.idx.msk [tilespmem:v6+s13+$0x0], $0xffff;
	v6 =	vor.u32 $0x18, v1  }
0x2eb: {  	v51 =	vld.idx.msk [tilespmem:v47+s12+$0x0], $0xffff;
	v2 =	vadd.f32 v3, v2;
	v3 =	vmul.f32 v7, v46  }
0x2ec: {  	v52 =	vor.u32 $0x19, v1;
	v7 =	vld.idx.msk [tilespmem:v47+s13+$0x0], $0xffff  }
0x2ed: {  	v53 =	vld.idx.msk [tilespmem:v49+s12+$0x0], $0xffff;
	v2 =	vadd.f32 v3, v2;
	v3 =	vmul.f32 v4, v48  }
0x2ee: {  	v54 =	vor.u32 $0x1A, v1;
	v4 =	vld.idx.msk [tilespmem:v49+s13+$0x0], $0xffff  }
0x2ef: {  	v55 =	vld.idx.msk [tilespmem:v6+s12+$0x0], $0xffff;
	v2 =	vadd.f32 v3, v2;
	v3 =	vmul.f32 v5, v50  }
0x2f0: {  	v5 =	vld.idx.msk [tilespmem:v6+s13+$0x0], $0xffff;
	v6 =	vor.u32 $0x1B, v1  }
0x2f1: {  	v56 =	vld.idx.msk [tilespmem:v52+s12+$0x0], $0xffff;
	v2 =	vadd.f32 v3, v2;
	v3 =	vmul.f32 v7, v51  }
0x2f2: {  	v57 =	vor.u32 $0x1C, v1;
	v7 =	vld.idx.msk [tilespmem:v52+s13+$0x0], $0xffff  }
0x2f3: {  	v58 =	vld.idx.msk [tilespmem:v54+s12+$0x0], $0xffff;
	v2 =	vadd.f32 v3, v2;
	v3 =	vmul.f32 v4, v53  }
0x2f4: {  	v4 =	vld.idx.msk [tilespmem:v54+s13+$0x0], $0xffff  }
0x2f5: {  	v60 =	vld.idx.msk [tilespmem:v6+s12+$0x0], $0xffff;
	v2 =	vadd.f32 v3, v2;
	v3 =	vmul.f32 v5, v55  }
0x2f6: {  	v59 =	vor.u32 $0x1D, v1;
	v5 =	vld.idx.msk [tilespmem:v6+s13+$0x0], $0xffff  }
0x2f7: {  	v61 =	vld.idx.msk [tilespmem:v57+s12+$0x0], $0xffff;
	v2 =	vadd.f32 v3, v2;
	v3 =	vmul.f32 v7, v56  }
0x2f8: {  	v6 =	vor.u32 $0x1E, v1;
	v7 =	vld.idx.msk [tilespmem:v57+s13+$0x0], $0xffff  }
0x2f9: {  	v2 =	vadd.f32 v3, v2;
	v3 =	vmul.f32 v4, v58  }
0x2fa: {  	v1 =	vor.u32 $0x1F, v1  }
0x2fb: {  	v62 =	vld.idx.msk [tilespmem:v59+s12+$0x0], $0xffff;
	v2 =	vadd.f32 v3, v2;
	v3 =	vmul.f32 v5, v60  }
0x2fc: {  	v4 =	vld.idx.msk [tilespmem:v59+s13+$0x0], $0xffff  }
0x2fd: {  	v63 =	vld.idx.msk [tilespmem:v6+s12+$0x0], $0xffff;
	v2 =	vadd.f32 v3, v2;
	v3 =	vmul.f32 v7, v61  }
0x2fe: {  	v5 =	vld.idx.msk [tilespmem:v6+s13+$0x0], $0xffff  }
0x2ff: {  	v6 =	vadd.f32 v3, v2;
	v2 =	vld.idx.msk [tilespmem:v1+s12+$0x0], $0xffff  }
0x300: {  	v3 =	vld.idx.msk [tilespmem:v1+s13+$0x0], $0xffff  }
0x301: {  	v4 =	vmul.f32 v4, v62  }
0x302: {  	s26 =	simm.s32 $0x20  }
0x303: {  	v7 =	vmov s26;
	v5 =	vmul.f32 v5, v63;
	v4 =	vadd.f32 v4, v6  }
0x304: {  	s26 =	simm.s32 $0x30;
	v1 =	vshll.u32 v7, $0x5  }
.LBB2_6:
0x305: {  	p0 =	sne.s32 s26, $0x70;
	v1 =	vor.u32 v0, v1;
	v4 =	vadd.f32 v5, v4;
	v2 =	vmul.f32 v3, v2;
	_ =	sdelay $0x1  }
0x306: {  	v3 =	vor.u32 $0x1, v1;
	v2 =	vadd.f32 v2, v4  }
0x307: {  	s25 =	sadd.s32 $0x10, s25  }
0x308: {  	v4 =	vor.u32 $0x2, v1;
	[tilespmem:s25+$0x0] =	vst v2  }
0x309: {  	v2 =	vld.idx.msk [tilespmem:v1+s13+$0x0], $0xffff  }
0x30a: {  	v6 =	vor.u32 $0x3, v1;
	v5 =	vld.idx.msk [tilespmem:v1+s12+$0x0], $0xffff  }
0x30b: {  	v7 =	vld.idx.msk [tilespmem:v3+s12+$0x0], $0xffff  }
0x30c: {  	v8 =	vor.u32 $0x4, v1;
	v3 =	vld.idx.msk [tilespmem:v3+s13+$0x0], $0xffff  }
0x30d: {  	v9 =	vld.idx.msk [tilespmem:v4+s12+$0x0], $0xffff  }
0x30e: {  	v10 =	vor.u32 $0x5, v1;
	v4 =	vld.idx.msk [tilespmem:v4+s13+$0x0], $0xffff  }
0x30f: {  	v11 =	vld.idx.msk [tilespmem:v6+s12+$0x0], $0xffff  }
0x310: {  	v2 =	vmul.f32 v2, v5;
	v5 =	vld.idx.msk [tilespmem:v6+s13+$0x0], $0xffff;
	v6 =	vor.u32 $0x6, v1  }
0x311: {  	v12 =	vld.idx.msk [tilespmem:v8+s12+$0x0], $0xffff  }
0x312: {  	v2 =	vadd.f32 $0.0e+00, v2;
	v3 =	vmul.f32 v3, v7;
	v7 =	vld.idx.msk [tilespmem:v8+s13+$0x0], $0xffff;
	v8 =	vor.u32 $0x7, v1  }
0x313: {  	v13 =	vld.idx.msk [tilespmem:v10+s12+$0x0], $0xffff  }
0x314: {  	v2 =	vadd.f32 v3, v2;
	v3 =	vmul.f32 v4, v9;
	v9 =	vor.u32 $0x8, v1;
	v4 =	vld.idx.msk [tilespmem:v10+s13+$0x0], $0xffff  }
0x315: {  	v10 =	vld.idx.msk [tilespmem:v6+s12+$0x0], $0xffff  }
0x316: {  	v2 =	vadd.f32 v3, v2;
	v3 =	vmul.f32 v5, v11;
	v5 =	vld.idx.msk [tilespmem:v6+s13+$0x0], $0xffff;
	v6 =	vor.u32 $0x9, v1  }
0x317: {  	v11 =	vld.idx.msk [tilespmem:v8+s12+$0x0], $0xffff  }
0x318: {  	v2 =	vadd.f32 v3, v2;
	v3 =	vmul.f32 v7, v12;
	v7 =	vld.idx.msk [tilespmem:v8+s13+$0x0], $0xffff;
	v8 =	vor.u32 $0xA, v1  }
0x319: {  	v12 =	vld.idx.msk [tilespmem:v9+s12+$0x0], $0xffff  }
0x31a: {  	v2 =	vadd.f32 v3, v2;
	v3 =	vmul.f32 v4, v13;
	v4 =	vld.idx.msk [tilespmem:v9+s13+$0x0], $0xffff;
	v9 =	vor.u32 $0xB, v1  }
0x31b: {  	v13 =	vld.idx.msk [tilespmem:v6+s12+$0x0], $0xffff  }
0x31c: {  	v2 =	vadd.f32 v3, v2;
	v3 =	vmul.f32 v5, v10;
	v5 =	vld.idx.msk [tilespmem:v6+s13+$0x0], $0xffff;
	v6 =	vor.u32 $0xC, v1  }
0x31d: {  	v10 =	vld.idx.msk [tilespmem:v8+s12+$0x0], $0xffff  }
0x31e: {  	v2 =	vadd.f32 v3, v2;
	v3 =	vmul.f32 v7, v11;
	v7 =	vld.idx.msk [tilespmem:v8+s13+$0x0], $0xffff;
	v8 =	vor.u32 $0xD, v1  }
0x31f: {  	v11 =	vld.idx.msk [tilespmem:v9+s12+$0x0], $0xffff  }
0x320: {  	v2 =	vadd.f32 v3, v2;
	v3 =	vmul.f32 v4, v12;
	v4 =	vld.idx.msk [tilespmem:v9+s13+$0x0], $0xffff;
	v9 =	vor.u32 $0xE, v1  }
0x321: {  	v12 =	vld.idx.msk [tilespmem:v6+s12+$0x0], $0xffff  }
0x322: {  	v2 =	vadd.f32 v3, v2;
	v3 =	vmul.f32 v5, v13;
	v5 =	vld.idx.msk [tilespmem:v6+s13+$0x0], $0xffff;
	v6 =	vor.u32 $0xF, v1  }
0x323: {  	v13 =	vld.idx.msk [tilespmem:v8+s12+$0x0], $0xffff  }
0x324: {  	v2 =	vadd.f32 v3, v2;
	v3 =	vmul.f32 v7, v10;
	v7 =	vld.idx.msk [tilespmem:v8+s13+$0x0], $0xffff;
	v8 =	vor.u32 $0x10, v1  }
0x325: {  	v10 =	vld.idx.msk [tilespmem:v9+s12+$0x0], $0xffff  }
0x326: {  	v2 =	vadd.f32 v3, v2;
	v3 =	vmul.f32 v4, v11;
	v4 =	vld.idx.msk [tilespmem:v9+s13+$0x0], $0xffff;
	v9 =	vor.u32 $0x11, v1  }
0x327: {  	v11 =	vld.idx.msk [tilespmem:v6+s12+$0x0], $0xffff  }
0x328: {  	v2 =	vadd.f32 v3, v2;
	v3 =	vmul.f32 v5, v12;
	v5 =	vld.idx.msk [tilespmem:v6+s13+$0x0], $0xffff;
	v6 =	vor.u32 $0x12, v1  }
0x329: {  	v12 =	vld.idx.msk [tilespmem:v8+s12+$0x0], $0xffff  }
0x32a: {  	v2 =	vadd.f32 v3, v2;
	v3 =	vmul.f32 v7, v13;
	v7 =	vld.idx.msk [tilespmem:v8+s13+$0x0], $0xffff;
	v8 =	vor.u32 $0x13, v1  }
0x32b: {  	v13 =	vld.idx.msk [tilespmem:v9+s12+$0x0], $0xffff  }
0x32c: {  	v2 =	vadd.f32 v3, v2;
	v3 =	vmul.f32 v4, v10;
	v4 =	vld.idx.msk [tilespmem:v9+s13+$0x0], $0xffff;
	v9 =	vor.u32 $0x14, v1  }
0x32d: {  	v10 =	vld.idx.msk [tilespmem:v6+s12+$0x0], $0xffff  }
0x32e: {  	v2 =	vadd.f32 v3, v2;
	v3 =	vmul.f32 v5, v11;
	v5 =	vld.idx.msk [tilespmem:v6+s13+$0x0], $0xffff;
	v6 =	vor.u32 $0x15, v1  }
0x32f: {  	v11 =	vld.idx.msk [tilespmem:v8+s12+$0x0], $0xffff  }
0x330: {  	v2 =	vadd.f32 v3, v2;
	v3 =	vmul.f32 v7, v12;
	v7 =	vld.idx.msk [tilespmem:v8+s13+$0x0], $0xffff;
	v8 =	vor.u32 $0x16, v1  }
0x331: {  	v12 =	vld.idx.msk [tilespmem:v9+s12+$0x0], $0xffff  }
0x332: {  	v2 =	vadd.f32 v3, v2;
	v3 =	vmul.f32 v4, v13;
	v4 =	vld.idx.msk [tilespmem:v9+s13+$0x0], $0xffff;
	v9 =	vor.u32 $0x17, v1  }
0x333: {  	v13 =	vld.idx.msk [tilespmem:v6+s12+$0x0], $0xffff  }
0x334: {  	v2 =	vadd.f32 v3, v2;
	v3 =	vmul.f32 v5, v10;
	v5 =	vld.idx.msk [tilespmem:v6+s13+$0x0], $0xffff;
	v6 =	vor.u32 $0x18, v1  }
0x335: {  	v10 =	vld.idx.msk [tilespmem:v8+s12+$0x0], $0xffff  }
0x336: {  	v2 =	vadd.f32 v3, v2;
	v3 =	vmul.f32 v7, v11;
	v7 =	vld.idx.msk [tilespmem:v8+s13+$0x0], $0xffff;
	v8 =	vor.u32 $0x19, v1  }
0x337: {  	v11 =	vld.idx.msk [tilespmem:v9+s12+$0x0], $0xffff  }
0x338: {  	v2 =	vadd.f32 v3, v2;
	v3 =	vmul.f32 v4, v12;
	v4 =	vld.idx.msk [tilespmem:v9+s13+$0x0], $0xffff;
	v9 =	vor.u32 $0x1A, v1  }
0x339: {  	v12 =	vld.idx.msk [tilespmem:v6+s12+$0x0], $0xffff  }
0x33a: {  	v2 =	vadd.f32 v3, v2;
	v3 =	vmul.f32 v5, v13;
	v5 =	vld.idx.msk [tilespmem:v6+s13+$0x0], $0xffff;
	v6 =	vor.u32 $0x1B, v1  }
0x33b: {  	v13 =	vld.idx.msk [tilespmem:v8+s12+$0x0], $0xffff  }
0x33c: {  	v2 =	vadd.f32 v3, v2;
	v3 =	vmul.f32 v7, v10;
	v7 =	vld.idx.msk [tilespmem:v8+s13+$0x0], $0xffff;
	v8 =	vor.u32 $0x1C, v1  }
0x33d: {  	v10 =	vld.idx.msk [tilespmem:v9+s12+$0x0], $0xffff  }
0x33e: {  	v2 =	vadd.f32 v3, v2;
	v3 =	vmul.f32 v4, v11;
	v4 =	vld.idx.msk [tilespmem:v9+s13+$0x0], $0xffff;
	v9 =	vor.u32 $0x1D, v1  }
0x33f: {  	v11 =	vld.idx.msk [tilespmem:v6+s12+$0x0], $0xffff  }
0x340: {  	v2 =	vadd.f32 v3, v2;
	v3 =	vmul.f32 v5, v12;
	v5 =	vld.idx.msk [tilespmem:v6+s13+$0x0], $0xffff;
	v6 =	vor.u32 $0x1E, v1  }
0x341: {  	v12 =	vld.idx.msk [tilespmem:v8+s12+$0x0], $0xffff  }
0x342: {  	v1 =	vor.u32 $0x1F, v1;
	v2 =	vadd.f32 v3, v2;
	v3 =	vmul.f32 v7, v13;
	v7 =	vld.idx.msk [tilespmem:v8+s13+$0x0], $0xffff  }
0x343: {  	v8 =	vld.idx.msk [tilespmem:v9+s12+$0x0], $0xffff  }
0x344: {  	v2 =	vadd.f32 v3, v2;
	v3 =	vmul.f32 v4, v10;
	v4 =	vld.idx.msk [tilespmem:v9+s13+$0x0], $0xffff  }
0x345: {  	v9 =	vld.idx.msk [tilespmem:v6+s12+$0x0], $0xffff  }
0x346: {  	v3 =	vadd.f32 v3, v2;
	v5 =	vmul.f32 v5, v11;
	v6 =	vld.idx.msk [tilespmem:v6+s13+$0x0], $0xffff  }
0x347: {  	v2 =	vld.idx.msk [tilespmem:v1+s12+$0x0], $0xffff  }
0x348: {  	v5 =	vadd.f32 v5, v3;
	v7 =	vmul.f32 v7, v12;
	v3 =	vld.idx.msk [tilespmem:v1+s13+$0x0], $0xffff  }
.Ltmp2:
0x349: {  	(pc) =	sbr.rel @p0 .LBB2_6-.Ltmp2, $3  }
0x34a: {  	v1 =	vadd.f32 v7, v5;
	v4 =	vmul.f32 v4, v8;
	_ =	sdelay $0x1  }
0x34b: {  	v7 =	vmov s26;
	v4 =	vadd.f32 v4, v1;
	v5 =	vmul.f32 v6, v9  }
0x34c: {  	s26 =	sadd.s32 $0x10, s26;
	v1 =	vshll.u32 v7, $0x5  }
0x34d: {  	v1 =	vor.u32 v0, v1;
	v4 =	vadd.f32 v5, v4;
	v2 =	vmul.f32 v3, v2;
	_ =	sdelay $0x1  }
0x34e: {  	v3 =	vor.u32 $0x1, v1;
	v2 =	vadd.f32 v2, v4  }
0x34f: {  	s25 =	sadd.s32 $0x10, s25  }
0x350: {  	v4 =	vor.u32 $0x2, v1;
	[tilespmem:s25+$0x0] =	vst v2  }
0x351: {  	v2 =	vld.idx.msk [tilespmem:v1+s13+$0x0], $0xffff  }
0x352: {  	v6 =	vor.u32 $0x3, v1;
	v5 =	vld.idx.msk [tilespmem:v1+s12+$0x0], $0xffff  }
0x353: {  	v7 =	vld.idx.msk [tilespmem:v3+s12+$0x0], $0xffff  }
0x354: {  	v8 =	vor.u32 $0x4, v1;
	v3 =	vld.idx.msk [tilespmem:v3+s13+$0x0], $0xffff  }
0x355: {  	v9 =	vld.idx.msk [tilespmem:v4+s12+$0x0], $0xffff  }
0x356: {  	v10 =	vor.u32 $0x5, v1;
	v4 =	vld.idx.msk [tilespmem:v4+s13+$0x0], $0xffff  }
0x357: {  	v11 =	vld.idx.msk [tilespmem:v6+s12+$0x0], $0xffff;
	v2 =	vmul.f32 v2, v5  }
0x358: {  	v5 =	vld.idx.msk [tilespmem:v6+s13+$0x0], $0xffff;
	v6 =	vor.u32 $0x6, v1  }
0x359: {  	v12 =	vld.idx.msk [tilespmem:v8+s12+$0x0], $0xffff;
	v3 =	vmul.f32 v3, v7;
	v2 =	vadd.f32 $0.0e+00, v2  }
0x35a: {  	v26 =	vor.u32 $0x7, v1;
	v7 =	vld.idx.msk [tilespmem:v8+s13+$0x0], $0xffff  }
0x35b: {  	v13 =	vld.idx.msk [tilespmem:v10+s12+$0x0], $0xffff;
	v2 =	vadd.f32 v3, v2;
	v3 =	vmul.f32 v4, v9  }
0x35c: {  	v27 =	vor.u32 $0x8, v1;
	v4 =	vld.idx.msk [tilespmem:v10+s13+$0x0], $0xffff  }
0x35d: {  	v28 =	vld.idx.msk [tilespmem:v6+s12+$0x0], $0xffff;
	v2 =	vadd.f32 v3, v2;
	v3 =	vmul.f32 v5, v11  }
0x35e: {  	v5 =	vld.idx.msk [tilespmem:v6+s13+$0x0], $0xffff;
	v6 =	vor.u32 $0x9, v1  }
0x35f: {  	v29 =	vld.idx.msk [tilespmem:v26+s12+$0x0], $0xffff;
	v2 =	vadd.f32 v3, v2;
	v3 =	vmul.f32 v7, v12  }
0x360: {  	v30 =	vor.u32 $0xA, v1;
	v7 =	vld.idx.msk [tilespmem:v26+s13+$0x0], $0xffff  }
0x361: {  	v31 =	vld.idx.msk [tilespmem:v27+s12+$0x0], $0xffff;
	v2 =	vadd.f32 v3, v2;
	v3 =	vmul.f32 v4, v13  }
0x362: {  	v32 =	vor.u32 $0xB, v1;
	v4 =	vld.idx.msk [tilespmem:v27+s13+$0x0], $0xffff  }
0x363: {  	v33 =	vld.idx.msk [tilespmem:v6+s12+$0x0], $0xffff;
	v2 =	vadd.f32 v3, v2;
	v3 =	vmul.f32 v5, v28  }
0x364: {  	v5 =	vld.idx.msk [tilespmem:v6+s13+$0x0], $0xffff;
	v6 =	vor.u32 $0xC, v1  }
0x365: {  	v34 =	vld.idx.msk [tilespmem:v30+s12+$0x0], $0xffff;
	v2 =	vadd.f32 v3, v2;
	v3 =	vmul.f32 v7, v29  }
0x366: {  	v35 =	vor.u32 $0xD, v1;
	v7 =	vld.idx.msk [tilespmem:v30+s13+$0x0], $0xffff  }
0x367: {  	v36 =	vld.idx.msk [tilespmem:v32+s12+$0x0], $0xffff;
	v2 =	vadd.f32 v3, v2;
	v3 =	vmul.f32 v4, v31  }
0x368: {  	v37 =	vor.u32 $0xE, v1;
	v4 =	vld.idx.msk [tilespmem:v32+s13+$0x0], $0xffff  }
0x369: {  	v38 =	vld.idx.msk [tilespmem:v6+s12+$0x0], $0xffff;
	v2 =	vadd.f32 v3, v2;
	v3 =	vmul.f32 v5, v33  }
0x36a: {  	v5 =	vld.idx.msk [tilespmem:v6+s13+$0x0], $0xffff;
	v6 =	vor.u32 $0xF, v1  }
0x36b: {  	v39 =	vld.idx.msk [tilespmem:v35+s12+$0x0], $0xffff;
	v2 =	vadd.f32 v3, v2;
	v3 =	vmul.f32 v7, v34  }
0x36c: {  	v40 =	vor.u32 $0x10, v1;
	v7 =	vld.idx.msk [tilespmem:v35+s13+$0x0], $0xffff  }
0x36d: {  	v41 =	vld.idx.msk [tilespmem:v37+s12+$0x0], $0xffff;
	v2 =	vadd.f32 v3, v2;
	v3 =	vmul.f32 v4, v36  }
0x36e: {  	v42 =	vor.u32 $0x11, v1;
	v4 =	vld.idx.msk [tilespmem:v37+s13+$0x0], $0xffff  }
0x36f: {  	v43 =	vld.idx.msk [tilespmem:v6+s12+$0x0], $0xffff;
	v2 =	vadd.f32 v3, v2;
	v3 =	vmul.f32 v5, v38  }
0x370: {  	v5 =	vld.idx.msk [tilespmem:v6+s13+$0x0], $0xffff;
	v6 =	vor.u32 $0x12, v1  }
0x371: {  	v44 =	vld.idx.msk [tilespmem:v40+s12+$0x0], $0xffff;
	v2 =	vadd.f32 v3, v2;
	v3 =	vmul.f32 v7, v39  }
0x372: {  	v45 =	vor.u32 $0x13, v1;
	v7 =	vld.idx.msk [tilespmem:v40+s13+$0x0], $0xffff  }
0x373: {  	v46 =	vld.idx.msk [tilespmem:v42+s12+$0x0], $0xffff;
	v2 =	vadd.f32 v3, v2;
	v3 =	vmul.f32 v4, v41  }
0x374: {  	v47 =	vor.u32 $0x14, v1;
	v4 =	vld.idx.msk [tilespmem:v42+s13+$0x0], $0xffff  }
0x375: {  	v48 =	vld.idx.msk [tilespmem:v6+s12+$0x0], $0xffff;
	v2 =	vadd.f32 v3, v2;
	v3 =	vmul.f32 v5, v43  }
0x376: {  	v5 =	vld.idx.msk [tilespmem:v6+s13+$0x0], $0xffff;
	v6 =	vor.u32 $0x15, v1  }
0x377: {  	v49 =	vld.idx.msk [tilespmem:v45+s12+$0x0], $0xffff;
	v2 =	vadd.f32 v3, v2;
	v3 =	vmul.f32 v7, v44  }
0x378: {  	v50 =	vor.u32 $0x16, v1;
	v7 =	vld.idx.msk [tilespmem:v45+s13+$0x0], $0xffff  }
0x379: {  	v51 =	vld.idx.msk [tilespmem:v47+s12+$0x0], $0xffff;
	v2 =	vadd.f32 v3, v2;
	v3 =	vmul.f32 v4, v46  }
0x37a: {  	v52 =	vor.u32 $0x17, v1;
	v4 =	vld.idx.msk [tilespmem:v47+s13+$0x0], $0xffff  }
0x37b: {  	v53 =	vld.idx.msk [tilespmem:v6+s12+$0x0], $0xffff;
	v2 =	vadd.f32 v3, v2;
	v3 =	vmul.f32 v5, v48  }
0x37c: {  	v5 =	vld.idx.msk [tilespmem:v6+s13+$0x0], $0xffff;
	v6 =	vor.u32 $0x18, v1  }
0x37d: {  	v54 =	vld.idx.msk [tilespmem:v50+s12+$0x0], $0xffff;
	v2 =	vadd.f32 v3, v2;
	v3 =	vmul.f32 v7, v49  }
0x37e: {  	v55 =	vor.u32 $0x19, v1;
	v7 =	vld.idx.msk [tilespmem:v50+s13+$0x0], $0xffff  }
0x37f: {  	v56 =	vld.idx.msk [tilespmem:v52+s12+$0x0], $0xffff;
	v2 =	vadd.f32 v3, v2;
	v3 =	vmul.f32 v4, v51  }
0x380: {  	v57 =	vor.u32 $0x1A, v1;
	v4 =	vld.idx.msk [tilespmem:v52+s13+$0x0], $0xffff  }
0x381: {  	v58 =	vld.idx.msk [tilespmem:v6+s12+$0x0], $0xffff;
	v2 =	vadd.f32 v3, v2;
	v3 =	vmul.f32 v5, v53  }
0x382: {  	v5 =	vld.idx.msk [tilespmem:v6+s13+$0x0], $0xffff;
	v6 =	vor.u32 $0x1B, v1  }
0x383: {  	v59 =	vld.idx.msk [tilespmem:v55+s12+$0x0], $0xffff;
	v2 =	vadd.f32 v3, v2;
	v3 =	vmul.f32 v7, v54  }
0x384: {  	v60 =	vor.u32 $0x1C, v1;
	v7 =	vld.idx.msk [tilespmem:v55+s13+$0x0], $0xffff  }
0x385: {  	v61 =	vld.idx.msk [tilespmem:v57+s12+$0x0], $0xffff;
	v2 =	vadd.f32 v3, v2;
	v3 =	vmul.f32 v4, v56  }
0x386: {  	v62 =	vor.u32 $0x1D, v1;
	v4 =	vld.idx.msk [tilespmem:v57+s13+$0x0], $0xffff  }
0x387: {  	v63 =	vld.idx.msk [tilespmem:v6+s12+$0x0], $0xffff;
	v2 =	vadd.f32 v3, v2;
	v3 =	vmul.f32 v5, v58  }
0x388: {  	v5 =	vld.idx.msk [tilespmem:v6+s13+$0x0], $0xffff;
	v6 =	vor.u32 $0x1E, v1  }
0x389: {  	v16 =	vld.idx.msk [tilespmem:v60+s12+$0x0], $0xffff;
	v2 =	vadd.f32 v3, v2;
	v3 =	vmul.f32 v7, v59  }
0x38a: {  	v1 =	vor.u32 $0x1F, v1;
	v7 =	vld.idx.msk [tilespmem:v60+s13+$0x0], $0xffff  }
0x38b: {  	v17 =	vld.idx.msk [tilespmem:v62+s12+$0x0], $0xffff;
	v2 =	vadd.f32 v3, v2;
	v3 =	vmul.f32 v4, v61  }
0x38c: {  	v4 =	vld.idx.msk [tilespmem:v62+s13+$0x0], $0xffff  }
0x38d: {  	v18 =	vld.idx.msk [tilespmem:v6+s12+$0x0], $0xffff;
	v2 =	vadd.f32 v3, v2;
	v3 =	vmul.f32 v5, v63  }
0x38e: {  	v5 =	vld.idx.msk [tilespmem:v6+s13+$0x0], $0xffff  }
0x38f: {  	v6 =	vld.idx.msk [tilespmem:v1+s12+$0x0], $0xffff;
	v2 =	vadd.f32 v3, v2;
	v3 =	vmul.f32 v7, v16  }
0x390: {  	v1 =	vld.idx.msk [tilespmem:v1+s13+$0x0], $0xffff  }
0x391: {  	v2 =	vadd.f32 v3, v2;
	v3 =	vmul.f32 v4, v17;
	_ =	sdelay $0x1  }
0x392: {  	v2 =	vadd.f32 v3, v2;
	v3 =	vmul.f32 v5, v18;
	_ =	sdelay $0x1  }
0x393: {  	v1 =	vmul.f32 v1, v6;
	v2 =	vadd.f32 v3, v2;
	_ =	sdelay $0x1  }
0x394: {  	v1 =	vadd.f32 v1, v2  }
0x395: {  	s26 =	simm.s32 $0x0;
	s25 =	sadd.s32 $0x10, s25  }
0x396: {  	[tilespmem:s25+$0x0] =	vst v1;
	v1 =	vmov s26  }
0x397: {  	_ =	swait.ge [sflag:s20], $0x1000;
	v1 =	vshll.u32 v1, $0x5  }
0x398: {  	[sflag:s20] =	ssyncset.done $0x0;
	v1 =	vor.u32 v0, v1  }
0x399: {  	[sflag:s20] =	ssyncadd.s32 $0xFFFFF000  }
0x39a: {  	v2 =	vor.u32 $0x1, v1;
	_ =	swait.ge [sflag:s20], $0x1000  }
0x39b: {  	[sflag:s20] =	ssyncset.done $0x0  }
0x39c: {  	v3 =	vor.u32 $0x2, v1;
	[sflag:s20] =	ssyncadd.s32 $0xFFFFF000  }
0x39d: {  	v4 =	vld.idx.msk [tilespmem:v1+s16+$0x0], $0xffff  }
0x39e: {  	v6 =	vor.u32 $0x3, v1;
	v5 =	vld.idx.msk [tilespmem:v1+s14+$0x0], $0xffff  }
0x39f: {  	v7 =	vld.idx.msk [tilespmem:v2+s14+$0x0], $0xffff  }
0x3a0: {  	v19 =	vor.u32 $0x4, v1;
	v2 =	vld.idx.msk [tilespmem:v2+s16+$0x0], $0xffff  }
0x3a1: {  	v20 =	vld.idx.msk [tilespmem:v3+s14+$0x0], $0xffff  }
0x3a2: {  	v21 =	vor.u32 $0x5, v1;
	v3 =	vld.idx.msk [tilespmem:v3+s16+$0x0], $0xffff  }
0x3a3: {  	v22 =	vld.idx.msk [tilespmem:v6+s14+$0x0], $0xffff;
	v4 =	vmul.f32 v4, v5  }
0x3a4: {  	v5 =	vld.idx.msk [tilespmem:v6+s16+$0x0], $0xffff;
	v6 =	vor.u32 $0x6, v1  }
0x3a5: {  	v23 =	vld.idx.msk [tilespmem:v19+s14+$0x0], $0xffff;
	v2 =	vmul.f32 v2, v7;
	v4 =	vadd.f32 $0.0e+00, v4  }
0x3a6: {  	v24 =	vor.u32 $0x7, v1;
	v7 =	vld.idx.msk [tilespmem:v19+s16+$0x0], $0xffff  }
0x3a7: {  	v25 =	vld.idx.msk [tilespmem:v21+s14+$0x0], $0xffff;
	v3 =	vmul.f32 v3, v20;
	v2 =	vadd.f32 v2, v4  }
0x3a8: {  	v26 =	vor.u32 $0x8, v1;
	v4 =	vld.idx.msk [tilespmem:v21+s16+$0x0], $0xffff  }
0x3a9: {  	v27 =	vld.idx.msk [tilespmem:v6+s14+$0x0], $0xffff;
	v2 =	vadd.f32 v3, v2;
	v3 =	vmul.f32 v5, v22  }
0x3aa: {  	v5 =	vld.idx.msk [tilespmem:v6+s16+$0x0], $0xffff;
	v6 =	vor.u32 $0x9, v1  }
0x3ab: {  	v28 =	vld.idx.msk [tilespmem:v24+s14+$0x0], $0xffff;
	v2 =	vadd.f32 v3, v2;
	v3 =	vmul.f32 v7, v23  }
0x3ac: {  	v29 =	vor.u32 $0xA, v1;
	v7 =	vld.idx.msk [tilespmem:v24+s16+$0x0], $0xffff  }
0x3ad: {  	v30 =	vld.idx.msk [tilespmem:v26+s14+$0x0], $0xffff;
	v2 =	vadd.f32 v3, v2;
	v3 =	vmul.f32 v4, v25  }
0x3ae: {  	v31 =	vor.u32 $0xB, v1;
	v4 =	vld.idx.msk [tilespmem:v26+s16+$0x0], $0xffff  }
0x3af: {  	v32 =	vld.idx.msk [tilespmem:v6+s14+$0x0], $0xffff;
	v2 =	vadd.f32 v3, v2;
	v3 =	vmul.f32 v5, v27  }
0x3b0: {  	v5 =	vld.idx.msk [tilespmem:v6+s16+$0x0], $0xffff;
	v6 =	vor.u32 $0xC, v1  }
0x3b1: {  	v33 =	vld.idx.msk [tilespmem:v29+s14+$0x0], $0xffff;
	v2 =	vadd.f32 v3, v2;
	v3 =	vmul.f32 v7, v28  }
0x3b2: {  	v34 =	vor.u32 $0xD, v1;
	v7 =	vld.idx.msk [tilespmem:v29+s16+$0x0], $0xffff  }
0x3b3: {  	v35 =	vld.idx.msk [tilespmem:v31+s14+$0x0], $0xffff;
	v2 =	vadd.f32 v3, v2;
	v3 =	vmul.f32 v4, v30  }
0x3b4: {  	v36 =	vor.u32 $0xE, v1;
	v4 =	vld.idx.msk [tilespmem:v31+s16+$0x0], $0xffff  }
0x3b5: {  	v37 =	vld.idx.msk [tilespmem:v6+s14+$0x0], $0xffff;
	v2 =	vadd.f32 v3, v2;
	v3 =	vmul.f32 v5, v32  }
0x3b6: {  	v5 =	vld.idx.msk [tilespmem:v6+s16+$0x0], $0xffff;
	v6 =	vor.u32 $0xF, v1  }
0x3b7: {  	v38 =	vld.idx.msk [tilespmem:v34+s14+$0x0], $0xffff;
	v2 =	vadd.f32 v3, v2;
	v3 =	vmul.f32 v7, v33  }
0x3b8: {  	v39 =	vor.u32 $0x10, v1;
	v7 =	vld.idx.msk [tilespmem:v34+s16+$0x0], $0xffff  }
0x3b9: {  	v40 =	vld.idx.msk [tilespmem:v36+s14+$0x0], $0xffff;
	v2 =	vadd.f32 v3, v2;
	v3 =	vmul.f32 v4, v35  }
0x3ba: {  	v41 =	vor.u32 $0x11, v1;
	v4 =	vld.idx.msk [tilespmem:v36+s16+$0x0], $0xffff  }
0x3bb: {  	v42 =	vld.idx.msk [tilespmem:v6+s14+$0x0], $0xffff;
	v2 =	vadd.f32 v3, v2;
	v3 =	vmul.f32 v5, v37  }
0x3bc: {  	v5 =	vld.idx.msk [tilespmem:v6+s16+$0x0], $0xffff;
	v6 =	vor.u32 $0x12, v1  }
0x3bd: {  	v43 =	vld.idx.msk [tilespmem:v39+s14+$0x0], $0xffff;
	v2 =	vadd.f32 v3, v2;
	v3 =	vmul.f32 v7, v38  }
0x3be: {  	v44 =	vor.u32 $0x13, v1;
	v7 =	vld.idx.msk [tilespmem:v39+s16+$0x0], $0xffff  }
0x3bf: {  	v45 =	vld.idx.msk [tilespmem:v41+s14+$0x0], $0xffff;
	v2 =	vadd.f32 v3, v2;
	v3 =	vmul.f32 v4, v40  }
0x3c0: {  	v46 =	vor.u32 $0x14, v1;
	v4 =	vld.idx.msk [tilespmem:v41+s16+$0x0], $0xffff  }
0x3c1: {  	v47 =	vld.idx.msk [tilespmem:v6+s14+$0x0], $0xffff;
	v2 =	vadd.f32 v3, v2;
	v3 =	vmul.f32 v5, v42  }
0x3c2: {  	v5 =	vld.idx.msk [tilespmem:v6+s16+$0x0], $0xffff;
	v6 =	vor.u32 $0x15, v1  }
0x3c3: {  	v48 =	vld.idx.msk [tilespmem:v44+s14+$0x0], $0xffff;
	v2 =	vadd.f32 v3, v2;
	v3 =	vmul.f32 v7, v43  }
0x3c4: {  	v49 =	vor.u32 $0x16, v1;
	v7 =	vld.idx.msk [tilespmem:v44+s16+$0x0], $0xffff  }
0x3c5: {  	v50 =	vld.idx.msk [tilespmem:v46+s14+$0x0], $0xffff;
	v2 =	vadd.f32 v3, v2;
	v3 =	vmul.f32 v4, v45  }
0x3c6: {  	v51 =	vor.u32 $0x17, v1;
	v4 =	vld.idx.msk [tilespmem:v46+s16+$0x0], $0xffff  }
0x3c7: {  	v52 =	vld.idx.msk [tilespmem:v6+s14+$0x0], $0xffff;
	v2 =	vadd.f32 v3, v2;
	v3 =	vmul.f32 v5, v47  }
0x3c8: {  	v5 =	vld.idx.msk [tilespmem:v6+s16+$0x0], $0xffff;
	v6 =	vor.u32 $0x18, v1  }
0x3c9: {  	v53 =	vld.idx.msk [tilespmem:v49+s14+$0x0], $0xffff;
	v2 =	vadd.f32 v3, v2;
	v3 =	vmul.f32 v7, v48  }
0x3ca: {  	v54 =	vor.u32 $0x19, v1;
	v7 =	vld.idx.msk [tilespmem:v49+s16+$0x0], $0xffff  }
0x3cb: {  	v55 =	vld.idx.msk [tilespmem:v51+s14+$0x0], $0xffff;
	v2 =	vadd.f32 v3, v2;
	v3 =	vmul.f32 v4, v50  }
0x3cc: {  	v56 =	vor.u32 $0x1A, v1;
	v4 =	vld.idx.msk [tilespmem:v51+s16+$0x0], $0xffff  }
0x3cd: {  	v57 =	vld.idx.msk [tilespmem:v6+s14+$0x0], $0xffff;
	v2 =	vadd.f32 v3, v2;
	v3 =	vmul.f32 v5, v52  }
0x3ce: {  	v5 =	vld.idx.msk [tilespmem:v6+s16+$0x0], $0xffff;
	v6 =	vor.u32 $0x1B, v1  }
0x3cf: {  	v58 =	vld.idx.msk [tilespmem:v54+s14+$0x0], $0xffff;
	v2 =	vadd.f32 v3, v2;
	v3 =	vmul.f32 v7, v53  }
0x3d0: {  	v59 =	vor.u32 $0x1C, v1;
	v7 =	vld.idx.msk [tilespmem:v54+s16+$0x0], $0xffff  }
0x3d1: {  	v60 =	vld.idx.msk [tilespmem:v56+s14+$0x0], $0xffff;
	v2 =	vadd.f32 v3, v2;
	v3 =	vmul.f32 v4, v55  }
0x3d2: {  	v61 =	vor.u32 $0x1D, v1;
	v4 =	vld.idx.msk [tilespmem:v56+s16+$0x0], $0xffff  }
0x3d3: {  	v62 =	vld.idx.msk [tilespmem:v6+s14+$0x0], $0xffff;
	v2 =	vadd.f32 v3, v2;
	v3 =	vmul.f32 v5, v57  }
0x3d4: {  	v5 =	vld.idx.msk [tilespmem:v6+s16+$0x0], $0xffff;
	v6 =	vor.u32 $0x1E, v1  }
0x3d5: {  	v63 =	vld.idx.msk [tilespmem:v59+s14+$0x0], $0xffff;
	v2 =	vadd.f32 v3, v2;
	v3 =	vmul.f32 v7, v58  }
0x3d6: {  	v1 =	vor.u32 $0x1F, v1;
	v7 =	vld.idx.msk [tilespmem:v59+s16+$0x0], $0xffff  }
0x3d7: {  	v15 =	vld.idx.msk [tilespmem:v61+s14+$0x0], $0xffff;
	v2 =	vadd.f32 v3, v2;
	v3 =	vmul.f32 v4, v60  }
0x3d8: {  	v4 =	vld.idx.msk [tilespmem:v61+s16+$0x0], $0xffff  }
0x3d9: {  	v16 =	vld.idx.msk [tilespmem:v6+s14+$0x0], $0xffff;
	v2 =	vadd.f32 v3, v2;
	v3 =	vmul.f32 v5, v62  }
0x3da: {  	v5 =	vld.idx.msk [tilespmem:v6+s16+$0x0], $0xffff  }
0x3db: {  	v6 =	vld.idx.msk [tilespmem:v1+s14+$0x0], $0xffff;
	v2 =	vadd.f32 v3, v2;
	v3 =	vmul.f32 v7, v63  }
0x3dc: {  	v7 =	vld.idx.msk [tilespmem:v1+s16+$0x0], $0xffff  }
0x3dd: {  	v1 =	vadd.f32 v3, v2;
	v2 =	vmul.f32 v4, v15  }
0x3de: {  	s30 =	simm.s32 $0x10  }
0x3df: {  	v3 =	vmov s30;
	v4 =	vmul.f32 v5, v16;
	v2 =	vadd.f32 v2, v1  }
0x3e0: {  	v1 =	vshll.u32 v3, $0x5  }
0x3e1: {  	v1 =	vor.u32 v0, v1;
	v3 =	vmul.f32 v7, v6;
	v2 =	vadd.f32 v4, v2;
	_ =	sdelay $0x1  }
0x3e2: {  	v4 =	vor.u32 $0x1, v1;
	v2 =	vadd.f32 v3, v2  }
0x3e3: {  	s25 =	simm.s32 $0x4580  }
0x3e4: {  	v3 =	vor.u32 $0x2, v1;
	[tilespmem:s25+$0x0] =	vst v2  }
0x3e5: {  	v2 =	vld.idx.msk [tilespmem:v1+s16+$0x0], $0xffff  }
0x3e6: {  	v6 =	vor.u32 $0x3, v1;
	v5 =	vld.idx.msk [tilespmem:v1+s14+$0x0], $0xffff  }
0x3e7: {  	v7 =	vld.idx.msk [tilespmem:v4+s14+$0x0], $0xffff  }
0x3e8: {  	v17 =	vor.u32 $0x4, v1;
	v4 =	vld.idx.msk [tilespmem:v4+s16+$0x0], $0xffff  }
0x3e9: {  	v18 =	vld.idx.msk [tilespmem:v3+s14+$0x0], $0xffff  }
0x3ea: {  	v19 =	vor.u32 $0x5, v1;
	v3 =	vld.idx.msk [tilespmem:v3+s16+$0x0], $0xffff  }
0x3eb: {  	v20 =	vld.idx.msk [tilespmem:v6+s14+$0x0], $0xffff;
	v2 =	vmul.f32 v2, v5  }
0x3ec: {  	v5 =	vld.idx.msk [tilespmem:v6+s16+$0x0], $0xffff;
	v6 =	vor.u32 $0x6, v1  }
0x3ed: {  	v21 =	vld.idx.msk [tilespmem:v17+s14+$0x0], $0xffff;
	v4 =	vmul.f32 v4, v7;
	v2 =	vadd.f32 $0.0e+00, v2  }
0x3ee: {  	v22 =	vor.u32 $0x7, v1;
	v7 =	vld.idx.msk [tilespmem:v17+s16+$0x0], $0xffff  }
0x3ef: {  	v23 =	vld.idx.msk [tilespmem:v19+s14+$0x0], $0xffff;
	v3 =	vmul.f32 v3, v18;
	v2 =	vadd.f32 v4, v2  }
0x3f0: {  	v24 =	vor.u32 $0x8, v1;
	v4 =	vld.idx.msk [tilespmem:v19+s16+$0x0], $0xffff  }
0x3f1: {  	v25 =	vld.idx.msk [tilespmem:v6+s14+$0x0], $0xffff;
	v2 =	vadd.f32 v3, v2;
	v3 =	vmul.f32 v5, v20  }
0x3f2: {  	v5 =	vld.idx.msk [tilespmem:v6+s16+$0x0], $0xffff;
	v6 =	vor.u32 $0x9, v1  }
0x3f3: {  	v26 =	vld.idx.msk [tilespmem:v22+s14+$0x0], $0xffff;
	v2 =	vadd.f32 v3, v2;
	v3 =	vmul.f32 v7, v21  }
0x3f4: {  	v27 =	vor.u32 $0xA, v1;
	v7 =	vld.idx.msk [tilespmem:v22+s16+$0x0], $0xffff  }
0x3f5: {  	v28 =	vld.idx.msk [tilespmem:v24+s14+$0x0], $0xffff;
	v2 =	vadd.f32 v3, v2;
	v3 =	vmul.f32 v4, v23  }
0x3f6: {  	v29 =	vor.u32 $0xB, v1;
	v4 =	vld.idx.msk [tilespmem:v24+s16+$0x0], $0xffff  }
0x3f7: {  	v30 =	vld.idx.msk [tilespmem:v6+s14+$0x0], $0xffff;
	v2 =	vadd.f32 v3, v2;
	v3 =	vmul.f32 v5, v25  }
0x3f8: {  	v5 =	vld.idx.msk [tilespmem:v6+s16+$0x0], $0xffff;
	v6 =	vor.u32 $0xC, v1  }
0x3f9: {  	v31 =	vld.idx.msk [tilespmem:v27+s14+$0x0], $0xffff;
	v2 =	vadd.f32 v3, v2;
	v3 =	vmul.f32 v7, v26  }
0x3fa: {  	v32 =	vor.u32 $0xD, v1;
	v7 =	vld.idx.msk [tilespmem:v27+s16+$0x0], $0xffff  }
0x3fb: {  	v33 =	vld.idx.msk [tilespmem:v29+s14+$0x0], $0xffff;
	v2 =	vadd.f32 v3, v2;
	v3 =	vmul.f32 v4, v28  }
0x3fc: {  	v34 =	vor.u32 $0xE, v1;
	v4 =	vld.idx.msk [tilespmem:v29+s16+$0x0], $0xffff  }
0x3fd: {  	v35 =	vld.idx.msk [tilespmem:v6+s14+$0x0], $0xffff;
	v2 =	vadd.f32 v3, v2;
	v3 =	vmul.f32 v5, v30  }
0x3fe: {  	v5 =	vld.idx.msk [tilespmem:v6+s16+$0x0], $0xffff;
	v6 =	vor.u32 $0xF, v1  }
0x3ff: {  	v36 =	vld.idx.msk [tilespmem:v32+s14+$0x0], $0xffff;
	v2 =	vadd.f32 v3, v2;
	v3 =	vmul.f32 v7, v31  }
0x400: {  	v37 =	vor.u32 $0x10, v1;
	v7 =	vld.idx.msk [tilespmem:v32+s16+$0x0], $0xffff  }
0x401: {  	v38 =	vld.idx.msk [tilespmem:v34+s14+$0x0], $0xffff;
	v2 =	vadd.f32 v3, v2;
	v3 =	vmul.f32 v4, v33  }
0x402: {  	v39 =	vor.u32 $0x11, v1;
	v4 =	vld.idx.msk [tilespmem:v34+s16+$0x0], $0xffff  }
0x403: {  	v40 =	vld.idx.msk [tilespmem:v6+s14+$0x0], $0xffff;
	v2 =	vadd.f32 v3, v2;
	v3 =	vmul.f32 v5, v35  }
0x404: {  	v5 =	vld.idx.msk [tilespmem:v6+s16+$0x0], $0xffff;
	v6 =	vor.u32 $0x12, v1  }
0x405: {  	v41 =	vld.idx.msk [tilespmem:v37+s14+$0x0], $0xffff;
	v2 =	vadd.f32 v3, v2;
	v3 =	vmul.f32 v7, v36  }
0x406: {  	v42 =	vor.u32 $0x13, v1;
	v7 =	vld.idx.msk [tilespmem:v37+s16+$0x0], $0xffff  }
0x407: {  	v43 =	vld.idx.msk [tilespmem:v39+s14+$0x0], $0xffff;
	v2 =	vadd.f32 v3, v2;
	v3 =	vmul.f32 v4, v38  }
0x408: {  	v44 =	vor.u32 $0x14, v1;
	v4 =	vld.idx.msk [tilespmem:v39+s16+$0x0], $0xffff  }
0x409: {  	v45 =	vld.idx.msk [tilespmem:v6+s14+$0x0], $0xffff;
	v2 =	vadd.f32 v3, v2;
	v3 =	vmul.f32 v5, v40  }
0x40a: {  	v5 =	vld.idx.msk [tilespmem:v6+s16+$0x0], $0xffff;
	v6 =	vor.u32 $0x15, v1  }
0x40b: {  	v46 =	vld.idx.msk [tilespmem:v42+s14+$0x0], $0xffff;
	v2 =	vadd.f32 v3, v2;
	v3 =	vmul.f32 v7, v41  }
0x40c: {  	v47 =	vor.u32 $0x16, v1;
	v7 =	vld.idx.msk [tilespmem:v42+s16+$0x0], $0xffff  }
0x40d: {  	v48 =	vld.idx.msk [tilespmem:v44+s14+$0x0], $0xffff;
	v2 =	vadd.f32 v3, v2;
	v3 =	vmul.f32 v4, v43  }
0x40e: {  	v49 =	vor.u32 $0x17, v1;
	v4 =	vld.idx.msk [tilespmem:v44+s16+$0x0], $0xffff  }
0x40f: {  	v50 =	vld.idx.msk [tilespmem:v6+s14+$0x0], $0xffff;
	v2 =	vadd.f32 v3, v2;
	v3 =	vmul.f32 v5, v45  }
0x410: {  	v5 =	vld.idx.msk [tilespmem:v6+s16+$0x0], $0xffff;
	v6 =	vor.u32 $0x18, v1  }
0x411: {  	v51 =	vld.idx.msk [tilespmem:v47+s14+$0x0], $0xffff;
	v2 =	vadd.f32 v3, v2;
	v3 =	vmul.f32 v7, v46  }
0x412: {  	v52 =	vor.u32 $0x19, v1;
	v7 =	vld.idx.msk [tilespmem:v47+s16+$0x0], $0xffff  }
0x413: {  	v53 =	vld.idx.msk [tilespmem:v49+s14+$0x0], $0xffff;
	v2 =	vadd.f32 v3, v2;
	v3 =	vmul.f32 v4, v48  }
0x414: {  	v54 =	vor.u32 $0x1A, v1;
	v4 =	vld.idx.msk [tilespmem:v49+s16+$0x0], $0xffff  }
0x415: {  	v55 =	vld.idx.msk [tilespmem:v6+s14+$0x0], $0xffff;
	v2 =	vadd.f32 v3, v2;
	v3 =	vmul.f32 v5, v50  }
0x416: {  	v5 =	vld.idx.msk [tilespmem:v6+s16+$0x0], $0xffff;
	v6 =	vor.u32 $0x1B, v1  }
0x417: {  	v56 =	vld.idx.msk [tilespmem:v52+s14+$0x0], $0xffff;
	v2 =	vadd.f32 v3, v2;
	v3 =	vmul.f32 v7, v51  }
0x418: {  	v57 =	vor.u32 $0x1C, v1;
	v7 =	vld.idx.msk [tilespmem:v52+s16+$0x0], $0xffff  }
0x419: {  	v58 =	vld.idx.msk [tilespmem:v54+s14+$0x0], $0xffff;
	v2 =	vadd.f32 v3, v2;
	v3 =	vmul.f32 v4, v53  }
0x41a: {  	v4 =	vld.idx.msk [tilespmem:v54+s16+$0x0], $0xffff  }
0x41b: {  	v60 =	vld.idx.msk [tilespmem:v6+s14+$0x0], $0xffff;
	v2 =	vadd.f32 v3, v2;
	v3 =	vmul.f32 v5, v55  }
0x41c: {  	v59 =	vor.u32 $0x1D, v1;
	v5 =	vld.idx.msk [tilespmem:v6+s16+$0x0], $0xffff  }
0x41d: {  	v61 =	vld.idx.msk [tilespmem:v57+s14+$0x0], $0xffff;
	v2 =	vadd.f32 v3, v2;
	v3 =	vmul.f32 v7, v56  }
0x41e: {  	v6 =	vor.u32 $0x1E, v1;
	v7 =	vld.idx.msk [tilespmem:v57+s16+$0x0], $0xffff  }
0x41f: {  	v2 =	vadd.f32 v3, v2;
	v3 =	vmul.f32 v4, v58  }
0x420: {  	v1 =	vor.u32 $0x1F, v1  }
0x421: {  	v62 =	vld.idx.msk [tilespmem:v59+s14+$0x0], $0xffff;
	v2 =	vadd.f32 v3, v2;
	v3 =	vmul.f32 v5, v60  }
0x422: {  	v4 =	vld.idx.msk [tilespmem:v59+s16+$0x0], $0xffff  }
0x423: {  	v63 =	vld.idx.msk [tilespmem:v6+s14+$0x0], $0xffff;
	v2 =	vadd.f32 v3, v2;
	v3 =	vmul.f32 v7, v61  }
0x424: {  	v5 =	vld.idx.msk [tilespmem:v6+s16+$0x0], $0xffff  }
0x425: {  	v6 =	vadd.f32 v3, v2;
	v2 =	vld.idx.msk [tilespmem:v1+s14+$0x0], $0xffff  }
0x426: {  	v3 =	vld.idx.msk [tilespmem:v1+s16+$0x0], $0xffff  }
0x427: {  	v4 =	vmul.f32 v4, v62  }
0x428: {  	s31 =	simm.s32 $0x20  }
0x429: {  	v7 =	vmov s31;
	v5 =	vmul.f32 v5, v63;
	v4 =	vadd.f32 v4, v6  }
0x42a: {  	s26 =	simm.s32 $0x30;
	v1 =	vshll.u32 v7, $0x5  }
.LBB2_8:
0x42b: {  	p0 =	sne.s32 s26, $0x70;
	v1 =	vor.u32 v0, v1;
	v4 =	vadd.f32 v5, v4;
	v2 =	vmul.f32 v3, v2;
	_ =	sdelay $0x1  }
0x42c: {  	v3 =	vor.u32 $0x1, v1;
	v2 =	vadd.f32 v2, v4  }
0x42d: {  	s25 =	sadd.s32 $0x10, s25  }
0x42e: {  	v4 =	vor.u32 $0x2, v1;
	[tilespmem:s25+$0x0] =	vst v2  }
0x42f: {  	v2 =	vld.idx.msk [tilespmem:v1+s16+$0x0], $0xffff  }
0x430: {  	v6 =	vor.u32 $0x3, v1;
	v5 =	vld.idx.msk [tilespmem:v1+s14+$0x0], $0xffff  }
0x431: {  	v7 =	vld.idx.msk [tilespmem:v3+s14+$0x0], $0xffff  }
0x432: {  	v8 =	vor.u32 $0x4, v1;
	v3 =	vld.idx.msk [tilespmem:v3+s16+$0x0], $0xffff  }
0x433: {  	v9 =	vld.idx.msk [tilespmem:v4+s14+$0x0], $0xffff  }
0x434: {  	v10 =	vor.u32 $0x5, v1;
	v4 =	vld.idx.msk [tilespmem:v4+s16+$0x0], $0xffff  }
0x435: {  	v11 =	vld.idx.msk [tilespmem:v6+s14+$0x0], $0xffff  }
0x436: {  	v2 =	vmul.f32 v2, v5;
	v5 =	vld.idx.msk [tilespmem:v6+s16+$0x0], $0xffff;
	v6 =	vor.u32 $0x6, v1  }
0x437: {  	v12 =	vld.idx.msk [tilespmem:v8+s14+$0x0], $0xffff  }
0x438: {  	v2 =	vadd.f32 $0.0e+00, v2;
	v3 =	vmul.f32 v3, v7;
	v7 =	vld.idx.msk [tilespmem:v8+s16+$0x0], $0xffff;
	v8 =	vor.u32 $0x7, v1  }
0x439: {  	v13 =	vld.idx.msk [tilespmem:v10+s14+$0x0], $0xffff  }
0x43a: {  	v2 =	vadd.f32 v3, v2;
	v3 =	vmul.f32 v4, v9;
	v9 =	vor.u32 $0x8, v1;
	v4 =	vld.idx.msk [tilespmem:v10+s16+$0x0], $0xffff  }
0x43b: {  	v10 =	vld.idx.msk [tilespmem:v6+s14+$0x0], $0xffff  }
0x43c: {  	v2 =	vadd.f32 v3, v2;
	v3 =	vmul.f32 v5, v11;
	v5 =	vld.idx.msk [tilespmem:v6+s16+$0x0], $0xffff;
	v6 =	vor.u32 $0x9, v1  }
0x43d: {  	v11 =	vld.idx.msk [tilespmem:v8+s14+$0x0], $0xffff  }
0x43e: {  	v2 =	vadd.f32 v3, v2;
	v3 =	vmul.f32 v7, v12;
	v7 =	vld.idx.msk [tilespmem:v8+s16+$0x0], $0xffff;
	v8 =	vor.u32 $0xA, v1  }
0x43f: {  	v12 =	vld.idx.msk [tilespmem:v9+s14+$0x0], $0xffff  }
0x440: {  	v2 =	vadd.f32 v3, v2;
	v3 =	vmul.f32 v4, v13;
	v4 =	vld.idx.msk [tilespmem:v9+s16+$0x0], $0xffff;
	v9 =	vor.u32 $0xB, v1  }
0x441: {  	v13 =	vld.idx.msk [tilespmem:v6+s14+$0x0], $0xffff  }
0x442: {  	v2 =	vadd.f32 v3, v2;
	v3 =	vmul.f32 v5, v10;
	v5 =	vld.idx.msk [tilespmem:v6+s16+$0x0], $0xffff;
	v6 =	vor.u32 $0xC, v1  }
0x443: {  	v10 =	vld.idx.msk [tilespmem:v8+s14+$0x0], $0xffff  }
0x444: {  	v2 =	vadd.f32 v3, v2;
	v3 =	vmul.f32 v7, v11;
	v7 =	vld.idx.msk [tilespmem:v8+s16+$0x0], $0xffff;
	v8 =	vor.u32 $0xD, v1  }
0x445: {  	v11 =	vld.idx.msk [tilespmem:v9+s14+$0x0], $0xffff  }
0x446: {  	v2 =	vadd.f32 v3, v2;
	v3 =	vmul.f32 v4, v12;
	v4 =	vld.idx.msk [tilespmem:v9+s16+$0x0], $0xffff;
	v9 =	vor.u32 $0xE, v1  }
0x447: {  	v12 =	vld.idx.msk [tilespmem:v6+s14+$0x0], $0xffff  }
0x448: {  	v2 =	vadd.f32 v3, v2;
	v3 =	vmul.f32 v5, v13;
	v5 =	vld.idx.msk [tilespmem:v6+s16+$0x0], $0xffff;
	v6 =	vor.u32 $0xF, v1  }
0x449: {  	v13 =	vld.idx.msk [tilespmem:v8+s14+$0x0], $0xffff  }
0x44a: {  	v2 =	vadd.f32 v3, v2;
	v3 =	vmul.f32 v7, v10;
	v7 =	vld.idx.msk [tilespmem:v8+s16+$0x0], $0xffff;
	v8 =	vor.u32 $0x10, v1  }
0x44b: {  	v10 =	vld.idx.msk [tilespmem:v9+s14+$0x0], $0xffff  }
0x44c: {  	v2 =	vadd.f32 v3, v2;
	v3 =	vmul.f32 v4, v11;
	v4 =	vld.idx.msk [tilespmem:v9+s16+$0x0], $0xffff;
	v9 =	vor.u32 $0x11, v1  }
0x44d: {  	v11 =	vld.idx.msk [tilespmem:v6+s14+$0x0], $0xffff  }
0x44e: {  	v2 =	vadd.f32 v3, v2;
	v3 =	vmul.f32 v5, v12;
	v5 =	vld.idx.msk [tilespmem:v6+s16+$0x0], $0xffff;
	v6 =	vor.u32 $0x12, v1  }
0x44f: {  	v12 =	vld.idx.msk [tilespmem:v8+s14+$0x0], $0xffff  }
0x450: {  	v2 =	vadd.f32 v3, v2;
	v3 =	vmul.f32 v7, v13;
	v7 =	vld.idx.msk [tilespmem:v8+s16+$0x0], $0xffff;
	v8 =	vor.u32 $0x13, v1  }
0x451: {  	v13 =	vld.idx.msk [tilespmem:v9+s14+$0x0], $0xffff  }
0x452: {  	v2 =	vadd.f32 v3, v2;
	v3 =	vmul.f32 v4, v10;
	v4 =	vld.idx.msk [tilespmem:v9+s16+$0x0], $0xffff;
	v9 =	vor.u32 $0x14, v1  }
0x453: {  	v10 =	vld.idx.msk [tilespmem:v6+s14+$0x0], $0xffff  }
0x454: {  	v2 =	vadd.f32 v3, v2;
	v3 =	vmul.f32 v5, v11;
	v5 =	vld.idx.msk [tilespmem:v6+s16+$0x0], $0xffff;
	v6 =	vor.u32 $0x15, v1  }
0x455: {  	v11 =	vld.idx.msk [tilespmem:v8+s14+$0x0], $0xffff  }
0x456: {  	v2 =	vadd.f32 v3, v2;
	v3 =	vmul.f32 v7, v12;
	v7 =	vld.idx.msk [tilespmem:v8+s16+$0x0], $0xffff;
	v8 =	vor.u32 $0x16, v1  }
0x457: {  	v12 =	vld.idx.msk [tilespmem:v9+s14+$0x0], $0xffff  }
0x458: {  	v2 =	vadd.f32 v3, v2;
	v3 =	vmul.f32 v4, v13;
	v4 =	vld.idx.msk [tilespmem:v9+s16+$0x0], $0xffff;
	v9 =	vor.u32 $0x17, v1  }
0x459: {  	v13 =	vld.idx.msk [tilespmem:v6+s14+$0x0], $0xffff  }
0x45a: {  	v2 =	vadd.f32 v3, v2;
	v3 =	vmul.f32 v5, v10;
	v5 =	vld.idx.msk [tilespmem:v6+s16+$0x0], $0xffff;
	v6 =	vor.u32 $0x18, v1  }
0x45b: {  	v10 =	vld.idx.msk [tilespmem:v8+s14+$0x0], $0xffff  }
0x45c: {  	v2 =	vadd.f32 v3, v2;
	v3 =	vmul.f32 v7, v11;
	v7 =	vld.idx.msk [tilespmem:v8+s16+$0x0], $0xffff;
	v8 =	vor.u32 $0x19, v1  }
0x45d: {  	v11 =	vld.idx.msk [tilespmem:v9+s14+$0x0], $0xffff  }
0x45e: {  	v2 =	vadd.f32 v3, v2;
	v3 =	vmul.f32 v4, v12;
	v4 =	vld.idx.msk [tilespmem:v9+s16+$0x0], $0xffff;
	v9 =	vor.u32 $0x1A, v1  }
0x45f: {  	v12 =	vld.idx.msk [tilespmem:v6+s14+$0x0], $0xffff  }
0x460: {  	v2 =	vadd.f32 v3, v2;
	v3 =	vmul.f32 v5, v13;
	v5 =	vld.idx.msk [tilespmem:v6+s16+$0x0], $0xffff;
	v6 =	vor.u32 $0x1B, v1  }
0x461: {  	v13 =	vld.idx.msk [tilespmem:v8+s14+$0x0], $0xffff  }
0x462: {  	v2 =	vadd.f32 v3, v2;
	v3 =	vmul.f32 v7, v10;
	v7 =	vld.idx.msk [tilespmem:v8+s16+$0x0], $0xffff;
	v8 =	vor.u32 $0x1C, v1  }
0x463: {  	v10 =	vld.idx.msk [tilespmem:v9+s14+$0x0], $0xffff  }
0x464: {  	v2 =	vadd.f32 v3, v2;
	v3 =	vmul.f32 v4, v11;
	v4 =	vld.idx.msk [tilespmem:v9+s16+$0x0], $0xffff;
	v9 =	vor.u32 $0x1D, v1  }
0x465: {  	v11 =	vld.idx.msk [tilespmem:v6+s14+$0x0], $0xffff  }
0x466: {  	v2 =	vadd.f32 v3, v2;
	v3 =	vmul.f32 v5, v12;
	v5 =	vld.idx.msk [tilespmem:v6+s16+$0x0], $0xffff;
	v6 =	vor.u32 $0x1E, v1  }
0x467: {  	v12 =	vld.idx.msk [tilespmem:v8+s14+$0x0], $0xffff  }
0x468: {  	v1 =	vor.u32 $0x1F, v1;
	v2 =	vadd.f32 v3, v2;
	v3 =	vmul.f32 v7, v13;
	v7 =	vld.idx.msk [tilespmem:v8+s16+$0x0], $0xffff  }
0x469: {  	v8 =	vld.idx.msk [tilespmem:v9+s14+$0x0], $0xffff  }
0x46a: {  	v2 =	vadd.f32 v3, v2;
	v3 =	vmul.f32 v4, v10;
	v4 =	vld.idx.msk [tilespmem:v9+s16+$0x0], $0xffff  }
0x46b: {  	v9 =	vld.idx.msk [tilespmem:v6+s14+$0x0], $0xffff  }
0x46c: {  	v3 =	vadd.f32 v3, v2;
	v5 =	vmul.f32 v5, v11;
	v6 =	vld.idx.msk [tilespmem:v6+s16+$0x0], $0xffff  }
0x46d: {  	v2 =	vld.idx.msk [tilespmem:v1+s14+$0x0], $0xffff  }
0x46e: {  	v5 =	vadd.f32 v5, v3;
	v7 =	vmul.f32 v7, v12;
	v3 =	vld.idx.msk [tilespmem:v1+s16+$0x0], $0xffff  }
.Ltmp3:
0x46f: {  	(pc) =	sbr.rel @p0 .LBB2_8-.Ltmp3, $3  }
0x470: {  	v1 =	vadd.f32 v7, v5;
	v4 =	vmul.f32 v4, v8;
	_ =	sdelay $0x1  }
0x471: {  	v7 =	vmov s26;
	v4 =	vadd.f32 v4, v1;
	v5 =	vmul.f32 v6, v9  }
0x472: {  	s26 =	sadd.s32 $0x10, s26;
	v1 =	vshll.u32 v7, $0x5  }
0x473: {  	v1 =	vor.u32 v0, v1;
	v4 =	vadd.f32 v5, v4;
	v2 =	vmul.f32 v3, v2;
	_ =	sdelay $0x1  }
0x474: {  	v3 =	vor.u32 $0x1, v1;
	v2 =	vadd.f32 v2, v4  }
0x475: {  	s25 =	sadd.s32 $0x10, s25  }
0x476: {  	v31 =	vor.u32 $0x2, v1;
	[tilespmem:s25+$0x0] =	vst v2  }
0x477: {  	v2 =	vld.idx.msk [tilespmem:v1+s16+$0x0], $0xffff  }
0x478: {  	v6 =	vor.u32 $0x3, v1;
	v32 =	vld.idx.msk [tilespmem:v1+s14+$0x0], $0xffff  }
0x479: {  	v7 =	vld.idx.msk [tilespmem:v3+s14+$0x0], $0xffff  }
0x47a: {  	v8 =	vor.u32 $0x4, v1;
	v3 =	vld.idx.msk [tilespmem:v3+s16+$0x0], $0xffff  }
0x47b: {  	v9 =	vld.idx.msk [tilespmem:v31+s14+$0x0], $0xffff  }
0x47c: {  	v10 =	vor.u32 $0x5, v1;
	v4 =	vld.idx.msk [tilespmem:v31+s16+$0x0], $0xffff  }
0x47d: {  	v11 =	vld.idx.msk [tilespmem:v6+s14+$0x0], $0xffff;
	v2 =	vmul.f32 v2, v32  }
0x47e: {  	v34 =	vor.u32 $0x6, v1;
	v33 =	vld.idx.msk [tilespmem:v6+s16+$0x0], $0xffff  }
0x47f: {  	v12 =	vld.idx.msk [tilespmem:v8+s14+$0x0], $0xffff;
	v3 =	vmul.f32 v3, v7;
	v2 =	vadd.f32 $0.0e+00, v2  }
0x480: {  	v36 =	vor.u32 $0x7, v1;
	v35 =	vld.idx.msk [tilespmem:v8+s16+$0x0], $0xffff  }
0x481: {  	v13 =	vld.idx.msk [tilespmem:v10+s14+$0x0], $0xffff;
	v2 =	vadd.f32 v3, v2;
	v3 =	vmul.f32 v4, v9  }
0x482: {  	v38 =	vor.u32 $0x8, v1;
	v37 =	vld.idx.msk [tilespmem:v10+s16+$0x0], $0xffff  }
0x483: {  	v39 =	vld.idx.msk [tilespmem:v34+s14+$0x0], $0xffff;
	v2 =	vadd.f32 v3, v2;
	v3 =	vmul.f32 v33, v11  }
0x484: {  	v41 =	vor.u32 $0x9, v1;
	v40 =	vld.idx.msk [tilespmem:v34+s16+$0x0], $0xffff  }
0x485: {  	v42 =	vld.idx.msk [tilespmem:v36+s14+$0x0], $0xffff;
	v2 =	vadd.f32 v3, v2;
	v3 =	vmul.f32 v35, v12  }
0x486: {  	v44 =	vor.u32 $0xA, v1;
	v43 =	vld.idx.msk [tilespmem:v36+s16+$0x0], $0xffff  }
0x487: {  	v45 =	vld.idx.msk [tilespmem:v38+s14+$0x0], $0xffff;
	v2 =	vadd.f32 v3, v2;
	v3 =	vmul.f32 v37, v13  }
0x488: {  	v47 =	vor.u32 $0xB, v1;
	v46 =	vld.idx.msk [tilespmem:v38+s16+$0x0], $0xffff  }
0x489: {  	v48 =	vld.idx.msk [tilespmem:v41+s14+$0x0], $0xffff;
	v2 =	vadd.f32 v3, v2;
	v3 =	vmul.f32 v40, v39  }
0x48a: {  	v50 =	vor.u32 $0xC, v1;
	v49 =	vld.idx.msk [tilespmem:v41+s16+$0x0], $0xffff  }
0x48b: {  	v51 =	vld.idx.msk [tilespmem:v44+s14+$0x0], $0xffff;
	v2 =	vadd.f32 v3, v2;
	v3 =	vmul.f32 v43, v42  }
0x48c: {  	v53 =	vor.u32 $0xD, v1;
	v52 =	vld.idx.msk [tilespmem:v44+s16+$0x0], $0xffff  }
0x48d: {  	v54 =	vld.idx.msk [tilespmem:v47+s14+$0x0], $0xffff;
	v2 =	vadd.f32 v3, v2;
	v3 =	vmul.f32 v46, v45  }
0x48e: {  	v56 =	vor.u32 $0xE, v1;
	v55 =	vld.idx.msk [tilespmem:v47+s16+$0x0], $0xffff  }
0x48f: {  	v57 =	vld.idx.msk [tilespmem:v50+s14+$0x0], $0xffff;
	v2 =	vadd.f32 v3, v2;
	v3 =	vmul.f32 v49, v48  }
0x490: {  	v59 =	vor.u32 $0xF, v1;
	v58 =	vld.idx.msk [tilespmem:v50+s16+$0x0], $0xffff  }
0x491: {  	v60 =	vld.idx.msk [tilespmem:v53+s14+$0x0], $0xffff;
	v2 =	vadd.f32 v3, v2;
	v3 =	vmul.f32 v52, v51  }
0x492: {  	v62 =	vor.u32 $0x10, v1;
	v61 =	vld.idx.msk [tilespmem:v53+s16+$0x0], $0xffff  }
0x493: {  	v63 =	vld.idx.msk [tilespmem:v56+s14+$0x0], $0xffff;
	v2 =	vadd.f32 v3, v2;
	v3 =	vmul.f32 v55, v54  }
0x494: {  	v17 =	vor.u32 $0x11, v1;
	v16 =	vld.idx.msk [tilespmem:v56+s16+$0x0], $0xffff  }
0x495: {  	v18 =	vld.idx.msk [tilespmem:v59+s14+$0x0], $0xffff;
	v2 =	vadd.f32 v3, v2;
	v3 =	vmul.f32 v58, v57  }
0x496: {  	v20 =	vor.u32 $0x12, v1;
	v19 =	vld.idx.msk [tilespmem:v59+s16+$0x0], $0xffff  }
0x497: {  	v21 =	vld.idx.msk [tilespmem:v62+s14+$0x0], $0xffff;
	v2 =	vadd.f32 v3, v2;
	v3 =	vmul.f32 v61, v60  }
0x498: {  	v23 =	vor.u32 $0x13, v1;
	v22 =	vld.idx.msk [tilespmem:v62+s16+$0x0], $0xffff  }
0x499: {  	v24 =	vld.idx.msk [tilespmem:v17+s14+$0x0], $0xffff;
	v2 =	vadd.f32 v3, v2;
	v3 =	vmul.f32 v16, v63  }
0x49a: {  	v26 =	vor.u32 $0x14, v1;
	v25 =	vld.idx.msk [tilespmem:v17+s16+$0x0], $0xffff  }
0x49b: {  	v27 =	vld.idx.msk [tilespmem:v20+s14+$0x0], $0xffff;
	v2 =	vadd.f32 v3, v2;
	v3 =	vmul.f32 v19, v18  }
0x49c: {  	v29 =	vor.u32 $0x15, v1;
	v28 =	vld.idx.msk [tilespmem:v20+s16+$0x0], $0xffff  }
0x49d: {  	v30 =	vld.idx.msk [tilespmem:v23+s14+$0x0], $0xffff;
	v2 =	vadd.f32 v3, v2;
	v3 =	vmul.f32 v22, v21  }
0x49e: {  	v31 =	vld.idx.msk [tilespmem:v23+s16+$0x0], $0xffff;
	v32 =	vor.u32 $0x16, v1  }
0x49f: {  	v34 =	vld.idx.msk [tilespmem:v26+s16+$0x0], $0xffff;
	v2 =	vadd.f32 v3, v2;
	v3 =	vmul.f32 v25, v24  }
0x4a0: {  	v33 =	vld.idx.msk [tilespmem:v26+s14+$0x0], $0xffff;
	v35 =	vor.u32 $0x17, v1  }
0x4a1: {  	v36 =	vld.idx.msk [tilespmem:v29+s14+$0x0], $0xffff;
	v2 =	vadd.f32 v3, v2;
	v3 =	vmul.f32 v28, v27  }
0x4a2: {  	v38 =	vor.u32 $0x18, v1;
	v37 =	vld.idx.msk [tilespmem:v29+s16+$0x0], $0xffff  }
0x4a3: {  	v39 =	vld.idx.msk [tilespmem:v32+s14+$0x0], $0xffff;
	v2 =	vadd.f32 v3, v2;
	v3 =	vmul.f32 v31, v30  }
0x4a4: {  	v41 =	vor.u32 $0x19, v1;
	v40 =	vld.idx.msk [tilespmem:v32+s16+$0x0], $0xffff  }
0x4a5: {  	v42 =	vld.idx.msk [tilespmem:v35+s14+$0x0], $0xffff;
	v2 =	vadd.f32 v3, v2;
	v3 =	vmul.f32 v34, v33  }
0x4a6: {  	v44 =	vor.u32 $0x1A, v1;
	v43 =	vld.idx.msk [tilespmem:v35+s16+$0x0], $0xffff  }
0x4a7: {  	v45 =	vld.idx.msk [tilespmem:v38+s14+$0x0], $0xffff;
	v2 =	vadd.f32 v3, v2;
	v3 =	vmul.f32 v37, v36  }
0x4a8: {  	v47 =	vor.u32 $0x1B, v1;
	v46 =	vld.idx.msk [tilespmem:v38+s16+$0x0], $0xffff  }
0x4a9: {  	v48 =	vld.idx.msk [tilespmem:v41+s14+$0x0], $0xffff;
	v2 =	vadd.f32 v3, v2;
	v3 =	vmul.f32 v40, v39  }
0x4aa: {  	v50 =	vor.u32 $0x1C, v1;
	v49 =	vld.idx.msk [tilespmem:v41+s16+$0x0], $0xffff  }
0x4ab: {  	v51 =	vld.idx.msk [tilespmem:v44+s14+$0x0], $0xffff;
	v2 =	vadd.f32 v3, v2;
	v3 =	vmul.f32 v43, v42  }
0x4ac: {  	v53 =	vor.u32 $0x1D, v1;
	v52 =	vld.idx.msk [tilespmem:v44+s16+$0x0], $0xffff  }
0x4ad: {  	v54 =	vld.idx.msk [tilespmem:v47+s14+$0x0], $0xffff;
	v2 =	vadd.f32 v3, v2;
	v3 =	vmul.f32 v46, v45  }
0x4ae: {  	v56 =	vor.u32 $0x1E, v1;
	v55 =	vld.idx.msk [tilespmem:v47+s16+$0x0], $0xffff  }
0x4af: {  	v57 =	vld.idx.msk [tilespmem:v50+s14+$0x0], $0xffff;
	v2 =	vadd.f32 v3, v2;
	v3 =	vmul.f32 v49, v48  }
0x4b0: {  	v1 =	vor.u32 $0x1F, v1;
	v58 =	vld.idx.msk [tilespmem:v50+s16+$0x0], $0xffff  }
0x4b1: {  	v59 =	vld.idx.msk [tilespmem:v53+s14+$0x0], $0xffff;
	v2 =	vadd.f32 v3, v2;
	v3 =	vmul.f32 v52, v51  }
0x4b2: {  	v60 =	vld.idx.msk [tilespmem:v53+s16+$0x0], $0xffff  }
0x4b3: {  	v62 =	vld.idx.msk [tilespmem:v56+s16+$0x0], $0xffff;
	v2 =	vadd.f32 v3, v2;
	v3 =	vmul.f32 v55, v54  }
0x4b4: {  	v61 =	vld.idx.msk [tilespmem:v56+s14+$0x0], $0xffff  }
0x4b5: {  	v63 =	vld.idx.msk [tilespmem:v1+s14+$0x0], $0xffff;
	v2 =	vadd.f32 v3, v2;
	v3 =	vmul.f32 v58, v57  }
0x4b6: {  	v1 =	vld.idx.msk [tilespmem:v1+s16+$0x0], $0xffff  }
0x4b7: {  	v2 =	vadd.f32 v3, v2;
	v3 =	vmul.f32 v60, v59;
	_ =	sdelay $0x1  }
0x4b8: {  	v2 =	vadd.f32 v3, v2;
	v3 =	vmul.f32 v62, v61;
	_ =	sdelay $0x1  }
0x4b9: {  	v1 =	vmul.f32 v1, v63;
	v2 =	vadd.f32 v3, v2;
	_ =	sdelay $0x1  }
0x4ba: {  	s24 =	sadd.s32 $0x1, s24;
	v1 =	vadd.f32 v1, v2  }
0x4bb: {  	p0 =	sne.s32 s24, s8;
	s25 =	sadd.s32 $0x10, s25  }
.Ltmp4:
0x4bc: {  	[tilespmem:s25+$0x0] =	vst v1;
	(pc) =	sbr.rel @p0 .LBB2_1-.Ltmp4, $4  }
0x4bd: {  	[hbm4b:s7+s1] =	stream.linear.scatter [tilespmem:s23], [sflag:$0x3], $0x200, $0x38;
	[tilespmem:$0x4600] =	vst v63  }
0x4be: {  	_ =	swait.ge [sflag:s9], $0x200  }
0x4bf: {  	[sflag:s9] =	ssyncset.done $0x0  }
0x4c0: {  	[sflag:s9] =	ssyncadd.s32 $0xFFFFFE00  }
0x4c1: {  	_ =	sfence.sel $0x180000  }
0x4c2: {  	[bflag:$0x0] =	sbarrier.arrive $0xFFFF  }
0x4c3: {  	p0 =	sne.s32 s2, $0x0;
	_ =	strace $0x90000047  }
0x4c4: {  	s0 =	sadd.s32 @!p0 $0x100000, s0;
	[bflag:$0x2] =	sbarrier.arrive $0xFFFF  }
0x4c5: {  	[sflag:s0] =	ssyncadd.tile.s32 @!p0 $0x1;
	_ =	shalt  }
.Lfunc_end2:
_tile_overlayer_lowered:
.L_overlay_start_2:
0x4c6: {  	(tag) =	ssettag $0x2  }
0x4c7: {  	s0 =	rddreg [dreg:$0x0];
	s2 =	stileid.u32  }
0x4c8: {  	s1 =	rddreg [dreg:$0x1];
	p0 =	sne.s32 s2, $0x0  }
0x4c9: {  	s3 =	rddreg [dreg:$0x2];
	[bflag:$0x3] =	sbarrier.arrive $0xFFFF;
	s2 =	simm.s32 @!p0 $0x1C03  }
0x4ca: {  	[timem:s3], [sflag:s2] =	dma.local @!p0 [hbm:s0], s1  }
0x4cb: {  	s0 =	simm.s32 @!p0 $0x3  }
0x4cc: {  	_ =	swait.ge @!p0 [sflag:s0], s1  }
0x4cd: {  	s1 =	ssub.s32 @!p0 $0x0, s1;
	[sflag:s0] =	ssyncset.done @!p0 $0x0  }
0x4ce: {  	[sflag:s0] =	ssyncadd.s32 @!p0 s1  }
0x4cf: {  	[bflag:$0x3] =	sbarrier.arrive $0xFFFF  }
0x4d0: {  	_ =	shalt  }

</sc_bundles>
